<compile_context>
chip_gen: v7x
topology: tpu7x:2x2x1
jax: 0.10.2.dev20260603
libtpu: 0.0.44.dev20260713+nightly
codegen_flags: <defaults>
</compile_context>

<pallas_src>
import functools

import jax
import jax.numpy as jnp
from jax import lax
from jax.experimental import pallas as pl
from jax.experimental.pallas import tpu as pltpu
from jax.experimental.pallas import tpu_sc as plsc

N = 10000
E = 320000
D = 128
H = 8
C = 8
HD = H * C
WD = 128
NEG = 0.2

NC = 2
NS = 16
NW = NC * NS
ET = E // NW
CH = 80
NCHUNK = ET // CH
NPAIR = NCHUNK // 2
RPT = 624

_MM = dict(preferred_element_type=jnp.float32, precision=lax.Precision.HIGHEST)



def _start_body(x_ref, w_ref, p_ref, xpaug_ref):
    xp = jnp.dot(x_ref[...], w_ref[...], **_MM)
    xpaug_ref[...] = jnp.dot(xp, p_ref[...], **_MM)


def _bridge_body(accA_ref, accB_ref, xpaug_ref, b_ref, w_ref,
                 p_ref, r8_ref, xpaug_o_ref):
    accA = accA_ref[...]
    accB = accB_ref[...]
    xpaug = xpaug_ref[...]
    num = accA[:, :64] + accB[:, :64]
    den = accA[:, 64:72] + accB[:, 64:72]
    alpha = xpaug[:, 64:72] + xpaug[:, 80:88]
    exs = jnp.exp(jnp.where(alpha >= 0, alpha, NEG * alpha))
    r8 = r8_ref[...]
    num = num + xpaug[:, :64] * jnp.dot(exs, r8, **_MM)
    den = den + exs
    h = num / jnp.dot(den, r8, **_MM) + b_ref[...]
    xpaug_o_ref[...] = jnp.dot(jnp.dot(h, w_ref[...], **_MM), p_ref[...], **_MM)


def _finish_body(accA_ref, accB_ref, xpaug_ref, b_ref, r8_ref, out_ref):
    accA = accA_ref[...]
    accB = accB_ref[...]
    xpaug = xpaug_ref[...]
    num = accA[:, :64] + accB[:, :64]
    den = accA[:, 64:72] + accB[:, 64:72]
    alpha = xpaug[:, 64:72] + xpaug[:, 80:88]
    exs = jnp.exp(jnp.where(alpha >= 0, alpha, NEG * alpha))
    r8 = r8_ref[...]
    num = num + xpaug[:, :64] * jnp.dot(exs, r8, **_MM)
    den = den + exs
    h = num / jnp.dot(den, r8, **_MM) + b_ref[...]
    m = jnp.max(h, axis=1, keepdims=True)
    lse = m + jnp.log(jnp.sum(jnp.exp(h - m), axis=1, keepdims=True))
    out_ref[...] = h - lse


_BLK = 1000
_GRID = N // _BLK


def _row_spec(width):
    return pl.BlockSpec((_BLK, width), lambda i: (i, 0))


def _full_spec(shape):
    return pl.BlockSpec(shape, lambda i: tuple(0 for _ in shape))


def _tc_start(x, w, p):
    return pl.pallas_call(
        _start_body,
        grid=(_GRID,),
        in_specs=[_row_spec(D), _full_spec((D, HD)), _full_spec((HD, WD))],
        out_specs=_row_spec(WD),
        out_shape=jax.ShapeDtypeStruct((N, WD), jnp.float32),
    )(x, w, p)


def _tc_bridge(accA, accB, xpaug, b, w, p, r8):
    return pl.pallas_call(
        _bridge_body,
        grid=(_GRID,),
        in_specs=[_row_spec(WD), _row_spec(WD), _row_spec(WD),
                  _full_spec((1, HD)), _full_spec((HD, HD)),
                  _full_spec((HD, WD)), _full_spec((H, HD))],
        out_specs=_row_spec(WD),
        out_shape=jax.ShapeDtypeStruct((N, WD), jnp.float32),
    )(accA, accB, xpaug, b, w, p, r8)


def _tc_finish(accA, accB, xpaug, b, r8):
    return pl.pallas_call(
        _finish_body,
        grid=(_GRID,),
        in_specs=[_row_spec(WD), _row_spec(WD), _row_spec(WD),
                  _full_spec((1, HD)), _full_spec((H, HD))],
        out_specs=_row_spec(HD),
        out_shape=jax.ShapeDtypeStruct((N, HD), jnp.float32),
    )(accA, accB, xpaug, b, r8)



def _sc_edge_body(src_hbm, dst_hbm, xpaug_hbm, zeros_hbm, out_hbm,
                  acc, srcvA, dstvA, rowsSA, rowsDA,
                  srcvB, dstvB, rowsSB, rowsDB,
                  semSA, semDA, semSB, semDB):
    c = lax.axis_index("c")
    s = lax.axis_index("s")
    wid = c * NS + s

    pltpu.sync_copy(zeros_hbm.at[pl.ds(s * RPT, RPT)],
                    acc.at[pl.ds(s * RPT, RPT)])

    @pl.when(s == NS - 1)
    def _():
        pltpu.sync_copy(zeros_hbm.at[pl.ds(NS * RPT, N - NS * RPT)],
                        acc.at[pl.ds(NS * RPT, N - NS * RPT)])

    plsc.subcore_barrier()

    iota = lax.iota(jnp.int32, 16)
    lane_lt8 = iota < 8
    base = wid * ET

    def compute_scatter(rowsS, rowsD, dstv):
        def edge_body(e, cc):
            va = rowsS[e, pl.ds(64, 16)]
            vd = rowsD[e, pl.ds(80, 16)]
            al = va + vd
            ex = jnp.exp(jnp.where(al >= 0, al, NEG * al))
            es = [jnp.broadcast_to(ex[j], (16,)) for j in range(8)]
            for k in range(4):
                v = rowsS[e, pl.ds(k * 16, 16)]
                exb = jnp.where(lane_lt8, es[2 * k], es[2 * k + 1])
                rowsS[e, pl.ds(k * 16, 16)] = v * exb
            rowsS[e, pl.ds(64, 16)] = ex
            return cc

        lax.fori_loop(0, CH, edge_body, 0)
        pltpu.sync_copy(rowsS, acc.at[dstv], add=True)

    def issue(i, srcv, dstv, rowsS, rowsD, semS, semD):
        off = base + i * CH
        pltpu.sync_copy(src_hbm.at[pl.ds(off, CH)], srcv)
        pltpu.sync_copy(dst_hbm.at[pl.ds(off, CH)], dstv)
        pltpu.make_async_copy(xpaug_hbm.at[srcv], rowsS, semS).start()
        pltpu.make_async_copy(xpaug_hbm.at[dstv], rowsD, semD).start()

    def waitA():
        pltpu.make_async_copy(xpaug_hbm.at[srcvA], rowsSA, semSA).wait()
        pltpu.make_async_copy(xpaug_hbm.at[dstvA], rowsDA, semDA).wait()

    def waitB():
        pltpu.make_async_copy(xpaug_hbm.at[srcvB], rowsSB, semSB).wait()
        pltpu.make_async_copy(xpaug_hbm.at[dstvB], rowsDB, semDB).wait()

    issue(0, srcvA, dstvA, rowsSA, rowsDA, semSA, semDA)

    def pair_body(j, carry):
        issue(2 * j + 1, srcvB, dstvB, rowsSB, rowsDB, semSB, semDB)
        waitA()
        compute_scatter(rowsSA, rowsDA, dstvA)
        issue(2 * j + 2, srcvA, dstvA, rowsSA, rowsDA, semSA, semDA)
        waitB()
        compute_scatter(rowsSB, rowsDB, dstvB)
        return carry

    lax.fori_loop(0, NPAIR, pair_body, 0)
    waitA()
    compute_scatter(rowsSA, rowsDA, dstvA)

    plsc.subcore_barrier()
    pltpu.sync_copy(acc.at[pl.ds(s * RPT, RPT)],
                    out_hbm.at[c, pl.ds(s * RPT, RPT)])

    @pl.when(s == NS - 1)
    def _():
        pltpu.sync_copy(acc.at[pl.ds(NS * RPT, N - NS * RPT)],
                        out_hbm.at[c, pl.ds(NS * RPT, N - NS * RPT)])


_sc_edge = functools.partial(
    pl.kernel,
    out_type=jax.ShapeDtypeStruct((NC, N, WD), jnp.float32),
    mesh=plsc.VectorSubcoreMesh(core_axis_name="c", subcore_axis_name="s"),
    scratch_types=[
        pltpu.VMEM_SHARED((N, WD), jnp.float32),
        pltpu.VMEM((CH,), jnp.int32),
        pltpu.VMEM((CH,), jnp.int32),
        pltpu.VMEM((CH, WD), jnp.float32),
        pltpu.VMEM((CH, WD), jnp.float32),
        pltpu.VMEM((CH,), jnp.int32),
        pltpu.VMEM((CH,), jnp.int32),
        pltpu.VMEM((CH, WD), jnp.float32),
        pltpu.VMEM((CH, WD), jnp.float32),
        pltpu.SemaphoreType.DMA,
        pltpu.SemaphoreType.DMA,
        pltpu.SemaphoreType.DMA,
        pltpu.SemaphoreType.DMA,
    ],
)(_sc_edge_body)



def _build_p(att_src, att_dst):
    p = jnp.zeros((HD, WD), jnp.float32)
    p = p.at[:, :HD].set(jnp.eye(HD, dtype=jnp.float32))
    rows = jnp.arange(HD)
    heads = rows // C
    p = p.at[rows, 64 + heads].set(att_src.reshape(-1))
    p = p.at[rows, 80 + heads].set(att_dst.reshape(-1))
    return p


def kernel(x, edge_index, W1, att_src1, att_dst1, b1, W2, att_src2, att_dst2, b2):
    src = edge_index[0].astype(jnp.int32)
    dst = edge_index[1].astype(jnp.int32)
    p1 = _build_p(att_src1, att_dst1)
    p2 = _build_p(att_src2, att_dst2)
    r8 = jnp.repeat(jnp.eye(H, dtype=jnp.float32), C, axis=1)
    zeros = jnp.zeros((N, WD), jnp.float32)
    b1r = b1.reshape(1, HD)
    b2r = b2.reshape(1, HD)

    xpaug1 = _tc_start(x, W1, p1)
    acc1 = _sc_edge(src, dst, xpaug1, zeros)
    xpaug2 = _tc_bridge(acc1[0], acc1[1], xpaug1, b1r, W2, p2, r8)
    acc2 = _sc_edge(src, dst, xpaug2, zeros)
    xpaug3 = _tc_bridge(acc2[0], acc2[1], xpaug2, b2r, W2, p2, r8)
    acc3 = _sc_edge(src, dst, xpaug3, zeros)
    return _tc_finish(acc3[0], acc3[1], xpaug3, b2r, r8)

# --- scband reference (transcript-rebuilt; emitter-appended) ---
"""Pipeline reference for scband-rwgat-3358664425978 (READ-ONLY COPY).

The authoritative reference and input builder live on the scoring server;
editing this copy changes nothing except your own understanding.
"""

import jax, jax.numpy as jnp
import numpy as np

NUM_NODES = 10000
NUM_EDGES = 320000
D_FEAT = 128
DIM_H = 8
HEADS = 8
NEG_SLOPE = 0.2


def gat_conv(x, edge_index, W, att_src, att_dst, bias, heads, out_ch):
    # x: [N, in], W: [in, heads*out_ch], att_*: [heads, out_ch], bias: [heads*out_ch]
    n = x.shape[0]
    xp = (x @ W).reshape(n, heads, out_ch)
    # add self loops (PyG GATConv default add_self_loops=True)
    loop = jnp.arange(n, dtype=edge_index.dtype)
    src = jnp.concatenate([edge_index[0], loop])
    dst = jnp.concatenate([edge_index[1], loop])
    a_src = (xp * att_src[None, :, :]).sum(-1)  # [N, H]
    a_dst = (xp * att_dst[None, :, :]).sum(-1)  # [N, H]
    alpha = a_src[src] + a_dst[dst]             # [E, H]
    alpha = jax.nn.leaky_relu(alpha, NEG_SLOPE)
    # softmax over incoming edges per destination node, per head
    amax = jax.ops.segment_max(alpha, dst, num_segments=n)
    amax = jnp.where(jnp.isfinite(amax), amax, 0.0)
    ex = jnp.exp(alpha - amax[dst])
    denom = jax.ops.segment_sum(ex, dst, num_segments=n)
    coef = ex / (denom[dst] + 1e-16)            # [E, H]
    msg = xp[src] * coef[:, :, None]            # [E, H, C]
    out = jax.ops.segment_sum(msg, dst, num_segments=n)  # [N, H, C]
    return out.reshape(n, heads * out_ch) + bias


def setup_inputs(seed: int = 0) -> dict:
    key = jax.random.key(seed)
    ks = jax.random.split(key, 12)
    x = jax.random.normal(ks[0], (NUM_NODES, D_FEAT), dtype=jnp.float32)
    edge_index = jax.random.randint(ks[1], (2, NUM_EDGES), 0, NUM_NODES, dtype=jnp.int64)
    hdim = DIM_H * HEADS  # 64
    s1 = 1.0 / np.sqrt(D_FEAT)
    s2 = 1.0 / np.sqrt(hdim)
    W1 = jax.random.uniform(ks[2], (D_FEAT, hdim), jnp.float32, -s1, s1)
    att_src1 = jax.random.uniform(ks[3], (HEADS, DIM_H), jnp.float32, -s2, s2)
    att_dst1 = jax.random.uniform(ks[4], (HEADS, DIM_H), jnp.float32, -s2, s2)
    b1 = jnp.zeros((hdim,), jnp.float32)
    W2 = jax.random.uniform(ks[5], (hdim, hdim), jnp.float32, -s2, s2)
    att_src2 = jax.random.uniform(ks[6], (HEADS, DIM_H), jnp.float32, -s2, s2)
    att_dst2 = jax.random.uniform(ks[7], (HEADS, DIM_H), jnp.float32, -s2, s2)
    b2 = jnp.zeros((hdim,), jnp.float32)
    return {
        "x": x, "edge_index": edge_index,
        "W1": W1, "att_src1": att_src1, "att_dst1": att_dst1, "b1": b1,
        "W2": W2, "att_src2": att_src2, "att_dst2": att_dst2, "b2": b2,
    }


def reference(x, edge_index, W1, att_src1, att_dst1, b1, W2, att_src2, att_dst2, b2):
    # policy='none' -> rewirer is None, edge_index is used unchanged for all layers.
    # Note: the model reuses conv2 for both the second and third layers (weight sharing);
    # conv3 is defined but never used in forward.
    h1 = gat_conv(x, edge_index, W1, att_src1, att_dst1, b1, HEADS, DIM_H)
    h2 = gat_conv(h1, edge_index, W2, att_src2, att_dst2, b2, HEADS, DIM_H)
    h3 = gat_conv(h2, edge_index, W2, att_src2, att_dst2, b2, HEADS, DIM_H)
    return jax.nn.log_softmax(h3, axis=1)

if __name__ == "__main__":
    import jax
    _d = setup_inputs()
    print(jax.jit(kernel)(*tuple(_d.values())))

</pallas_src>

<mosaic_0001>
#map = affine_map<(d0, d1) -> (0)>
#map1 = affine_map<(d0, d1) -> (0, 0)>
#map2 = affine_map<(d0, d1) -> (0, 0, 0)>
module attributes {stable_mosaic.version = 14 : i64} {
  func.func @_sc_edge_body(%arg0: i32, %arg1: i32, %arg2: memref<320000xi32, #tpu.memory_space<hbm>>, %arg3: memref<320000xi32, #tpu.memory_space<hbm>>, %arg4: memref<10000x128xf32, #tpu.memory_space<hbm>>, %arg5: memref<10000x128xf32, #tpu.memory_space<hbm>>, %arg6: memref<2x10000x128xf32, #tpu.memory_space<hbm>>, %arg7: memref<10000x128xf32, #tpu.memory_space<vmem_shared>>, %arg8: memref<80xi32, #tpu.memory_space<vmem>>, %arg9: memref<80xi32, #tpu.memory_space<vmem>>, %arg10: memref<80x128xf32, #tpu.memory_space<vmem>>, %arg11: memref<80x128xf32, #tpu.memory_space<vmem>>, %arg12: memref<80xi32, #tpu.memory_space<vmem>>, %arg13: memref<80xi32, #tpu.memory_space<vmem>>, %arg14: memref<80x128xf32, #tpu.memory_space<vmem>>, %arg15: memref<80x128xf32, #tpu.memory_space<vmem>>, %arg16: memref<!tpu.dma_semaphore, #tpu.memory_space<semaphore_mem>>, %arg17: memref<!tpu.dma_semaphore, #tpu.memory_space<semaphore_mem>>, %arg18: memref<!tpu.dma_semaphore, #tpu.memory_space<semaphore_mem>>, %arg19: memref<!tpu.dma_semaphore, #tpu.memory_space<semaphore_mem>>) attributes {dimension_semantics = [#tpu.dimension_semantics<core_parallel>, #tpu.dimension_semantics<subcore_parallel>], iteration_bounds = array<i64: 2, 16>, scalar_prefetch = 0 : i64, scratch_operands = 13 : i64, tpu.core_type = #tpu.core_type<sc_vector_subcore>, window_params = [{transform_indices = #map}, {transform_indices = #map}, {transform_indices = #map1}, {transform_indices = #map1}, {transform_indices = #map2}]} {
    %mul3A = arith.constant 16 : i32
    %mul3A_0 = arith.muli %arg0, %mul3A : i32
    %add3A = arith.addi %mul3A_0, %arg1 : i32
    %mul3A_1 = arith.constant 624 : i32
    %mul3A_2 = arith.muli %arg1, %mul3A_1 : i32
    %mul3A_3 = arith.constant 624 : i32
    %mul3A_4 = arith.muli %arg1, %mul3A_3 : i32
    "tpu.region"() ({
      %run_scoped3A = tpu.sem_alloc : memref<!tpu.dma_semaphore, #tpu.memory_space<semaphore_mem>>
      %dma_start3A_44 = arith.constant 0 : i32
      %dma_start3A_45 = tpu.memref_slice %arg7[%mul3A_4, %dma_start3A_44] : memref<10000x128xf32, #tpu.memory_space<vmem_shared>> -> memref<624x128xf32, #tpu.memory_space<vmem_shared>>
      %dma_start3A_46 = arith.constant 0 : i32
      %dma_start3A_47 = tpu.memref_slice %arg5[%mul3A_2, %dma_start3A_46] : memref<10000x128xf32, #tpu.memory_space<hbm>> -> memref<624x128xf32, #tpu.memory_space<hbm>>
      tpu.enqueue_dma source(%dma_start3A_47 : memref<624x128xf32, #tpu.memory_space<hbm>>) target(%dma_start3A_45 : memref<624x128xf32, #tpu.memory_space<vmem_shared>>) target_semaphore(%run_scoped3A : memref<!tpu.dma_semaphore, #tpu.memory_space<semaphore_mem>>)
      %dma_wait3A_48 = arith.constant 0 : i32
      %dma_wait3A_49 = tpu.memref_slice %arg7[%mul3A_4, %dma_wait3A_48] : memref<10000x128xf32, #tpu.memory_space<vmem_shared>> -> memref<624x128xf32, #tpu.memory_space<vmem_shared>>
      %dma_wait3A_50 = arith.constant 0 : i32
      %dma_wait3A_51 = tpu.memref_slice %arg5[%mul3A_2, %dma_wait3A_50] : memref<10000x128xf32, #tpu.memory_space<hbm>> -> memref<624x128xf32, #tpu.memory_space<hbm>>
      tpu.wait_dma2 semaphore(%run_scoped3A : memref<!tpu.dma_semaphore, #tpu.memory_space<semaphore_mem>>) src(%dma_wait3A_51 : memref<624x128xf32, #tpu.memory_space<hbm>>) dst(%dma_wait3A_49 : memref<624x128xf32, #tpu.memory_space<vmem_shared>>)
      tpu.yield
    }) : () -> ()
    %eq3A = arith.constant 15 : i32
    %eq3A_5 = arith.cmpi eq, %arg1, %eq3A : i32
    %convert_element_type3A = arith.extui %eq3A_5 : i1 to i32
    %cond3A = arith.constant 0 : i32
    %cond3A_6 = arith.cmpi ne, %convert_element_type3A, %cond3A : i32
    scf.if %cond3A_6 {
      "tpu.region"() ({
        %run_scoped3A = tpu.sem_alloc : memref<!tpu.dma_semaphore, #tpu.memory_space<semaphore_mem>>
        %dma_start3A_44 = arith.constant 9984 : i32
        %dma_start3A_45 = arith.constant 0 : i32
        %dma_start3A_46 = tpu.memref_slice %arg7[%dma_start3A_44, %dma_start3A_45] : memref<10000x128xf32, #tpu.memory_space<vmem_shared>> -> memref<16x128xf32, #tpu.memory_space<vmem_shared>>
        %dma_start3A_47 = arith.constant 9984 : i32
        %dma_start3A_48 = arith.constant 0 : i32
        %dma_start3A_49 = tpu.memref_slice %arg5[%dma_start3A_47, %dma_start3A_48] : memref<10000x128xf32, #tpu.memory_space<hbm>> -> memref<16x128xf32, #tpu.memory_space<hbm>>
        tpu.enqueue_dma source(%dma_start3A_49 : memref<16x128xf32, #tpu.memory_space<hbm>>) target(%dma_start3A_46 : memref<16x128xf32, #tpu.memory_space<vmem_shared>>) target_semaphore(%run_scoped3A : memref<!tpu.dma_semaphore, #tpu.memory_space<semaphore_mem>>)
        %dma_wait3A_50 = arith.constant 9984 : i32
        %dma_wait3A_51 = arith.constant 0 : i32
        %dma_wait3A_52 = tpu.memref_slice %arg7[%dma_wait3A_50, %dma_wait3A_51] : memref<10000x128xf32, #tpu.memory_space<vmem_shared>> -> memref<16x128xf32, #tpu.memory_space<vmem_shared>>
        %dma_wait3A_53 = arith.constant 9984 : i32
        %dma_wait3A_54 = arith.constant 0 : i32
        %dma_wait3A_55 = tpu.memref_slice %arg5[%dma_wait3A_53, %dma_wait3A_54] : memref<10000x128xf32, #tpu.memory_space<hbm>> -> memref<16x128xf32, #tpu.memory_space<hbm>>
        tpu.wait_dma2 semaphore(%run_scoped3A : memref<!tpu.dma_semaphore, #tpu.memory_space<semaphore_mem>>) src(%dma_wait3A_55 : memref<16x128xf32, #tpu.memory_space<hbm>>) dst(%dma_wait3A_52 : memref<16x128xf32, #tpu.memory_space<vmem_shared>>)
        tpu.yield
      }) : () -> ()
    } else {
    }
    %barrier3A = arith.constant 0 : index
    tpu.barrier barrier_id(%barrier3A)
    %iota3A = tpu.iota {dimensions = array<i32: 0>} : vector<16xi32>
    %lt3A = arith.constant 8 : i32
    %lt3A_7 = vector.broadcast %lt3A : i32 to vector<16xi32>
    %lt3A_8 = arith.cmpi slt, %iota3A, %lt3A_7 : vector<16xi32>
    %mul3A_9 = arith.constant 10000 : i32
    %mul3A_10 = arith.muli %add3A, %mul3A_9 : i32
    %add3A_11 = arith.constant 0 : i32
    %add3A_12 = arith.addi %mul3A_10, %add3A_11 : i32
    "tpu.region"() ({
      %run_scoped3A = tpu.sem_alloc : memref<!tpu.dma_semaphore, #tpu.memory_space<semaphore_mem>>
      %dma_start3A_44 = tpu.memref_slice %arg2[%add3A_12] : memref<320000xi32, #tpu.memory_space<hbm>> -> memref<80xi32, #tpu.memory_space<hbm>>
      %dma_start3A_45 = tpu.memref_slice %arg2[%add3A_12] : memref<320000xi32, #tpu.memory_space<hbm>> -> memref<80xi32, #tpu.memory_space<hbm>>
      tpu.enqueue_dma source(%dma_start3A_45 : memref<80xi32, #tpu.memory_space<hbm>>) target(%arg8 : memref<80xi32, #tpu.memory_space<vmem>>) target_semaphore(%run_scoped3A : memref<!tpu.dma_semaphore, #tpu.memory_space<semaphore_mem>>)
      %dma_wait3A_46 = tpu.memref_slice %arg2[%add3A_12] : memref<320000xi32, #tpu.memory_space<hbm>> -> memref<80xi32, #tpu.memory_space<hbm>>
      %dma_wait3A_47 = tpu.memref_slice %arg2[%add3A_12] : memref<320000xi32, #tpu.memory_space<hbm>> -> memref<80xi32, #tpu.memory_space<hbm>>
      tpu.wait_dma2 semaphore(%run_scoped3A : memref<!tpu.dma_semaphore, #tpu.memory_space<semaphore_mem>>) src(%dma_wait3A_47 : memref<80xi32, #tpu.memory_space<hbm>>) dst(%arg8 : memref<80xi32, #tpu.memory_space<vmem>>)
      tpu.yield
    }) : () -> ()
    "tpu.region"() ({
      %run_scoped3A = tpu.sem_alloc : memref<!tpu.dma_semaphore, #tpu.memory_space<semaphore_mem>>
      %dma_start3A_44 = tpu.memref_slice %arg3[%add3A_12] : memref<320000xi32, #tpu.memory_space<hbm>> -> memref<80xi32, #tpu.memory_space<hbm>>
      %dma_start3A_45 = tpu.memref_slice %arg3[%add3A_12] : memref<320000xi32, #tpu.memory_space<hbm>> -> memref<80xi32, #tpu.memory_space<hbm>>
      tpu.enqueue_dma source(%dma_start3A_45 : memref<80xi32, #tpu.memory_space<hbm>>) target(%arg9 : memref<80xi32, #tpu.memory_space<vmem>>) target_semaphore(%run_scoped3A : memref<!tpu.dma_semaphore, #tpu.memory_space<semaphore_mem>>)
      %dma_wait3A_46 = tpu.memref_slice %arg3[%add3A_12] : memref<320000xi32, #tpu.memory_space<hbm>> -> memref<80xi32, #tpu.memory_space<hbm>>
      %dma_wait3A_47 = tpu.memref_slice %arg3[%add3A_12] : memref<320000xi32, #tpu.memory_space<hbm>> -> memref<80xi32, #tpu.memory_space<hbm>>
      tpu.wait_dma2 semaphore(%run_scoped3A : memref<!tpu.dma_semaphore, #tpu.memory_space<semaphore_mem>>) src(%dma_wait3A_47 : memref<80xi32, #tpu.memory_space<hbm>>) dst(%arg9 : memref<80xi32, #tpu.memory_space<vmem>>)
      tpu.yield
    }) : () -> ()
    %dma_start3A = arith.constant 0 : i32
    %dma_start3A_13 = arith.constant 0 : i32
    %dma_start3A_14 = tpu.memref_slice %arg4[%dma_start3A, %dma_start3A_13] : memref<10000x128xf32, #tpu.memory_space<hbm>> -> memref<10000x128xf32, #tpu.memory_space<hbm>>
    tpu.enqueue_indirect_dma source(%dma_start3A_14 : memref<10000x128xf32, #tpu.memory_space<hbm>>) target(%arg10 : memref<80x128xf32, #tpu.memory_space<vmem>>) offsets(%arg8 : memref<80xi32, #tpu.memory_space<vmem>>) semaphore(%arg16 : memref<!tpu.dma_semaphore, #tpu.memory_space<semaphore_mem>>)
    %dma_start3A_15 = arith.constant 0 : i32
    %dma_start3A_16 = arith.constant 0 : i32
    %dma_start3A_17 = tpu.memref_slice %arg4[%dma_start3A_15, %dma_start3A_16] : memref<10000x128xf32, #tpu.memory_space<hbm>> -> memref<10000x128xf32, #tpu.memory_space<hbm>>
    tpu.enqueue_indirect_dma source(%dma_start3A_17 : memref<10000x128xf32, #tpu.memory_space<hbm>>) target(%arg11 : memref<80x128xf32, #tpu.memory_space<vmem>>) offsets(%arg9 : memref<80xi32, #tpu.memory_space<vmem>>) semaphore(%arg17 : memref<!tpu.dma_semaphore, #tpu.memory_space<semaphore_mem>>)
    %scan3A = arith.constant 0 : i32
    %scan3A_18 = arith.constant 0 : i32
    %scan3A_19 = arith.constant 62 : i32
    %scan3A_20 = arith.addi %scan3A_18, %scan3A_19 : i32
    %scan3A_21 = arith.constant 1 : i32
    scf.for %scan3A_44 = %scan3A_18 to %scan3A_20 step %scan3A_21  : i32 {
      %mul3A_45 = arith.constant 2 : i32
      %mul3A_46 = arith.muli %mul3A_45, %scan3A_44 : i32
      %add3A_47 = arith.constant 1 : i32
      %add3A_48 = arith.addi %mul3A_46, %add3A_47 : i32
      %mul3A_49 = arith.constant 80 : i32
      %mul3A_50 = arith.muli %add3A_48, %mul3A_49 : i32
      %add3A_51 = arith.addi %mul3A_10, %mul3A_50 : i32
      "tpu.region"() ({
        %run_scoped3A = tpu.sem_alloc : memref<!tpu.dma_semaphore, #tpu.memory_space<semaphore_mem>>
        %dma_start3A_95 = tpu.memref_slice %arg2[%add3A_51] : memref<320000xi32, #tpu.memory_space<hbm>> -> memref<80xi32, #tpu.memory_space<hbm>>
        %dma_start3A_96 = tpu.memref_slice %arg2[%add3A_51] : memref<320000xi32, #tpu.memory_space<hbm>> -> memref<80xi32, #tpu.memory_space<hbm>>
        tpu.enqueue_dma source(%dma_start3A_96 : memref<80xi32, #tpu.memory_space<hbm>>) target(%arg12 : memref<80xi32, #tpu.memory_space<vmem>>) target_semaphore(%run_scoped3A : memref<!tpu.dma_semaphore, #tpu.memory_space<semaphore_mem>>)
        %dma_wait3A_97 = tpu.memref_slice %arg2[%add3A_51] : memref<320000xi32, #tpu.memory_space<hbm>> -> memref<80xi32, #tpu.memory_space<hbm>>
        %dma_wait3A_98 = tpu.memref_slice %arg2[%add3A_51] : memref<320000xi32, #tpu.memory_space<hbm>> -> memref<80xi32, #tpu.memory_space<hbm>>
        tpu.wait_dma2 semaphore(%run_scoped3A : memref<!tpu.dma_semaphore, #tpu.memory_space<semaphore_mem>>) src(%dma_wait3A_98 : memref<80xi32, #tpu.memory_space<hbm>>) dst(%arg12 : memref<80xi32, #tpu.memory_space<vmem>>)
        tpu.yield
      }) : () -> ()
      "tpu.region"() ({
        %run_scoped3A = tpu.sem_alloc : memref<!tpu.dma_semaphore, #tpu.memory_space<semaphore_mem>>
        %dma_start3A_95 = tpu.memref_slice %arg3[%add3A_51] : memref<320000xi32, #tpu.memory_space<hbm>> -> memref<80xi32, #tpu.memory_space<hbm>>
        %dma_start3A_96 = tpu.memref_slice %arg3[%add3A_51] : memref<320000xi32, #tpu.memory_space<hbm>> -> memref<80xi32, #tpu.memory_space<hbm>>
        tpu.enqueue_dma source(%dma_start3A_96 : memref<80xi32, #tpu.memory_space<hbm>>) target(%arg13 : memref<80xi32, #tpu.memory_space<vmem>>) target_semaphore(%run_scoped3A : memref<!tpu.dma_semaphore, #tpu.memory_space<semaphore_mem>>)
        %dma_wait3A_97 = tpu.memref_slice %arg3[%add3A_51] : memref<320000xi32, #tpu.memory_space<hbm>> -> memref<80xi32, #tpu.memory_space<hbm>>
        %dma_wait3A_98 = tpu.memref_slice %arg3[%add3A_51] : memref<320000xi32, #tpu.memory_space<hbm>> -> memref<80xi32, #tpu.memory_space<hbm>>
        tpu.wait_dma2 semaphore(%run_scoped3A : memref<!tpu.dma_semaphore, #tpu.memory_space<semaphore_mem>>) src(%dma_wait3A_98 : memref<80xi32, #tpu.memory_space<hbm>>) dst(%arg13 : memref<80xi32, #tpu.memory_space<vmem>>)
        tpu.yield
      }) : () -> ()
      %dma_start3A_52 = arith.constant 0 : i32
      %dma_start3A_53 = arith.constant 0 : i32
      %dma_start3A_54 = tpu.memref_slice %arg4[%dma_start3A_52, %dma_start3A_53] : memref<10000x128xf32, #tpu.memory_space<hbm>> -> memref<10000x128xf32, #tpu.memory_space<hbm>>
      tpu.enqueue_indirect_dma source(%dma_start3A_54 : memref<10000x128xf32, #tpu.memory_space<hbm>>) target(%arg14 : memref<80x128xf32, #tpu.memory_space<vmem>>) offsets(%arg12 : memref<80xi32, #tpu.memory_space<vmem>>) semaphore(%arg18 : memref<!tpu.dma_semaphore, #tpu.memory_space<semaphore_mem>>)
      %dma_start3A_55 = arith.constant 0 : i32
      %dma_start3A_56 = arith.constant 0 : i32
      %dma_start3A_57 = tpu.memref_slice %arg4[%dma_start3A_55, %dma_start3A_56] : memref<10000x128xf32, #tpu.memory_space<hbm>> -> memref<10000x128xf32, #tpu.memory_space<hbm>>
      tpu.enqueue_indirect_dma source(%dma_start3A_57 : memref<10000x128xf32, #tpu.memory_space<hbm>>) target(%arg15 : memref<80x128xf32, #tpu.memory_space<vmem>>) offsets(%arg13 : memref<80xi32, #tpu.memory_space<vmem>>) semaphore(%arg19 : memref<!tpu.dma_semaphore, #tpu.memory_space<semaphore_mem>>)
      %dma_wait3A_58 = arith.constant 0 : i32
      %dma_wait3A_59 = arith.constant 0 : i32
      %dma_wait3A_60 = tpu.memref_slice %arg4[%dma_wait3A_58, %dma_wait3A_59] : memref<10000x128xf32, #tpu.memory_space<hbm>> -> memref<10000x128xf32, #tpu.memory_space<hbm>>
      tpu.wait_indirect_dma semaphore(%arg16 : memref<!tpu.dma_semaphore, #tpu.memory_space<semaphore_mem>>) src(%dma_wait3A_60 : memref<10000x128xf32, #tpu.memory_space<hbm>>) dst(%arg10 : memref<80x128xf32, #tpu.memory_space<vmem>>)
      %dma_wait3A_61 = arith.constant 0 : i32
      %dma_wait3A_62 = arith.constant 0 : i32
      %dma_wait3A_63 = tpu.memref_slice %arg4[%dma_wait3A_61, %dma_wait3A_62] : memref<10000x128xf32, #tpu.memory_space<hbm>> -> memref<10000x128xf32, #tpu.memory_space<hbm>>
      tpu.wait_indirect_dma semaphore(%arg17 : memref<!tpu.dma_semaphore, #tpu.memory_space<semaphore_mem>>) src(%dma_wait3A_63 : memref<10000x128xf32, #tpu.memory_space<hbm>>) dst(%arg11 : memref<80x128xf32, #tpu.memory_space<vmem>>)
      %scan3A_64 = arith.constant 0 : i32
      %scan3A_65 = arith.constant 0 : i32
      %scan3A_66 = arith.constant 80 : i32
      %scan3A_67 = arith.addi %scan3A_65, %scan3A_66 : i32
      %scan3A_68 = arith.constant 1 : i32
      scf.for %scan3A_95 = %scan3A_65 to %scan3A_67 step %scan3A_68  : i32 {
        %get3A = arith.index_cast %scan3A_95 : i32 to index
        %get3A_96 = arith.constant 64 : index
        %get3A_97 = tpu.vector_load %arg10[%get3A, %get3A_96] {strides = array<i32>} : memref<80x128xf32, #tpu.memory_space<vmem>>, vector<1x16xf32>,
        %get3A_98 = vector.shape_cast %get3A_97 : vector<1x16xf32> to vector<16xf32>
        %get3A_99 = arith.index_cast %scan3A_95 : i32 to index
        %get3A_100 = arith.constant 80 : index
        %get3A_101 = tpu.vector_load %arg11[%get3A_99, %get3A_100] {strides = array<i32>} : memref<80x128xf32, #tpu.memory_space<vmem>>, vector<1x16xf32>,
        %get3A_102 = vector.shape_cast %get3A_101 : vector<1x16xf32> to vector<16xf32>
        %add3A_103 = arith.addf %get3A_98, %get3A_102 : vector<16xf32>
        %ge3A = arith.constant 0.000000e+00 : f32
        %ge3A_104 = vector.broadcast %ge3A : f32 to vector<16xf32>
        %ge3A_105 = arith.cmpf oge, %add3A_103, %ge3A_104 : vector<16xf32>
        %mul3A_106 = arith.constant 2.000000e-01 : f32
        %mul3A_107 = vector.broadcast %mul3A_106 : f32 to vector<16xf32>
        %mul3A_108 = arith.mulf %mul3A_107, %add3A_103 : vector<16xf32>
        %select_n3A = arith.select %ge3A_105, %add3A_103, %mul3A_108 : vector<16xi1>, vector<16xf32>
        %exp3A = math.exp %select_n3A : vector<16xf32>
        %slice3A = vector.extract_strided_slice %exp3A {offsets = [0], sizes = [1], strides = [1]} : vector<16xf32> to vector<1xf32>
        %squeeze3A = vector.extract %slice3A[0] : f32 from vector<1xf32>
        %broadcast_in_dim3A = vector.broadcast %squeeze3A : f32 to vector<16xf32>
        %slice3A_109 = vector.extract_strided_slice %exp3A {offsets = [1], sizes = [1], strides = [1]} : vector<16xf32> to vector<1xf32>
        %squeeze3A_110 = vector.extract %slice3A_109[0] : f32 from vector<1xf32>
        %broadcast_in_dim3A_111 = vector.broadcast %squeeze3A_110 : f32 to vector<16xf32>
        %slice3A_112 = vector.extract_strided_slice %exp3A {offsets = [2], sizes = [1], strides = [1]} : vector<16xf32> to vector<1xf32>
        %squeeze3A_113 = vector.extract %slice3A_112[0] : f32 from vector<1xf32>
        %broadcast_in_dim3A_114 = vector.broadcast %squeeze3A_113 : f32 to vector<16xf32>
        %slice3A_115 = vector.extract_strided_slice %exp3A {offsets = [3], sizes = [1], strides = [1]} : vector<16xf32> to vector<1xf32>
        %squeeze3A_116 = vector.extract %slice3A_115[0] : f32 from vector<1xf32>
        %broadcast_in_dim3A_117 = vector.broadcast %squeeze3A_116 : f32 to vector<16xf32>
        %slice3A_118 = vector.extract_strided_slice %exp3A {offsets = [4], sizes = [1], strides = [1]} : vector<16xf32> to vector<1xf32>
        %squeeze3A_119 = vector.extract %slice3A_118[0] : f32 from vector<1xf32>
        %broadcast_in_dim3A_120 = vector.broadcast %squeeze3A_119 : f32 to vector<16xf32>
        %slice3A_121 = vector.extract_strided_slice %exp3A {offsets = [5], sizes = [1], strides = [1]} : vector<16xf32> to vector<1xf32>
        %squeeze3A_122 = vector.extract %slice3A_121[0] : f32 from vector<1xf32>
        %broadcast_in_dim3A_123 = vector.broadcast %squeeze3A_122 : f32 to vector<16xf32>
        %slice3A_124 = vector.extract_strided_slice %exp3A {offsets = [6], sizes = [1], strides = [1]} : vector<16xf32> to vector<1xf32>
        %squeeze3A_125 = vector.extract %slice3A_124[0] : f32 from vector<1xf32>
        %broadcast_in_dim3A_126 = vector.broadcast %squeeze3A_125 : f32 to vector<16xf32>
        %slice3A_127 = vector.extract_strided_slice %exp3A {offsets = [7], sizes = [1], strides = [1]} : vector<16xf32> to vector<1xf32>
        %squeeze3A_128 = vector.extract %slice3A_127[0] : f32 from vector<1xf32>
        %broadcast_in_dim3A_129 = vector.broadcast %squeeze3A_128 : f32 to vector<16xf32>
        %get3A_130 = arith.index_cast %scan3A_95 : i32 to index
        %get3A_131 = arith.constant 0 : index
        %get3A_132 = tpu.vector_load %arg10[%get3A_130, %get3A_131] {strides = array<i32>} : memref<80x128xf32, #tpu.memory_space<vmem>>, vector<1x16xf32>,
        %get3A_133 = vector.shape_cast %get3A_132 : vector<1x16xf32> to vector<16xf32>
        %select_n3A_134 = arith.select %lt3A_8, %broadcast_in_dim3A, %broadcast_in_dim3A_111 : vector<16xi1>, vector<16xf32>
        %mul3A_135 = arith.mulf %get3A_133, %select_n3A_134 : vector<16xf32>
        %swap3A = arith.index_cast %scan3A_95 : i32 to index
        %swap3A_136 = arith.constant 0 : index
        %swap3A_137 = tpu.vector_load %arg10[%swap3A, %swap3A_136] {strides = array<i32>} : memref<80x128xf32, #tpu.memory_space<vmem>>, vector<1x16xf32>,
        %swap3A_138 = vector.shape_cast %swap3A_137 : vector<1x16xf32> to vector<16xf32>
        %swap3A_139 = vector.shape_cast %mul3A_135 : vector<16xf32> to vector<1x16xf32>
        tpu.vector_store %arg10[%swap3A, %swap3A_136], %swap3A_139 {strides = array<i32>} : memref<80x128xf32, #tpu.memory_space<vmem>>, vector<1x16xf32>,
        %get3A_140 = arith.index_cast %scan3A_95 : i32 to index
        %get3A_141 = arith.constant 16 : index
        %get3A_142 = tpu.vector_load %arg10[%get3A_140, %get3A_141] {strides = array<i32>} : memref<80x128xf32, #tpu.memory_space<vmem>>, vector<1x16xf32>,
        %get3A_143 = vector.shape_cast %get3A_142 : vector<1x16xf32> to vector<16xf32>
        %select_n3A_144 = arith.select %lt3A_8, %broadcast_in_dim3A_114, %broadcast_in_dim3A_117 : vector<16xi1>, vector<16xf32>
        %mul3A_145 = arith.mulf %get3A_143, %select_n3A_144 : vector<16xf32>
        %swap3A_146 = arith.index_cast %scan3A_95 : i32 to index
        %swap3A_147 = arith.constant 16 : index
        %swap3A_148 = tpu.vector_load %arg10[%swap3A_146, %swap3A_147] {strides = array<i32>} : memref<80x128xf32, #tpu.memory_space<vmem>>, vector<1x16xf32>,
        %swap3A_149 = vector.shape_cast %swap3A_148 : vector<1x16xf32> to vector<16xf32>
        %swap3A_150 = vector.shape_cast %mul3A_145 : vector<16xf32> to vector<1x16xf32>
        tpu.vector_store %arg10[%swap3A_146, %swap3A_147], %swap3A_150 {strides = array<i32>} : memref<80x128xf32, #tpu.memory_space<vmem>>, vector<1x16xf32>,
        %get3A_151 = arith.index_cast %scan3A_95 : i32 to index
        %get3A_152 = arith.constant 32 : index
        %get3A_153 = tpu.vector_load %arg10[%get3A_151, %get3A_152] {strides = array<i32>} : memref<80x128xf32, #tpu.memory_space<vmem>>, vector<1x16xf32>,
        %get3A_154 = vector.shape_cast %get3A_153 : vector<1x16xf32> to vector<16xf32>
        %select_n3A_155 = arith.select %lt3A_8, %broadcast_in_dim3A_120, %broadcast_in_dim3A_123 : vector<16xi1>, vector<16xf32>
        %mul3A_156 = arith.mulf %get3A_154, %select_n3A_155 : vector<16xf32>
        %swap3A_157 = arith.index_cast %scan3A_95 : i32 to index
        %swap3A_158 = arith.constant 32 : index
        %swap3A_159 = tpu.vector_load %arg10[%swap3A_157, %swap3A_158] {strides = array<i32>} : memref<80x128xf32, #tpu.memory_space<vmem>>, vector<1x16xf32>,
        %swap3A_160 = vector.shape_cast %swap3A_159 : vector<1x16xf32> to vector<16xf32>
        %swap3A_161 = vector.shape_cast %mul3A_156 : vector<16xf32> to vector<1x16xf32>
        tpu.vector_store %arg10[%swap3A_157, %swap3A_158], %swap3A_161 {strides = array<i32>} : memref<80x128xf32, #tpu.memory_space<vmem>>, vector<1x16xf32>,
        %get3A_162 = arith.index_cast %scan3A_95 : i32 to index
        %get3A_163 = arith.constant 48 : index
        %get3A_164 = tpu.vector_load %arg10[%get3A_162, %get3A_163] {strides = array<i32>} : memref<80x128xf32, #tpu.memory_space<vmem>>, vector<1x16xf32>,
        %get3A_165 = vector.shape_cast %get3A_164 : vector<1x16xf32> to vector<16xf32>
        %select_n3A_166 = arith.select %lt3A_8, %broadcast_in_dim3A_126, %broadcast_in_dim3A_129 : vector<16xi1>, vector<16xf32>
        %mul3A_167 = arith.mulf %get3A_165, %select_n3A_166 : vector<16xf32>
        %swap3A_168 = arith.index_cast %scan3A_95 : i32 to index
        %swap3A_169 = arith.constant 48 : index
        %swap3A_170 = tpu.vector_load %arg10[%swap3A_168, %swap3A_169] {strides = array<i32>} : memref<80x128xf32, #tpu.memory_space<vmem>>, vector<1x16xf32>,
        %swap3A_171 = vector.shape_cast %swap3A_170 : vector<1x16xf32> to vector<16xf32>
        %swap3A_172 = vector.shape_cast %mul3A_167 : vector<16xf32> to vector<1x16xf32>
        tpu.vector_store %arg10[%swap3A_168, %swap3A_169], %swap3A_172 {strides = array<i32>} : memref<80x128xf32, #tpu.memory_space<vmem>>, vector<1x16xf32>,
        %swap3A_173 = arith.index_cast %scan3A_95 : i32 to index
        %swap3A_174 = arith.constant 64 : index
        %swap3A_175 = tpu.vector_load %arg10[%swap3A_173, %swap3A_174] {strides = array<i32>} : memref<80x128xf32, #tpu.memory_space<vmem>>, vector<1x16xf32>,
        %swap3A_176 = vector.shape_cast %swap3A_175 : vector<1x16xf32> to vector<16xf32>
        %swap3A_177 = vector.shape_cast %exp3A : vector<16xf32> to vector<1x16xf32>
        tpu.vector_store %arg10[%swap3A_173, %swap3A_174], %swap3A_177 {strides = array<i32>} : memref<80x128xf32, #tpu.memory_space<vmem>>, vector<1x16xf32>,
      }
      %scan3A_69 = arith.constant 80 : i32
      "tpu.region"() ({
        %run_scoped3A = tpu.sem_alloc : memref<!tpu.dma_semaphore, #tpu.memory_space<semaphore_mem>>
        %dma_start3A_95 = arith.constant 0 : i32
        %dma_start3A_96 = arith.constant 0 : i32
        %dma_start3A_97 = tpu.memref_slice %arg7[%dma_start3A_95, %dma_start3A_96] : memref<10000x128xf32, #tpu.memory_space<vmem_shared>> -> memref<10000x128xf32, #tpu.memory_space<vmem_shared>>
        tpu.enqueue_indirect_dma source(%arg10 : memref<80x128xf32, #tpu.memory_space<vmem>>) target(%dma_start3A_97 : memref<10000x128xf32, #tpu.memory_space<vmem_shared>>) offsets(%arg9 : memref<80xi32, #tpu.memory_space<vmem>>) semaphore(%run_scoped3A : memref<!tpu.dma_semaphore, #tpu.memory_space<semaphore_mem>>) {add = true}
        %dma_wait3A_98 = arith.constant 0 : i32
        %dma_wait3A_99 = arith.constant 0 : i32
        %dma_wait3A_100 = tpu.memref_slice %arg7[%dma_wait3A_98, %dma_wait3A_99] : memref<10000x128xf32, #tpu.memory_space<vmem_shared>> -> memref<10000x128xf32, #tpu.memory_space<vmem_shared>>
        tpu.wait_indirect_dma semaphore(%run_scoped3A : memref<!tpu.dma_semaphore, #tpu.memory_space<semaphore_mem>>) src(%arg10 : memref<80x128xf32, #tpu.memory_space<vmem>>) dst(%dma_wait3A_100 : memref<10000x128xf32, #tpu.memory_space<vmem_shared>>)
        tpu.yield
      }) : () -> ()
      %mul3A_70 = arith.constant 2 : i32
      %mul3A_71 = arith.muli %mul3A_70, %scan3A_44 : i32
      %add3A_72 = arith.constant 2 : i32
      %add3A_73 = arith.addi %mul3A_71, %add3A_72 : i32
      %mul3A_74 = arith.constant 80 : i32
      %mul3A_75 = arith.muli %add3A_73, %mul3A_74 : i32
      %add3A_76 = arith.addi %mul3A_10, %mul3A_75 : i32
      "tpu.region"() ({
        %run_scoped3A = tpu.sem_alloc : memref<!tpu.dma_semaphore, #tpu.memory_space<semaphore_mem>>
        %dma_start3A_95 = tpu.memref_slice %arg2[%add3A_76] : memref<320000xi32, #tpu.memory_space<hbm>> -> memref<80xi32, #tpu.memory_space<hbm>>
        %dma_start3A_96 = tpu.memref_slice %arg2[%add3A_76] : memref<320000xi32, #tpu.memory_space<hbm>> -> memref<80xi32, #tpu.memory_space<hbm>>
        tpu.enqueue_dma source(%dma_start3A_96 : memref<80xi32, #tpu.memory_space<hbm>>) target(%arg8 : memref<80xi32, #tpu.memory_space<vmem>>) target_semaphore(%run_scoped3A : memref<!tpu.dma_semaphore, #tpu.memory_space<semaphore_mem>>)
        %dma_wait3A_97 = tpu.memref_slice %arg2[%add3A_76] : memref<320000xi32, #tpu.memory_space<hbm>> -> memref<80xi32, #tpu.memory_space<hbm>>
        %dma_wait3A_98 = tpu.memref_slice %arg2[%add3A_76] : memref<320000xi32, #tpu.memory_space<hbm>> -> memref<80xi32, #tpu.memory_space<hbm>>
        tpu.wait_dma2 semaphore(%run_scoped3A : memref<!tpu.dma_semaphore, #tpu.memory_space<semaphore_mem>>) src(%dma_wait3A_98 : memref<80xi32, #tpu.memory_space<hbm>>) dst(%arg8 : memref<80xi32, #tpu.memory_space<vmem>>)
        tpu.yield
      }) : () -> ()
      "tpu.region"() ({
        %run_scoped3A = tpu.sem_alloc : memref<!tpu.dma_semaphore, #tpu.memory_space<semaphore_mem>>
        %dma_start3A_95 = tpu.memref_slice %arg3[%add3A_76] : memref<320000xi32, #tpu.memory_space<hbm>> -> memref<80xi32, #tpu.memory_space<hbm>>
        %dma_start3A_96 = tpu.memref_slice %arg3[%add3A_76] : memref<320000xi32, #tpu.memory_space<hbm>> -> memref<80xi32, #tpu.memory_space<hbm>>
        tpu.enqueue_dma source(%dma_start3A_96 : memref<80xi32, #tpu.memory_space<hbm>>) target(%arg9 : memref<80xi32, #tpu.memory_space<vmem>>) target_semaphore(%run_scoped3A : memref<!tpu.dma_semaphore, #tpu.memory_space<semaphore_mem>>)
        %dma_wait3A_97 = tpu.memref_slice %arg3[%add3A_76] : memref<320000xi32, #tpu.memory_space<hbm>> -> memref<80xi32, #tpu.memory_space<hbm>>
        %dma_wait3A_98 = tpu.memref_slice %arg3[%add3A_76] : memref<320000xi32, #tpu.memory_space<hbm>> -> memref<80xi32, #tpu.memory_space<hbm>>
        tpu.wait_dma2 semaphore(%run_scoped3A : memref<!tpu.dma_semaphore, #tpu.memory_space<semaphore_mem>>) src(%dma_wait3A_98 : memref<80xi32, #tpu.memory_space<hbm>>) dst(%arg9 : memref<80xi32, #tpu.memory_space<vmem>>)
        tpu.yield
      }) : () -> ()
      %dma_start3A_77 = arith.constant 0 : i32
      %dma_start3A_78 = arith.constant 0 : i32
      %dma_start3A_79 = tpu.memref_slice %arg4[%dma_start3A_77, %dma_start3A_78] : memref<10000x128xf32, #tpu.memory_space<hbm>> -> memref<10000x128xf32, #tpu.memory_space<hbm>>
      tpu.enqueue_indirect_dma source(%dma_start3A_79 : memref<10000x128xf32, #tpu.memory_space<hbm>>) target(%arg10 : memref<80x128xf32, #tpu.memory_space<vmem>>) offsets(%arg8 : memref<80xi32, #tpu.memory_space<vmem>>) semaphore(%arg16 : memref<!tpu.dma_semaphore, #tpu.memory_space<semaphore_mem>>)
      %dma_start3A_80 = arith.constant 0 : i32
      %dma_start3A_81 = arith.constant 0 : i32
      %dma_start3A_82 = tpu.memref_slice %arg4[%dma_start3A_80, %dma_start3A_81] : memref<10000x128xf32, #tpu.memory_space<hbm>> -> memref<10000x128xf32, #tpu.memory_space<hbm>>
      tpu.enqueue_indirect_dma source(%dma_start3A_82 : memref<10000x128xf32, #tpu.memory_space<hbm>>) target(%arg11 : memref<80x128xf32, #tpu.memory_space<vmem>>) offsets(%arg9 : memref<80xi32, #tpu.memory_space<vmem>>) semaphore(%arg17 : memref<!tpu.dma_semaphore, #tpu.memory_space<semaphore_mem>>)
      %dma_wait3A_83 = arith.constant 0 : i32
      %dma_wait3A_84 = arith.constant 0 : i32
      %dma_wait3A_85 = tpu.memref_slice %arg4[%dma_wait3A_83, %dma_wait3A_84] : memref<10000x128xf32, #tpu.memory_space<hbm>> -> memref<10000x128xf32, #tpu.memory_space<hbm>>
      tpu.wait_indirect_dma semaphore(%arg18 : memref<!tpu.dma_semaphore, #tpu.memory_space<semaphore_mem>>) src(%dma_wait3A_85 : memref<10000x128xf32, #tpu.memory_space<hbm>>) dst(%arg14 : memref<80x128xf32, #tpu.memory_space<vmem>>)
      %dma_wait3A_86 = arith.constant 0 : i32
      %dma_wait3A_87 = arith.constant 0 : i32
      %dma_wait3A_88 = tpu.memref_slice %arg4[%dma_wait3A_86, %dma_wait3A_87] : memref<10000x128xf32, #tpu.memory_space<hbm>> -> memref<10000x128xf32, #tpu.memory_space<hbm>>
      tpu.wait_indirect_dma semaphore(%arg19 : memref<!tpu.dma_semaphore, #tpu.memory_space<semaphore_mem>>) src(%dma_wait3A_88 : memref<10000x128xf32, #tpu.memory_space<hbm>>) dst(%arg15 : memref<80x128xf32, #tpu.memory_space<vmem>>)
      %scan3A_89 = arith.constant 0 : i32
      %scan3A_90 = arith.constant 0 : i32
      %scan3A_91 = arith.constant 80 : i32
      %scan3A_92 = arith.addi %scan3A_90, %scan3A_91 : i32
      %scan3A_93 = arith.constant 1 : i32
      scf.for %scan3A_95 = %scan3A_90 to %scan3A_92 step %scan3A_93  : i32 {
        %get3A = arith.index_cast %scan3A_95 : i32 to index
        %get3A_96 = arith.constant 64 : index
        %get3A_97 = tpu.vector_load %arg14[%get3A, %get3A_96] {strides = array<i32>} : memref<80x128xf32, #tpu.memory_space<vmem>>, vector<1x16xf32>,
        %get3A_98 = vector.shape_cast %get3A_97 : vector<1x16xf32> to vector<16xf32>
        %get3A_99 = arith.index_cast %scan3A_95 : i32 to index
        %get3A_100 = arith.constant 80 : index
        %get3A_101 = tpu.vector_load %arg15[%get3A_99, %get3A_100] {strides = array<i32>} : memref<80x128xf32, #tpu.memory_space<vmem>>, vector<1x16xf32>,
        %get3A_102 = vector.shape_cast %get3A_101 : vector<1x16xf32> to vector<16xf32>
        %add3A_103 = arith.addf %get3A_98, %get3A_102 : vector<16xf32>
        %ge3A = arith.constant 0.000000e+00 : f32
        %ge3A_104 = vector.broadcast %ge3A : f32 to vector<16xf32>
        %ge3A_105 = arith.cmpf oge, %add3A_103, %ge3A_104 : vector<16xf32>
        %mul3A_106 = arith.constant 2.000000e-01 : f32
        %mul3A_107 = vector.broadcast %mul3A_106 : f32 to vector<16xf32>
        %mul3A_108 = arith.mulf %mul3A_107, %add3A_103 : vector<16xf32>
        %select_n3A = arith.select %ge3A_105, %add3A_103, %mul3A_108 : vector<16xi1>, vector<16xf32>
        %exp3A = math.exp %select_n3A : vector<16xf32>
        %slice3A = vector.extract_strided_slice %exp3A {offsets = [0], sizes = [1], strides = [1]} : vector<16xf32> to vector<1xf32>
        %squeeze3A = vector.extract %slice3A[0] : f32 from vector<1xf32>
        %broadcast_in_dim3A = vector.broadcast %squeeze3A : f32 to vector<16xf32>
        %slice3A_109 = vector.extract_strided_slice %exp3A {offsets = [1], sizes = [1], strides = [1]} : vector<16xf32> to vector<1xf32>
        %squeeze3A_110 = vector.extract %slice3A_109[0] : f32 from vector<1xf32>
        %broadcast_in_dim3A_111 = vector.broadcast %squeeze3A_110 : f32 to vector<16xf32>
        %slice3A_112 = vector.extract_strided_slice %exp3A {offsets = [2], sizes = [1], strides = [1]} : vector<16xf32> to vector<1xf32>
        %squeeze3A_113 = vector.extract %slice3A_112[0] : f32 from vector<1xf32>
        %broadcast_in_dim3A_114 = vector.broadcast %squeeze3A_113 : f32 to vector<16xf32>
        %slice3A_115 = vector.extract_strided_slice %exp3A {offsets = [3], sizes = [1], strides = [1]} : vector<16xf32> to vector<1xf32>
        %squeeze3A_116 = vector.extract %slice3A_115[0] : f32 from vector<1xf32>
        %broadcast_in_dim3A_117 = vector.broadcast %squeeze3A_116 : f32 to vector<16xf32>
        %slice3A_118 = vector.extract_strided_slice %exp3A {offsets = [4], sizes = [1], strides = [1]} : vector<16xf32> to vector<1xf32>
        %squeeze3A_119 = vector.extract %slice3A_118[0] : f32 from vector<1xf32>
        %broadcast_in_dim3A_120 = vector.broadcast %squeeze3A_119 : f32 to vector<16xf32>
        %slice3A_121 = vector.extract_strided_slice %exp3A {offsets = [5], sizes = [1], strides = [1]} : vector<16xf32> to vector<1xf32>
        %squeeze3A_122 = vector.extract %slice3A_121[0] : f32 from vector<1xf32>
        %broadcast_in_dim3A_123 = vector.broadcast %squeeze3A_122 : f32 to vector<16xf32>
        %slice3A_124 = vector.extract_strided_slice %exp3A {offsets = [6], sizes = [1], strides = [1]} : vector<16xf32> to vector<1xf32>
        %squeeze3A_125 = vector.extract %slice3A_124[0] : f32 from vector<1xf32>
        %broadcast_in_dim3A_126 = vector.broadcast %squeeze3A_125 : f32 to vector<16xf32>
        %slice3A_127 = vector.extract_strided_slice %exp3A {offsets = [7], sizes = [1], strides = [1]} : vector<16xf32> to vector<1xf32>
        %squeeze3A_128 = vector.extract %slice3A_127[0] : f32 from vector<1xf32>
        %broadcast_in_dim3A_129 = vector.broadcast %squeeze3A_128 : f32 to vector<16xf32>
        %get3A_130 = arith.index_cast %scan3A_95 : i32 to index
        %get3A_131 = arith.constant 0 : index
        %get3A_132 = tpu.vector_load %arg14[%get3A_130, %get3A_131] {strides = array<i32>} : memref<80x128xf32, #tpu.memory_space<vmem>>, vector<1x16xf32>,
        %get3A_133 = vector.shape_cast %get3A_132 : vector<1x16xf32> to vector<16xf32>
        %select_n3A_134 = arith.select %lt3A_8, %broadcast_in_dim3A, %broadcast_in_dim3A_111 : vector<16xi1>, vector<16xf32>
        %mul3A_135 = arith.mulf %get3A_133, %select_n3A_134 : vector<16xf32>
        %swap3A = arith.index_cast %scan3A_95 : i32 to index
        %swap3A_136 = arith.constant 0 : index
        %swap3A_137 = tpu.vector_load %arg14[%swap3A, %swap3A_136] {strides = array<i32>} : memref<80x128xf32, #tpu.memory_space<vmem>>, vector<1x16xf32>,
        %swap3A_138 = vector.shape_cast %swap3A_137 : vector<1x16xf32> to vector<16xf32>
        %swap3A_139 = vector.shape_cast %mul3A_135 : vector<16xf32> to vector<1x16xf32>
        tpu.vector_store %arg14[%swap3A, %swap3A_136], %swap3A_139 {strides = array<i32>} : memref<80x128xf32, #tpu.memory_space<vmem>>, vector<1x16xf32>,
        %get3A_140 = arith.index_cast %scan3A_95 : i32 to index
        %get3A_141 = arith.constant 16 : index
        %get3A_142 = tpu.vector_load %arg14[%get3A_140, %get3A_141] {strides = array<i32>} : memref<80x128xf32, #tpu.memory_space<vmem>>, vector<1x16xf32>,
        %get3A_143 = vector.shape_cast %get3A_142 : vector<1x16xf32> to vector<16xf32>
        %select_n3A_144 = arith.select %lt3A_8, %broadcast_in_dim3A_114, %broadcast_in_dim3A_117 : vector<16xi1>, vector<16xf32>
        %mul3A_145 = arith.mulf %get3A_143, %select_n3A_144 : vector<16xf32>
        %swap3A_146 = arith.index_cast %scan3A_95 : i32 to index
        %swap3A_147 = arith.constant 16 : index
        %swap3A_148 = tpu.vector_load %arg14[%swap3A_146, %swap3A_147] {strides = array<i32>} : memref<80x128xf32, #tpu.memory_space<vmem>>, vector<1x16xf32>,
        %swap3A_149 = vector.shape_cast %swap3A_148 : vector<1x16xf32> to vector<16xf32>
        %swap3A_150 = vector.shape_cast %mul3A_145 : vector<16xf32> to vector<1x16xf32>
        tpu.vector_store %arg14[%swap3A_146, %swap3A_147], %swap3A_150 {strides = array<i32>} : memref<80x128xf32, #tpu.memory_space<vmem>>, vector<1x16xf32>,
        %get3A_151 = arith.index_cast %scan3A_95 : i32 to index
        %get3A_152 = arith.constant 32 : index
        %get3A_153 = tpu.vector_load %arg14[%get3A_151, %get3A_152] {strides = array<i32>} : memref<80x128xf32, #tpu.memory_space<vmem>>, vector<1x16xf32>,
        %get3A_154 = vector.shape_cast %get3A_153 : vector<1x16xf32> to vector<16xf32>
        %select_n3A_155 = arith.select %lt3A_8, %broadcast_in_dim3A_120, %broadcast_in_dim3A_123 : vector<16xi1>, vector<16xf32>
        %mul3A_156 = arith.mulf %get3A_154, %select_n3A_155 : vector<16xf32>
        %swap3A_157 = arith.index_cast %scan3A_95 : i32 to index
        %swap3A_158 = arith.constant 32 : index
        %swap3A_159 = tpu.vector_load %arg14[%swap3A_157, %swap3A_158] {strides = array<i32>} : memref<80x128xf32, #tpu.memory_space<vmem>>, vector<1x16xf32>,
        %swap3A_160 = vector.shape_cast %swap3A_159 : vector<1x16xf32> to vector<16xf32>
        %swap3A_161 = vector.shape_cast %mul3A_156 : vector<16xf32> to vector<1x16xf32>
        tpu.vector_store %arg14[%swap3A_157, %swap3A_158], %swap3A_161 {strides = array<i32>} : memref<80x128xf32, #tpu.memory_space<vmem>>, vector<1x16xf32>,
        %get3A_162 = arith.index_cast %scan3A_95 : i32 to index
        %get3A_163 = arith.constant 48 : index
        %get3A_164 = tpu.vector_load %arg14[%get3A_162, %get3A_163] {strides = array<i32>} : memref<80x128xf32, #tpu.memory_space<vmem>>, vector<1x16xf32>,
        %get3A_165 = vector.shape_cast %get3A_164 : vector<1x16xf32> to vector<16xf32>
        %select_n3A_166 = arith.select %lt3A_8, %broadcast_in_dim3A_126, %broadcast_in_dim3A_129 : vector<16xi1>, vector<16xf32>
        %mul3A_167 = arith.mulf %get3A_165, %select_n3A_166 : vector<16xf32>
        %swap3A_168 = arith.index_cast %scan3A_95 : i32 to index
        %swap3A_169 = arith.constant 48 : index
        %swap3A_170 = tpu.vector_load %arg14[%swap3A_168, %swap3A_169] {strides = array<i32>} : memref<80x128xf32, #tpu.memory_space<vmem>>, vector<1x16xf32>,
        %swap3A_171 = vector.shape_cast %swap3A_170 : vector<1x16xf32> to vector<16xf32>
        %swap3A_172 = vector.shape_cast %mul3A_167 : vector<16xf32> to vector<1x16xf32>
        tpu.vector_store %arg14[%swap3A_168, %swap3A_169], %swap3A_172 {strides = array<i32>} : memref<80x128xf32, #tpu.memory_space<vmem>>, vector<1x16xf32>,
        %swap3A_173 = arith.index_cast %scan3A_95 : i32 to index
        %swap3A_174 = arith.constant 64 : index
        %swap3A_175 = tpu.vector_load %arg14[%swap3A_173, %swap3A_174] {strides = array<i32>} : memref<80x128xf32, #tpu.memory_space<vmem>>, vector<1x16xf32>,
        %swap3A_176 = vector.shape_cast %swap3A_175 : vector<1x16xf32> to vector<16xf32>
        %swap3A_177 = vector.shape_cast %exp3A : vector<16xf32> to vector<1x16xf32>
        tpu.vector_store %arg14[%swap3A_173, %swap3A_174], %swap3A_177 {strides = array<i32>} : memref<80x128xf32, #tpu.memory_space<vmem>>, vector<1x16xf32>,
      }
      %scan3A_94 = arith.constant 80 : i32
      "tpu.region"() ({
        %run_scoped3A = tpu.sem_alloc : memref<!tpu.dma_semaphore, #tpu.memory_space<semaphore_mem>>
        %dma_start3A_95 = arith.constant 0 : i32
        %dma_start3A_96 = arith.constant 0 : i32
        %dma_start3A_97 = tpu.memref_slice %arg7[%dma_start3A_95, %dma_start3A_96] : memref<10000x128xf32, #tpu.memory_space<vmem_shared>> -> memref<10000x128xf32, #tpu.memory_space<vmem_shared>>
        tpu.enqueue_indirect_dma source(%arg14 : memref<80x128xf32, #tpu.memory_space<vmem>>) target(%dma_start3A_97 : memref<10000x128xf32, #tpu.memory_space<vmem_shared>>) offsets(%arg13 : memref<80xi32, #tpu.memory_space<vmem>>) semaphore(%run_scoped3A : memref<!tpu.dma_semaphore, #tpu.memory_space<semaphore_mem>>) {add = true}
        %dma_wait3A_98 = arith.constant 0 : i32
        %dma_wait3A_99 = arith.constant 0 : i32
        %dma_wait3A_100 = tpu.memref_slice %arg7[%dma_wait3A_98, %dma_wait3A_99] : memref<10000x128xf32, #tpu.memory_space<vmem_shared>> -> memref<10000x128xf32, #tpu.memory_space<vmem_shared>>
        tpu.wait_indirect_dma semaphore(%run_scoped3A : memref<!tpu.dma_semaphore, #tpu.memory_space<semaphore_mem>>) src(%arg14 : memref<80x128xf32, #tpu.memory_space<vmem>>) dst(%dma_wait3A_100 : memref<10000x128xf32, #tpu.memory_space<vmem_shared>>)
        tpu.yield
      }) : () -> ()
    }
    %scan3A_22 = arith.constant 62 : i32
    %dma_wait3A = arith.constant 0 : i32
    %dma_wait3A_23 = arith.constant 0 : i32
    %dma_wait3A_24 = tpu.memref_slice %arg4[%dma_wait3A, %dma_wait3A_23] : memref<10000x128xf32, #tpu.memory_space<hbm>> -> memref<10000x128xf32, #tpu.memory_space<hbm>>
    tpu.wait_indirect_dma semaphore(%arg16 : memref<!tpu.dma_semaphore, #tpu.memory_space<semaphore_mem>>) src(%dma_wait3A_24 : memref<10000x128xf32, #tpu.memory_space<hbm>>) dst(%arg10 : memref<80x128xf32, #tpu.memory_space<vmem>>)
    %dma_wait3A_25 = arith.constant 0 : i32
    %dma_wait3A_26 = arith.constant 0 : i32
    %dma_wait3A_27 = tpu.memref_slice %arg4[%dma_wait3A_25, %dma_wait3A_26] : memref<10000x128xf32, #tpu.memory_space<hbm>> -> memref<10000x128xf32, #tpu.memory_space<hbm>>
    tpu.wait_indirect_dma semaphore(%arg17 : memref<!tpu.dma_semaphore, #tpu.memory_space<semaphore_mem>>) src(%dma_wait3A_27 : memref<10000x128xf32, #tpu.memory_space<hbm>>) dst(%arg11 : memref<80x128xf32, #tpu.memory_space<vmem>>)
    %scan3A_28 = arith.constant 0 : i32
    %scan3A_29 = arith.constant 0 : i32
    %scan3A_30 = arith.constant 80 : i32
    %scan3A_31 = arith.addi %scan3A_29, %scan3A_30 : i32
    %scan3A_32 = arith.constant 1 : i32
    scf.for %scan3A_44 = %scan3A_29 to %scan3A_31 step %scan3A_32  : i32 {
      %get3A = arith.index_cast %scan3A_44 : i32 to index
      %get3A_45 = arith.constant 64 : index
      %get3A_46 = tpu.vector_load %arg10[%get3A, %get3A_45] {strides = array<i32>} : memref<80x128xf32, #tpu.memory_space<vmem>>, vector<1x16xf32>,
      %get3A_47 = vector.shape_cast %get3A_46 : vector<1x16xf32> to vector<16xf32>
      %get3A_48 = arith.index_cast %scan3A_44 : i32 to index
      %get3A_49 = arith.constant 80 : index
      %get3A_50 = tpu.vector_load %arg11[%get3A_48, %get3A_49] {strides = array<i32>} : memref<80x128xf32, #tpu.memory_space<vmem>>, vector<1x16xf32>,
      %get3A_51 = vector.shape_cast %get3A_50 : vector<1x16xf32> to vector<16xf32>
      %add3A_52 = arith.addf %get3A_47, %get3A_51 : vector<16xf32>
      %ge3A = arith.constant 0.000000e+00 : f32
      %ge3A_53 = vector.broadcast %ge3A : f32 to vector<16xf32>
      %ge3A_54 = arith.cmpf oge, %add3A_52, %ge3A_53 : vector<16xf32>
      %mul3A_55 = arith.constant 2.000000e-01 : f32
      %mul3A_56 = vector.broadcast %mul3A_55 : f32 to vector<16xf32>
      %mul3A_57 = arith.mulf %mul3A_56, %add3A_52 : vector<16xf32>
      %select_n3A = arith.select %ge3A_54, %add3A_52, %mul3A_57 : vector<16xi1>, vector<16xf32>
      %exp3A = math.exp %select_n3A : vector<16xf32>
      %slice3A = vector.extract_strided_slice %exp3A {offsets = [0], sizes = [1], strides = [1]} : vector<16xf32> to vector<1xf32>
      %squeeze3A = vector.extract %slice3A[0] : f32 from vector<1xf32>
      %broadcast_in_dim3A = vector.broadcast %squeeze3A : f32 to vector<16xf32>
      %slice3A_58 = vector.extract_strided_slice %exp3A {offsets = [1], sizes = [1], strides = [1]} : vector<16xf32> to vector<1xf32>
      %squeeze3A_59 = vector.extract %slice3A_58[0] : f32 from vector<1xf32>
      %broadcast_in_dim3A_60 = vector.broadcast %squeeze3A_59 : f32 to vector<16xf32>
      %slice3A_61 = vector.extract_strided_slice %exp3A {offsets = [2], sizes = [1], strides = [1]} : vector<16xf32> to vector<1xf32>
      %squeeze3A_62 = vector.extract %slice3A_61[0] : f32 from vector<1xf32>
      %broadcast_in_dim3A_63 = vector.broadcast %squeeze3A_62 : f32 to vector<16xf32>
      %slice3A_64 = vector.extract_strided_slice %exp3A {offsets = [3], sizes = [1], strides = [1]} : vector<16xf32> to vector<1xf32>
      %squeeze3A_65 = vector.extract %slice3A_64[0] : f32 from vector<1xf32>
      %broadcast_in_dim3A_66 = vector.broadcast %squeeze3A_65 : f32 to vector<16xf32>
      %slice3A_67 = vector.extract_strided_slice %exp3A {offsets = [4], sizes = [1], strides = [1]} : vector<16xf32> to vector<1xf32>
      %squeeze3A_68 = vector.extract %slice3A_67[0] : f32 from vector<1xf32>
      %broadcast_in_dim3A_69 = vector.broadcast %squeeze3A_68 : f32 to vector<16xf32>
      %slice3A_70 = vector.extract_strided_slice %exp3A {offsets = [5], sizes = [1], strides = [1]} : vector<16xf32> to vector<1xf32>
      %squeeze3A_71 = vector.extract %slice3A_70[0] : f32 from vector<1xf32>
      %broadcast_in_dim3A_72 = vector.broadcast %squeeze3A_71 : f32 to vector<16xf32>
      %slice3A_73 = vector.extract_strided_slice %exp3A {offsets = [6], sizes = [1], strides = [1]} : vector<16xf32> to vector<1xf32>
      %squeeze3A_74 = vector.extract %slice3A_73[0] : f32 from vector<1xf32>
      %broadcast_in_dim3A_75 = vector.broadcast %squeeze3A_74 : f32 to vector<16xf32>
      %slice3A_76 = vector.extract_strided_slice %exp3A {offsets = [7], sizes = [1], strides = [1]} : vector<16xf32> to vector<1xf32>
      %squeeze3A_77 = vector.extract %slice3A_76[0] : f32 from vector<1xf32>
      %broadcast_in_dim3A_78 = vector.broadcast %squeeze3A_77 : f32 to vector<16xf32>
      %get3A_79 = arith.index_cast %scan3A_44 : i32 to index
      %get3A_80 = arith.constant 0 : index
      %get3A_81 = tpu.vector_load %arg10[%get3A_79, %get3A_80] {strides = array<i32>} : memref<80x128xf32, #tpu.memory_space<vmem>>, vector<1x16xf32>,
      %get3A_82 = vector.shape_cast %get3A_81 : vector<1x16xf32> to vector<16xf32>
      %select_n3A_83 = arith.select %lt3A_8, %broadcast_in_dim3A, %broadcast_in_dim3A_60 : vector<16xi1>, vector<16xf32>
      %mul3A_84 = arith.mulf %get3A_82, %select_n3A_83 : vector<16xf32>
      %swap3A = arith.index_cast %scan3A_44 : i32 to index
      %swap3A_85 = arith.constant 0 : index
      %swap3A_86 = tpu.vector_load %arg10[%swap3A, %swap3A_85] {strides = array<i32>} : memref<80x128xf32, #tpu.memory_space<vmem>>, vector<1x16xf32>,
      %swap3A_87 = vector.shape_cast %swap3A_86 : vector<1x16xf32> to vector<16xf32>
      %swap3A_88 = vector.shape_cast %mul3A_84 : vector<16xf32> to vector<1x16xf32>
      tpu.vector_store %arg10[%swap3A, %swap3A_85], %swap3A_88 {strides = array<i32>} : memref<80x128xf32, #tpu.memory_space<vmem>>, vector<1x16xf32>,
      %get3A_89 = arith.index_cast %scan3A_44 : i32 to index
      %get3A_90 = arith.constant 16 : index
      %get3A_91 = tpu.vector_load %arg10[%get3A_89, %get3A_90] {strides = array<i32>} : memref<80x128xf32, #tpu.memory_space<vmem>>, vector<1x16xf32>,
      %get3A_92 = vector.shape_cast %get3A_91 : vector<1x16xf32> to vector<16xf32>
      %select_n3A_93 = arith.select %lt3A_8, %broadcast_in_dim3A_63, %broadcast_in_dim3A_66 : vector<16xi1>, vector<16xf32>
      %mul3A_94 = arith.mulf %get3A_92, %select_n3A_93 : vector<16xf32>
      %swap3A_95 = arith.index_cast %scan3A_44 : i32 to index
      %swap3A_96 = arith.constant 16 : index
      %swap3A_97 = tpu.vector_load %arg10[%swap3A_95, %swap3A_96] {strides = array<i32>} : memref<80x128xf32, #tpu.memory_space<vmem>>, vector<1x16xf32>,
      %swap3A_98 = vector.shape_cast %swap3A_97 : vector<1x16xf32> to vector<16xf32>
      %swap3A_99 = vector.shape_cast %mul3A_94 : vector<16xf32> to vector<1x16xf32>
      tpu.vector_store %arg10[%swap3A_95, %swap3A_96], %swap3A_99 {strides = array<i32>} : memref<80x128xf32, #tpu.memory_space<vmem>>, vector<1x16xf32>,
      %get3A_100 = arith.index_cast %scan3A_44 : i32 to index
      %get3A_101 = arith.constant 32 : index
      %get3A_102 = tpu.vector_load %arg10[%get3A_100, %get3A_101] {strides = array<i32>} : memref<80x128xf32, #tpu.memory_space<vmem>>, vector<1x16xf32>,
      %get3A_103 = vector.shape_cast %get3A_102 : vector<1x16xf32> to vector<16xf32>
      %select_n3A_104 = arith.select %lt3A_8, %broadcast_in_dim3A_69, %broadcast_in_dim3A_72 : vector<16xi1>, vector<16xf32>
      %mul3A_105 = arith.mulf %get3A_103, %select_n3A_104 : vector<16xf32>
      %swap3A_106 = arith.index_cast %scan3A_44 : i32 to index
      %swap3A_107 = arith.constant 32 : index
      %swap3A_108 = tpu.vector_load %arg10[%swap3A_106, %swap3A_107] {strides = array<i32>} : memref<80x128xf32, #tpu.memory_space<vmem>>, vector<1x16xf32>,
      %swap3A_109 = vector.shape_cast %swap3A_108 : vector<1x16xf32> to vector<16xf32>
      %swap3A_110 = vector.shape_cast %mul3A_105 : vector<16xf32> to vector<1x16xf32>
      tpu.vector_store %arg10[%swap3A_106, %swap3A_107], %swap3A_110 {strides = array<i32>} : memref<80x128xf32, #tpu.memory_space<vmem>>, vector<1x16xf32>,
      %get3A_111 = arith.index_cast %scan3A_44 : i32 to index
      %get3A_112 = arith.constant 48 : index
      %get3A_113 = tpu.vector_load %arg10[%get3A_111, %get3A_112] {strides = array<i32>} : memref<80x128xf32, #tpu.memory_space<vmem>>, vector<1x16xf32>,
      %get3A_114 = vector.shape_cast %get3A_113 : vector<1x16xf32> to vector<16xf32>
      %select_n3A_115 = arith.select %lt3A_8, %broadcast_in_dim3A_75, %broadcast_in_dim3A_78 : vector<16xi1>, vector<16xf32>
      %mul3A_116 = arith.mulf %get3A_114, %select_n3A_115 : vector<16xf32>
      %swap3A_117 = arith.index_cast %scan3A_44 : i32 to index
      %swap3A_118 = arith.constant 48 : index
      %swap3A_119 = tpu.vector_load %arg10[%swap3A_117, %swap3A_118] {strides = array<i32>} : memref<80x128xf32, #tpu.memory_space<vmem>>, vector<1x16xf32>,
      %swap3A_120 = vector.shape_cast %swap3A_119 : vector<1x16xf32> to vector<16xf32>
      %swap3A_121 = vector.shape_cast %mul3A_116 : vector<16xf32> to vector<1x16xf32>
      tpu.vector_store %arg10[%swap3A_117, %swap3A_118], %swap3A_121 {strides = array<i32>} : memref<80x128xf32, #tpu.memory_space<vmem>>, vector<1x16xf32>,
      %swap3A_122 = arith.index_cast %scan3A_44 : i32 to index
      %swap3A_123 = arith.constant 64 : index
      %swap3A_124 = tpu.vector_load %arg10[%swap3A_122, %swap3A_123] {strides = array<i32>} : memref<80x128xf32, #tpu.memory_space<vmem>>, vector<1x16xf32>,
      %swap3A_125 = vector.shape_cast %swap3A_124 : vector<1x16xf32> to vector<16xf32>
      %swap3A_126 = vector.shape_cast %exp3A : vector<16xf32> to vector<1x16xf32>
      tpu.vector_store %arg10[%swap3A_122, %swap3A_123], %swap3A_126 {strides = array<i32>} : memref<80x128xf32, #tpu.memory_space<vmem>>, vector<1x16xf32>,
    }
    %scan3A_33 = arith.constant 80 : i32
    "tpu.region"() ({
      %run_scoped3A = tpu.sem_alloc : memref<!tpu.dma_semaphore, #tpu.memory_space<semaphore_mem>>
      %dma_start3A_44 = arith.constant 0 : i32
      %dma_start3A_45 = arith.constant 0 : i32
      %dma_start3A_46 = tpu.memref_slice %arg7[%dma_start3A_44, %dma_start3A_45] : memref<10000x128xf32, #tpu.memory_space<vmem_shared>> -> memref<10000x128xf32, #tpu.memory_space<vmem_shared>>
      tpu.enqueue_indirect_dma source(%arg10 : memref<80x128xf32, #tpu.memory_space<vmem>>) target(%dma_start3A_46 : memref<10000x128xf32, #tpu.memory_space<vmem_shared>>) offsets(%arg9 : memref<80xi32, #tpu.memory_space<vmem>>) semaphore(%run_scoped3A : memref<!tpu.dma_semaphore, #tpu.memory_space<semaphore_mem>>) {add = true}
      %dma_wait3A_47 = arith.constant 0 : i32
      %dma_wait3A_48 = arith.constant 0 : i32
      %dma_wait3A_49 = tpu.memref_slice %arg7[%dma_wait3A_47, %dma_wait3A_48] : memref<10000x128xf32, #tpu.memory_space<vmem_shared>> -> memref<10000x128xf32, #tpu.memory_space<vmem_shared>>
      tpu.wait_indirect_dma semaphore(%run_scoped3A : memref<!tpu.dma_semaphore, #tpu.memory_space<semaphore_mem>>) src(%arg10 : memref<80x128xf32, #tpu.memory_space<vmem>>) dst(%dma_wait3A_49 : memref<10000x128xf32, #tpu.memory_space<vmem_shared>>)
      tpu.yield
    }) : () -> ()
    %barrier3A_34 = arith.constant 0 : index
    tpu.barrier barrier_id(%barrier3A_34)
    %mul3A_35 = arith.constant 624 : i32
    %mul3A_36 = arith.muli %arg1, %mul3A_35 : i32
    %mul3A_37 = arith.constant 624 : i32
    %mul3A_38 = arith.muli %arg1, %mul3A_37 : i32
    "tpu.region"() ({
      %run_scoped3A = tpu.sem_alloc : memref<!tpu.dma_semaphore, #tpu.memory_space<semaphore_mem>>
      %dma_start3A_44 = arith.constant 0 : i32
      %dma_start3A_45 = tpu.memref_slice %arg6[%arg0, %mul3A_38, %dma_start3A_44] : memref<2x10000x128xf32, #tpu.memory_space<hbm>> -> memref<1x624x128xf32, #tpu.memory_space<hbm>>
      %dma_start3A_46 = tpu.memref_squeeze %dma_start3A_45 : memref<1x624x128xf32, #tpu.memory_space<hbm>> -> memref<624x128xf32, #tpu.memory_space<hbm>>
      %dma_start3A_47 = arith.constant 0 : i32
      %dma_start3A_48 = tpu.memref_slice %arg7[%mul3A_36, %dma_start3A_47] : memref<10000x128xf32, #tpu.memory_space<vmem_shared>> -> memref<624x128xf32, #tpu.memory_space<vmem_shared>>
      tpu.enqueue_dma source(%dma_start3A_48 : memref<624x128xf32, #tpu.memory_space<vmem_shared>>) target(%dma_start3A_46 : memref<624x128xf32, #tpu.memory_space<hbm>>) target_semaphore(%run_scoped3A : memref<!tpu.dma_semaphore, #tpu.memory_space<semaphore_mem>>)
      %dma_wait3A_49 = arith.constant 0 : i32
      %dma_wait3A_50 = tpu.memref_slice %arg6[%arg0, %mul3A_38, %dma_wait3A_49] : memref<2x10000x128xf32, #tpu.memory_space<hbm>> -> memref<1x624x128xf32, #tpu.memory_space<hbm>>
      %dma_wait3A_51 = tpu.memref_squeeze %dma_wait3A_50 : memref<1x624x128xf32, #tpu.memory_space<hbm>> -> memref<624x128xf32, #tpu.memory_space<hbm>>
      %dma_wait3A_52 = arith.constant 0 : i32
      %dma_wait3A_53 = tpu.memref_slice %arg7[%mul3A_36, %dma_wait3A_52] : memref<10000x128xf32, #tpu.memory_space<vmem_shared>> -> memref<624x128xf32, #tpu.memory_space<vmem_shared>>
      tpu.wait_dma2 semaphore(%run_scoped3A : memref<!tpu.dma_semaphore, #tpu.memory_space<semaphore_mem>>) src(%dma_wait3A_53 : memref<624x128xf32, #tpu.memory_space<vmem_shared>>) dst(%dma_wait3A_51 : memref<624x128xf32, #tpu.memory_space<hbm>>)
      tpu.yield
    }) : () -> ()
    %eq3A_39 = arith.constant 15 : i32
    %eq3A_40 = arith.cmpi eq, %arg1, %eq3A_39 : i32
    %convert_element_type3A_41 = arith.extui %eq3A_40 : i1 to i32
    %cond3A_42 = arith.constant 0 : i32
    %cond3A_43 = arith.cmpi ne, %convert_element_type3A_41, %cond3A_42 : i32
    scf.if %cond3A_43 {
      "tpu.region"() ({
        %run_scoped3A = tpu.sem_alloc : memref<!tpu.dma_semaphore, #tpu.memory_space<semaphore_mem>>
        %dma_start3A_44 = arith.constant 9984 : i32
        %dma_start3A_45 = arith.constant 0 : i32
        %dma_start3A_46 = tpu.memref_slice %arg6[%arg0, %dma_start3A_44, %dma_start3A_45] : memref<2x10000x128xf32, #tpu.memory_space<hbm>> -> memref<1x16x128xf32, #tpu.memory_space<hbm>>
        %dma_start3A_47 = tpu.memref_squeeze %dma_start3A_46 : memref<1x16x128xf32, #tpu.memory_space<hbm>> -> memref<16x128xf32, #tpu.memory_space<hbm>>
        %dma_start3A_48 = arith.constant 9984 : i32
        %dma_start3A_49 = arith.constant 0 : i32
        %dma_start3A_50 = tpu.memref_slice %arg7[%dma_start3A_48, %dma_start3A_49] : memref<10000x128xf32, #tpu.memory_space<vmem_shared>> -> memref<16x128xf32, #tpu.memory_space<vmem_shared>>
        tpu.enqueue_dma source(%dma_start3A_50 : memref<16x128xf32, #tpu.memory_space<vmem_shared>>) target(%dma_start3A_47 : memref<16x128xf32, #tpu.memory_space<hbm>>) target_semaphore(%run_scoped3A : memref<!tpu.dma_semaphore, #tpu.memory_space<semaphore_mem>>)
        %dma_wait3A_51 = arith.constant 9984 : i32
        %dma_wait3A_52 = arith.constant 0 : i32
        %dma_wait3A_53 = tpu.memref_slice %arg6[%arg0, %dma_wait3A_51, %dma_wait3A_52] : memref<2x10000x128xf32, #tpu.memory_space<hbm>> -> memref<1x16x128xf32, #tpu.memory_space<hbm>>
        %dma_wait3A_54 = tpu.memref_squeeze %dma_wait3A_53 : memref<1x16x128xf32, #tpu.memory_space<hbm>> -> memref<16x128xf32, #tpu.memory_space<hbm>>
        %dma_wait3A_55 = arith.constant 9984 : i32
        %dma_wait3A_56 = arith.constant 0 : i32
        %dma_wait3A_57 = tpu.memref_slice %arg7[%dma_wait3A_55, %dma_wait3A_56] : memref<10000x128xf32, #tpu.memory_space<vmem_shared>> -> memref<16x128xf32, #tpu.memory_space<vmem_shared>>
        tpu.wait_dma2 semaphore(%run_scoped3A : memref<!tpu.dma_semaphore, #tpu.memory_space<semaphore_mem>>) src(%dma_wait3A_57 : memref<16x128xf32, #tpu.memory_space<vmem_shared>>) dst(%dma_wait3A_54 : memref<16x128xf32, #tpu.memory_space<hbm>>)
        tpu.yield
      }) : () -> ()
    } else {
    }
    return
  }
}

#map = affine_map<(d0, d1) -> (0)>
#map1 = affine_map<(d0, d1) -> (0, 0)>
#map2 = affine_map<(d0, d1) -> (0, 0, 0)>
module attributes {stable_mosaic.version = 14 : i64} {
  func.func @_sc_edge_body(%arg0: i32, %arg1: i32, %arg2: memref<320000xi32, #tpu.memory_space<hbm>>, %arg3: memref<320000xi32, #tpu.memory_space<hbm>>, %arg4: memref<10000x128xf32, #tpu.memory_space<hbm>>, %arg5: memref<10000x128xf32, #tpu.memory_space<hbm>>, %arg6: memref<2x10000x128xf32, #tpu.memory_space<hbm>>, %arg7: memref<10000x128xf32, #tpu.memory_space<vmem_shared>>, %arg8: memref<80xi32, #tpu.memory_space<vmem>>, %arg9: memref<80xi32, #tpu.memory_space<vmem>>, %arg10: memref<80x128xf32, #tpu.memory_space<vmem>>, %arg11: memref<80x128xf32, #tpu.memory_space<vmem>>, %arg12: memref<80xi32, #tpu.memory_space<vmem>>, %arg13: memref<80xi32, #tpu.memory_space<vmem>>, %arg14: memref<80x128xf32, #tpu.memory_space<vmem>>, %arg15: memref<80x128xf32, #tpu.memory_space<vmem>>, %arg16: memref<!tpu.dma_semaphore, #tpu.memory_space<semaphore_mem>>, %arg17: memref<!tpu.dma_semaphore, #tpu.memory_space<semaphore_mem>>, %arg18: memref<!tpu.dma_semaphore, #tpu.memory_space<semaphore_mem>>, %arg19: memref<!tpu.dma_semaphore, #tpu.memory_space<semaphore_mem>>) attributes {dimension_semantics = [#tpu.dimension_semantics<core_parallel>, #tpu.dimension_semantics<subcore_parallel>], iteration_bounds = array<i64: 2, 16>, scalar_prefetch = 0 : i64, scratch_operands = 13 : i64, tpu.core_type = #tpu.core_type<sc_vector_subcore>, window_params = [{transform_indices = #map}, {transform_indices = #map}, {transform_indices = #map1}, {transform_indices = #map1}, {transform_indices = #map2}]} {
    %mul3A = arith.constant 16 : i32
    %mul3A_0 = arith.muli %arg0, %mul3A : i32
    %add3A = arith.addi %mul3A_0, %arg1 : i32
    %mul3A_1 = arith.constant 624 : i32
    %mul3A_2 = arith.muli %arg1, %mul3A_1 : i32
    %mul3A_3 = arith.constant 624 : i32
    %mul3A_4 = arith.muli %arg1, %mul3A_3 : i32
    "tpu.region"() ({
      %run_scoped3A = tpu.sem_alloc : memref<!tpu.dma_semaphore, #tpu.memory_space<semaphore_mem>>
      %dma_start3A_44 = arith.constant 0 : i32
      %dma_start3A_45 = tpu.memref_slice %arg7[%mul3A_4, %dma_start3A_44] : memref<10000x128xf32, #tpu.memory_space<vmem_shared>> -> memref<624x128xf32, #tpu.memory_space<vmem_shared>>
      %dma_start3A_46 = arith.constant 0 : i32
      %dma_start3A_47 = tpu.memref_slice %arg5[%mul3A_2, %dma_start3A_46] : memref<10000x128xf32, #tpu.memory_space<hbm>> -> memref<624x128xf32, #tpu.memory_space<hbm>>
      tpu.enqueue_dma source(%dma_start3A_47 : memref<624x128xf32, #tpu.memory_space<hbm>>) target(%dma_start3A_45 : memref<624x128xf32, #tpu.memory_space<vmem_shared>>) target_semaphore(%run_scoped3A : memref<!tpu.dma_semaphore, #tpu.memory_space<semaphore_mem>>)
      %dma_wait3A_48 = arith.constant 0 : i32
      %dma_wait3A_49 = tpu.memref_slice %arg7[%mul3A_4, %dma_wait3A_48] : memref<10000x128xf32, #tpu.memory_space<vmem_shared>> -> memref<624x128xf32, #tpu.memory_space<vmem_shared>>
      %dma_wait3A_50 = arith.constant 0 : i32
      %dma_wait3A_51 = tpu.memref_slice %arg5[%mul3A_2, %dma_wait3A_50] : memref<10000x128xf32, #tpu.memory_space<hbm>> -> memref<624x128xf32, #tpu.memory_space<hbm>>
      tpu.wait_dma2 semaphore(%run_scoped3A : memref<!tpu.dma_semaphore, #tpu.memory_space<semaphore_mem>>) src(%dma_wait3A_51 : memref<624x128xf32, #tpu.memory_space<hbm>>) dst(%dma_wait3A_49 : memref<624x128xf32, #tpu.memory_space<vmem_shared>>)
      tpu.yield
    }) : () -> ()
    %eq3A = arith.constant 15 : i32
    %eq3A_5 = arith.cmpi eq, %arg1, %eq3A : i32
    %convert_element_type3A = arith.extui %eq3A_5 : i1 to i32
    %cond3A = arith.constant 0 : i32
    %cond3A_6 = arith.cmpi ne, %convert_element_type3A, %cond3A : i32
    scf.if %cond3A_6 {
      "tpu.region"() ({
        %run_scoped3A = tpu.sem_alloc : memref<!tpu.dma_semaphore, #tpu.memory_space<semaphore_mem>>
        %dma_start3A_44 = arith.constant 9984 : i32
        %dma_start3A_45 = arith.constant 0 : i32
        %dma_start3A_46 = tpu.memref_slice %arg7[%dma_start3A_44, %dma_start3A_45] : memref<10000x128xf32, #tpu.memory_space<vmem_shared>> -> memref<16x128xf32, #tpu.memory_space<vmem_shared>>
        %dma_start3A_47 = arith.constant 9984 : i32
        %dma_start3A_48 = arith.constant 0 : i32
        %dma_start3A_49 = tpu.memref_slice %arg5[%dma_start3A_47, %dma_start3A_48] : memref<10000x128xf32, #tpu.memory_space<hbm>> -> memref<16x128xf32, #tpu.memory_space<hbm>>
        tpu.enqueue_dma source(%dma_start3A_49 : memref<16x128xf32, #tpu.memory_space<hbm>>) target(%dma_start3A_46 : memref<16x128xf32, #tpu.memory_space<vmem_shared>>) target_semaphore(%run_scoped3A : memref<!tpu.dma_semaphore, #tpu.memory_space<semaphore_mem>>)
        %dma_wait3A_50 = arith.constant 9984 : i32
        %dma_wait3A_51 = arith.constant 0 : i32
        %dma_wait3A_52 = tpu.memref_slice %arg7[%dma_wait3A_50, %dma_wait3A_51] : memref<10000x128xf32, #tpu.memory_space<vmem_shared>> -> memref<16x128xf32, #tpu.memory_space<vmem_shared>>
        %dma_wait3A_53 = arith.constant 9984 : i32
        %dma_wait3A_54 = arith.constant 0 : i32
        %dma_wait3A_55 = tpu.memref_slice %arg5[%dma_wait3A_53, %dma_wait3A_54] : memref<10000x128xf32, #tpu.memory_space<hbm>> -> memref<16x128xf32, #tpu.memory_space<hbm>>
        tpu.wait_dma2 semaphore(%run_scoped3A : memref<!tpu.dma_semaphore, #tpu.memory_space<semaphore_mem>>) src(%dma_wait3A_55 : memref<16x128xf32, #tpu.memory_space<hbm>>) dst(%dma_wait3A_52 : memref<16x128xf32, #tpu.memory_space<vmem_shared>>)
        tpu.yield
      }) : () -> ()
    } else {
    }
    %barrier3A = arith.constant 0 : index
    tpu.barrier barrier_id(%barrier3A)
    %iota3A = tpu.iota {dimensions = array<i32: 0>} : vector<16xi32>
    %lt3A = arith.constant 8 : i32
    %lt3A_7 = vector.broadcast %lt3A : i32 to vector<16xi32>
    %lt3A_8 = arith.cmpi slt, %iota3A, %lt3A_7 : vector<16xi32>
    %mul3A_9 = arith.constant 10000 : i32
    %mul3A_10 = arith.muli %add3A, %mul3A_9 : i32
    %add3A_11 = arith.constant 0 : i32
    %add3A_12 = arith.addi %mul3A_10, %add3A_11 : i32
    "tpu.region"() ({
      %run_scoped3A = tpu.sem_alloc : memref<!tpu.dma_semaphore, #tpu.memory_space<semaphore_mem>>
      %dma_start3A_44 = tpu.memref_slice %arg2[%add3A_12] : memref<320000xi32, #tpu.memory_space<hbm>> -> memref<80xi32, #tpu.memory_space<hbm>>
      %dma_start3A_45 = tpu.memref_slice %arg2[%add3A_12] : memref<320000xi32, #tpu.memory_space<hbm>> -> memref<80xi32, #tpu.memory_space<hbm>>
      tpu.enqueue_dma source(%dma_start3A_45 : memref<80xi32, #tpu.memory_space<hbm>>) target(%arg8 : memref<80xi32, #tpu.memory_space<vmem>>) target_semaphore(%run_scoped3A : memref<!tpu.dma_semaphore, #tpu.memory_space<semaphore_mem>>)
      %dma_wait3A_46 = tpu.memref_slice %arg2[%add3A_12] : memref<320000xi32, #tpu.memory_space<hbm>> -> memref<80xi32, #tpu.memory_space<hbm>>
      %dma_wait3A_47 = tpu.memref_slice %arg2[%add3A_12] : memref<320000xi32, #tpu.memory_space<hbm>> -> memref<80xi32, #tpu.memory_space<hbm>>
      tpu.wait_dma2 semaphore(%run_scoped3A : memref<!tpu.dma_semaphore, #tpu.memory_space<semaphore_mem>>) src(%dma_wait3A_47 : memref<80xi32, #tpu.memory_space<hbm>>) dst(%arg8 : memref<80xi32, #tpu.memory_space<vmem>>)
      tpu.yield
    }) : () -> ()
    "tpu.region"() ({
      %run_scoped3A = tpu.sem_alloc : memref<!tpu.dma_semaphore, #tpu.memory_space<semaphore_mem>>
      %dma_start3A_44 = tpu.memref_slice %arg3[%add3A_12] : memref<320000xi32, #tpu.memory_space<hbm>> -> memref<80xi32, #tpu.memory_space<hbm>>
      %dma_start3A_45 = tpu.memref_slice %arg3[%add3A_12] : memref<320000xi32, #tpu.memory_space<hbm>> -> memref<80xi32, #tpu.memory_space<hbm>>
      tpu.enqueue_dma source(%dma_start3A_45 : memref<80xi32, #tpu.memory_space<hbm>>) target(%arg9 : memref<80xi32, #tpu.memory_space<vmem>>) target_semaphore(%run_scoped3A : memref<!tpu.dma_semaphore, #tpu.memory_space<semaphore_mem>>)
      %dma_wait3A_46 = tpu.memref_slice %arg3[%add3A_12] : memref<320000xi32, #tpu.memory_space<hbm>> -> memref<80xi32, #tpu.memory_space<hbm>>
      %dma_wait3A_47 = tpu.memref_slice %arg3[%add3A_12] : memref<320000xi32, #tpu.memory_space<hbm>> -> memref<80xi32, #tpu.memory_space<hbm>>
      tpu.wait_dma2 semaphore(%run_scoped3A : memref<!tpu.dma_semaphore, #tpu.memory_space<semaphore_mem>>) src(%dma_wait3A_47 : memref<80xi32, #tpu.memory_space<hbm>>) dst(%arg9 : memref<80xi32, #tpu.memory_space<vmem>>)
      tpu.yield
    }) : () -> ()
    %dma_start3A = arith.constant 0 : i32
    %dma_start3A_13 = arith.constant 0 : i32
    %dma_start3A_14 = tpu.memref_slice %arg4[%dma_start3A, %dma_start3A_13] : memref<10000x128xf32, #tpu.memory_space<hbm>> -> memref<10000x128xf32, #tpu.memory_space<hbm>>
    tpu.enqueue_indirect_dma source(%dma_start3A_14 : memref<10000x128xf32, #tpu.memory_space<hbm>>) target(%arg10 : memref<80x128xf32, #tpu.memory_space<vmem>>) offsets(%arg8 : memref<80xi32, #tpu.memory_space<vmem>>) semaphore(%arg16 : memref<!tpu.dma_semaphore, #tpu.memory_space<semaphore_mem>>)
    %dma_start3A_15 = arith.constant 0 : i32
    %dma_start3A_16 = arith.constant 0 : i32
    %dma_start3A_17 = tpu.memref_slice %arg4[%dma_start3A_15, %dma_start3A_16] : memref<10000x128xf32, #tpu.memory_space<hbm>> -> memref<10000x128xf32, #tpu.memory_space<hbm>>
    tpu.enqueue_indirect_dma source(%dma_start3A_17 : memref<10000x128xf32, #tpu.memory_space<hbm>>) target(%arg11 : memref<80x128xf32, #tpu.memory_space<vmem>>) offsets(%arg9 : memref<80xi32, #tpu.memory_space<vmem>>) semaphore(%arg17 : memref<!tpu.dma_semaphore, #tpu.memory_space<semaphore_mem>>)
    %scan3A = arith.constant 0 : i32
    %scan3A_18 = arith.constant 0 : i32
    %scan3A_19 = arith.constant 62 : i32
    %scan3A_20 = arith.addi %scan3A_18, %scan3A_19 : i32
    %scan3A_21 = arith.constant 1 : i32
    scf.for %scan3A_44 = %scan3A_18 to %scan3A_20 step %scan3A_21  : i32 {
      %mul3A_45 = arith.constant 2 : i32
      %mul3A_46 = arith.muli %mul3A_45, %scan3A_44 : i32
      %add3A_47 = arith.constant 1 : i32
      %add3A_48 = arith.addi %mul3A_46, %add3A_47 : i32
      %mul3A_49 = arith.constant 80 : i32
      %mul3A_50 = arith.muli %add3A_48, %mul3A_49 : i32
      %add3A_51 = arith.addi %mul3A_10, %mul3A_50 : i32
      "tpu.region"() ({
        %run_scoped3A = tpu.sem_alloc : memref<!tpu.dma_semaphore, #tpu.memory_space<semaphore_mem>>
        %dma_start3A_95 = tpu.memref_slice %arg2[%add3A_51] : memref<320000xi32, #tpu.memory_space<hbm>> -> memref<80xi32, #tpu.memory_space<hbm>>
        %dma_start3A_96 = tpu.memref_slice %arg2[%add3A_51] : memref<320000xi32, #tpu.memory_space<hbm>> -> memref<80xi32, #tpu.memory_space<hbm>>
        tpu.enqueue_dma source(%dma_start3A_96 : memref<80xi32, #tpu.memory_space<hbm>>) target(%arg12 : memref<80xi32, #tpu.memory_space<vmem>>) target_semaphore(%run_scoped3A : memref<!tpu.dma_semaphore, #tpu.memory_space<semaphore_mem>>)
        %dma_wait3A_97 = tpu.memref_slice %arg2[%add3A_51] : memref<320000xi32, #tpu.memory_space<hbm>> -> memref<80xi32, #tpu.memory_space<hbm>>
        %dma_wait3A_98 = tpu.memref_slice %arg2[%add3A_51] : memref<320000xi32, #tpu.memory_space<hbm>> -> memref<80xi32, #tpu.memory_space<hbm>>
        tpu.wait_dma2 semaphore(%run_scoped3A : memref<!tpu.dma_semaphore, #tpu.memory_space<semaphore_mem>>) src(%dma_wait3A_98 : memref<80xi32, #tpu.memory_space<hbm>>) dst(%arg12 : memref<80xi32, #tpu.memory_space<vmem>>)
        tpu.yield
      }) : () -> ()
      "tpu.region"() ({
        %run_scoped3A = tpu.sem_alloc : memref<!tpu.dma_semaphore, #tpu.memory_space<semaphore_mem>>
        %dma_start3A_95 = tpu.memref_slice %arg3[%add3A_51] : memref<320000xi32, #tpu.memory_space<hbm>> -> memref<80xi32, #tpu.memory_space<hbm>>
        %dma_start3A_96 = tpu.memref_slice %arg3[%add3A_51] : memref<320000xi32, #tpu.memory_space<hbm>> -> memref<80xi32, #tpu.memory_space<hbm>>
        tpu.enqueue_dma source(%dma_start3A_96 : memref<80xi32, #tpu.memory_space<hbm>>) target(%arg13 : memref<80xi32, #tpu.memory_space<vmem>>) target_semaphore(%run_scoped3A : memref<!tpu.dma_semaphore, #tpu.memory_space<semaphore_mem>>)
        %dma_wait3A_97 = tpu.memref_slice %arg3[%add3A_51] : memref<320000xi32, #tpu.memory_space<hbm>> -> memref<80xi32, #tpu.memory_space<hbm>>
        %dma_wait3A_98 = tpu.memref_slice %arg3[%add3A_51] : memref<320000xi32, #tpu.memory_space<hbm>> -> memref<80xi32, #tpu.memory_space<hbm>>
        tpu.wait_dma2 semaphore(%run_scoped3A : memref<!tpu.dma_semaphore, #tpu.memory_space<semaphore_mem>>) src(%dma_wait3A_98 : memref<80xi32, #tpu.memory_space<hbm>>) dst(%arg13 : memref<80xi32, #tpu.memory_space<vmem>>)
        tpu.yield
      }) : () -> ()
      %dma_start3A_52 = arith.constant 0 : i32
      %dma_start3A_53 = arith.constant 0 : i32
      %dma_start3A_54 = tpu.memref_slice %arg4[%dma_start3A_52, %dma_start3A_53] : memref<10000x128xf32, #tpu.memory_space<hbm>> -> memref<10000x128xf32, #tpu.memory_space<hbm>>
      tpu.enqueue_indirect_dma source(%dma_start3A_54 : memref<10000x128xf32, #tpu.memory_space<hbm>>) target(%arg14 : memref<80x128xf32, #tpu.memory_space<vmem>>) offsets(%arg12 : memref<80xi32, #tpu.memory_space<vmem>>) semaphore(%arg18 : memref<!tpu.dma_semaphore, #tpu.memory_space<semaphore_mem>>)
      %dma_start3A_55 = arith.constant 0 : i32
      %dma_start3A_56 = arith.constant 0 : i32
      %dma_start3A_57 = tpu.memref_slice %arg4[%dma_start3A_55, %dma_start3A_56] : memref<10000x128xf32, #tpu.memory_space<hbm>> -> memref<10000x128xf32, #tpu.memory_space<hbm>>
      tpu.enqueue_indirect_dma source(%dma_start3A_57 : memref<10000x128xf32, #tpu.memory_space<hbm>>) target(%arg15 : memref<80x128xf32, #tpu.memory_space<vmem>>) offsets(%arg13 : memref<80xi32, #tpu.memory_space<vmem>>) semaphore(%arg19 : memref<!tpu.dma_semaphore, #tpu.memory_space<semaphore_mem>>)
      %dma_wait3A_58 = arith.constant 0 : i32
      %dma_wait3A_59 = arith.constant 0 : i32
      %dma_wait3A_60 = tpu.memref_slice %arg4[%dma_wait3A_58, %dma_wait3A_59] : memref<10000x128xf32, #tpu.memory_space<hbm>> -> memref<10000x128xf32, #tpu.memory_space<hbm>>
      tpu.wait_indirect_dma semaphore(%arg16 : memref<!tpu.dma_semaphore, #tpu.memory_space<semaphore_mem>>) src(%dma_wait3A_60 : memref<10000x128xf32, #tpu.memory_space<hbm>>) dst(%arg10 : memref<80x128xf32, #tpu.memory_space<vmem>>)
      %dma_wait3A_61 = arith.constant 0 : i32
      %dma_wait3A_62 = arith.constant 0 : i32
      %dma_wait3A_63 = tpu.memref_slice %arg4[%dma_wait3A_61, %dma_wait3A_62] : memref<10000x128xf32, #tpu.memory_space<hbm>> -> memref<10000x128xf32, #tpu.memory_space<hbm>>
      tpu.wait_indirect_dma semaphore(%arg17 : memref<!tpu.dma_semaphore, #tpu.memory_space<semaphore_mem>>) src(%dma_wait3A_63 : memref<10000x128xf32, #tpu.memory_space<hbm>>) dst(%arg11 : memref<80x128xf32, #tpu.memory_space<vmem>>)
      %scan3A_64 = arith.constant 0 : i32
      %scan3A_65 = arith.constant 0 : i32
      %scan3A_66 = arith.constant 80 : i32
      %scan3A_67 = arith.addi %scan3A_65, %scan3A_66 : i32
      %scan3A_68 = arith.constant 1 : i32
      scf.for %scan3A_95 = %scan3A_65 to %scan3A_67 step %scan3A_68  : i32 {
        %get3A = arith.index_cast %scan3A_95 : i32 to index
        %get3A_96 = arith.constant 64 : index
        %get3A_97 = tpu.vector_load %arg10[%get3A, %get3A_96] {strides = array<i32>} : memref<80x128xf32, #tpu.memory_space<vmem>>, vector<1x16xf32>,
        %get3A_98 = vector.shape_cast %get3A_97 : vector<1x16xf32> to vector<16xf32>
        %get3A_99 = arith.index_cast %scan3A_95 : i32 to index
        %get3A_100 = arith.constant 80 : index
        %get3A_101 = tpu.vector_load %arg11[%get3A_99, %get3A_100] {strides = array<i32>} : memref<80x128xf32, #tpu.memory_space<vmem>>, vector<1x16xf32>,
        %get3A_102 = vector.shape_cast %get3A_101 : vector<1x16xf32> to vector<16xf32>
        %add3A_103 = arith.addf %get3A_98, %get3A_102 : vector<16xf32>
        %ge3A = arith.constant 0.000000e+00 : f32
        %ge3A_104 = vector.broadcast %ge3A : f32 to vector<16xf32>
        %ge3A_105 = arith.cmpf oge, %add3A_103, %ge3A_104 : vector<16xf32>
        %mul3A_106 = arith.constant 2.000000e-01 : f32
        %mul3A_107 = vector.broadcast %mul3A_106 : f32 to vector<16xf32>
        %mul3A_108 = arith.mulf %mul3A_107, %add3A_103 : vector<16xf32>
        %select_n3A = arith.select %ge3A_105, %add3A_103, %mul3A_108 : vector<16xi1>, vector<16xf32>
        %exp3A = math.exp %select_n3A : vector<16xf32>
        %slice3A = vector.extract_strided_slice %exp3A {offsets = [0], sizes = [1], strides = [1]} : vector<16xf32> to vector<1xf32>
        %squeeze3A = vector.extract %slice3A[0] : f32 from vector<1xf32>
        %broadcast_in_dim3A = vector.broadcast %squeeze3A : f32 to vector<16xf32>
        %slice3A_109 = vector.extract_strided_slice %exp3A {offsets = [1], sizes = [1], strides = [1]} : vector<16xf32> to vector<1xf32>
        %squeeze3A_110 = vector.extract %slice3A_109[0] : f32 from vector<1xf32>
        %broadcast_in_dim3A_111 = vector.broadcast %squeeze3A_110 : f32 to vector<16xf32>
        %slice3A_112 = vector.extract_strided_slice %exp3A {offsets = [2], sizes = [1], strides = [1]} : vector<16xf32> to vector<1xf32>
        %squeeze3A_113 = vector.extract %slice3A_112[0] : f32 from vector<1xf32>
        %broadcast_in_dim3A_114 = vector.broadcast %squeeze3A_113 : f32 to vector<16xf32>
        %slice3A_115 = vector.extract_strided_slice %exp3A {offsets = [3], sizes = [1], strides = [1]} : vector<16xf32> to vector<1xf32>
        %squeeze3A_116 = vector.extract %slice3A_115[0] : f32 from vector<1xf32>
        %broadcast_in_dim3A_117 = vector.broadcast %squeeze3A_116 : f32 to vector<16xf32>
        %slice3A_118 = vector.extract_strided_slice %exp3A {offsets = [4], sizes = [1], strides = [1]} : vector<16xf32> to vector<1xf32>
        %squeeze3A_119 = vector.extract %slice3A_118[0] : f32 from vector<1xf32>
        %broadcast_in_dim3A_120 = vector.broadcast %squeeze3A_119 : f32 to vector<16xf32>
        %slice3A_121 = vector.extract_strided_slice %exp3A {offsets = [5], sizes = [1], strides = [1]} : vector<16xf32> to vector<1xf32>
        %squeeze3A_122 = vector.extract %slice3A_121[0] : f32 from vector<1xf32>
        %broadcast_in_dim3A_123 = vector.broadcast %squeeze3A_122 : f32 to vector<16xf32>
        %slice3A_124 = vector.extract_strided_slice %exp3A {offsets = [6], sizes = [1], strides = [1]} : vector<16xf32> to vector<1xf32>
        %squeeze3A_125 = vector.extract %slice3A_124[0] : f32 from vector<1xf32>
        %broadcast_in_dim3A_126 = vector.broadcast %squeeze3A_125 : f32 to vector<16xf32>
        %slice3A_127 = vector.extract_strided_slice %exp3A {offsets = [7], sizes = [1], strides = [1]} : vector<16xf32> to vector<1xf32>
        %squeeze3A_128 = vector.extract %slice3A_127[0] : f32 from vector<1xf32>
        %broadcast_in_dim3A_129 = vector.broadcast %squeeze3A_128 : f32 to vector<16xf32>
        %get3A_130 = arith.index_cast %scan3A_95 : i32 to index
        %get3A_131 = arith.constant 0 : index
        %get3A_132 = tpu.vector_load %arg10[%get3A_130, %get3A_131] {strides = array<i32>} : memref<80x128xf32, #tpu.memory_space<vmem>>, vector<1x16xf32>,
        %get3A_133 = vector.shape_cast %get3A_132 : vector<1x16xf32> to vector<16xf32>
        %select_n3A_134 = arith.select %lt3A_8, %broadcast_in_dim3A, %broadcast_in_dim3A_111 : vector<16xi1>, vector<16xf32>
        %mul3A_135 = arith.mulf %get3A_133, %select_n3A_134 : vector<16xf32>
        %swap3A = arith.index_cast %scan3A_95 : i32 to index
        %swap3A_136 = arith.constant 0 : index
        %swap3A_137 = tpu.vector_load %arg10[%swap3A, %swap3A_136] {strides = array<i32>} : memref<80x128xf32, #tpu.memory_space<vmem>>, vector<1x16xf32>,
        %swap3A_138 = vector.shape_cast %swap3A_137 : vector<1x16xf32> to vector<16xf32>
        %swap3A_139 = vector.shape_cast %mul3A_135 : vector<16xf32> to vector<1x16xf32>
        tpu.vector_store %arg10[%swap3A, %swap3A_136], %swap3A_139 {strides = array<i32>} : memref<80x128xf32, #tpu.memory_space<vmem>>, vector<1x16xf32>,
        %get3A_140 = arith.index_cast %scan3A_95 : i32 to index
        %get3A_141 = arith.constant 16 : index
        %get3A_142 = tpu.vector_load %arg10[%get3A_140, %get3A_141] {strides = array<i32>} : memref<80x128xf32, #tpu.memory_space<vmem>>, vector<1x16xf32>,
        %get3A_143 = vector.shape_cast %get3A_142 : vector<1x16xf32> to vector<16xf32>
        %select_n3A_144 = arith.select %lt3A_8, %broadcast_in_dim3A_114, %broadcast_in_dim3A_117 : vector<16xi1>, vector<16xf32>
        %mul3A_145 = arith.mulf %get3A_143, %select_n3A_144 : vector<16xf32>
        %swap3A_146 = arith.index_cast %scan3A_95 : i32 to index
        %swap3A_147 = arith.constant 16 : index
        %swap3A_148 = tpu.vector_load %arg10[%swap3A_146, %swap3A_147] {strides = array<i32>} : memref<80x128xf32, #tpu.memory_space<vmem>>, vector<1x16xf32>,
        %swap3A_149 = vector.shape_cast %swap3A_148 : vector<1x16xf32> to vector<16xf32>
        %swap3A_150 = vector.shape_cast %mul3A_145 : vector<16xf32> to vector<1x16xf32>
        tpu.vector_store %arg10[%swap3A_146, %swap3A_147], %swap3A_150 {strides = array<i32>} : memref<80x128xf32, #tpu.memory_space<vmem>>, vector<1x16xf32>,
        %get3A_151 = arith.index_cast %scan3A_95 : i32 to index
        %get3A_152 = arith.constant 32 : index
        %get3A_153 = tpu.vector_load %arg10[%get3A_151, %get3A_152] {strides = array<i32>} : memref<80x128xf32, #tpu.memory_space<vmem>>, vector<1x16xf32>,
        %get3A_154 = vector.shape_cast %get3A_153 : vector<1x16xf32> to vector<16xf32>
        %select_n3A_155 = arith.select %lt3A_8, %broadcast_in_dim3A_120, %broadcast_in_dim3A_123 : vector<16xi1>, vector<16xf32>
        %mul3A_156 = arith.mulf %get3A_154, %select_n3A_155 : vector<16xf32>
        %swap3A_157 = arith.index_cast %scan3A_95 : i32 to index
        %swap3A_158 = arith.constant 32 : index
        %swap3A_159 = tpu.vector_load %arg10[%swap3A_157, %swap3A_158] {strides = array<i32>} : memref<80x128xf32, #tpu.memory_space<vmem>>, vector<1x16xf32>,
        %swap3A_160 = vector.shape_cast %swap3A_159 : vector<1x16xf32> to vector<16xf32>
        %swap3A_161 = vector.shape_cast %mul3A_156 : vector<16xf32> to vector<1x16xf32>
        tpu.vector_store %arg10[%swap3A_157, %swap3A_158], %swap3A_161 {strides = array<i32>} : memref<80x128xf32, #tpu.memory_space<vmem>>, vector<1x16xf32>,
        %get3A_162 = arith.index_cast %scan3A_95 : i32 to index
        %get3A_163 = arith.constant 48 : index
        %get3A_164 = tpu.vector_load %arg10[%get3A_162, %get3A_163] {strides = array<i32>} : memref<80x128xf32, #tpu.memory_space<vmem>>, vector<1x16xf32>,
        %get3A_165 = vector.shape_cast %get3A_164 : vector<1x16xf32> to vector<16xf32>
        %select_n3A_166 = arith.select %lt3A_8, %broadcast_in_dim3A_126, %broadcast_in_dim3A_129 : vector<16xi1>, vector<16xf32>
        %mul3A_167 = arith.mulf %get3A_165, %select_n3A_166 : vector<16xf32>
        %swap3A_168 = arith.index_cast %scan3A_95 : i32 to index
        %swap3A_169 = arith.constant 48 : index
        %swap3A_170 = tpu.vector_load %arg10[%swap3A_168, %swap3A_169] {strides = array<i32>} : memref<80x128xf32, #tpu.memory_space<vmem>>, vector<1x16xf32>,
        %swap3A_171 = vector.shape_cast %swap3A_170 : vector<1x16xf32> to vector<16xf32>
        %swap3A_172 = vector.shape_cast %mul3A_167 : vector<16xf32> to vector<1x16xf32>
        tpu.vector_store %arg10[%swap3A_168, %swap3A_169], %swap3A_172 {strides = array<i32>} : memref<80x128xf32, #tpu.memory_space<vmem>>, vector<1x16xf32>,
        %swap3A_173 = arith.index_cast %scan3A_95 : i32 to index
        %swap3A_174 = arith.constant 64 : index
        %swap3A_175 = tpu.vector_load %arg10[%swap3A_173, %swap3A_174] {strides = array<i32>} : memref<80x128xf32, #tpu.memory_space<vmem>>, vector<1x16xf32>,
        %swap3A_176 = vector.shape_cast %swap3A_175 : vector<1x16xf32> to vector<16xf32>
        %swap3A_177 = vector.shape_cast %exp3A : vector<16xf32> to vector<1x16xf32>
        tpu.vector_store %arg10[%swap3A_173, %swap3A_174], %swap3A_177 {strides = array<i32>} : memref<80x128xf32, #tpu.memory_space<vmem>>, vector<1x16xf32>,
      }
      %scan3A_69 = arith.constant 80 : i32
      "tpu.region"() ({
        %run_scoped3A = tpu.sem_alloc : memref<!tpu.dma_semaphore, #tpu.memory_space<semaphore_mem>>
        %dma_start3A_95 = arith.constant 0 : i32
        %dma_start3A_96 = arith.constant 0 : i32
        %dma_start3A_97 = tpu.memref_slice %arg7[%dma_start3A_95, %dma_start3A_96] : memref<10000x128xf32, #tpu.memory_space<vmem_shared>> -> memref<10000x128xf32, #tpu.memory_space<vmem_shared>>
        tpu.enqueue_indirect_dma source(%arg10 : memref<80x128xf32, #tpu.memory_space<vmem>>) target(%dma_start3A_97 : memref<10000x128xf32, #tpu.memory_space<vmem_shared>>) offsets(%arg9 : memref<80xi32, #tpu.memory_space<vmem>>) semaphore(%run_scoped3A : memref<!tpu.dma_semaphore, #tpu.memory_space<semaphore_mem>>) {add = true}
        %dma_wait3A_98 = arith.constant 0 : i32
        %dma_wait3A_99 = arith.constant 0 : i32
        %dma_wait3A_100 = tpu.memref_slice %arg7[%dma_wait3A_98, %dma_wait3A_99] : memref<10000x128xf32, #tpu.memory_space<vmem_shared>> -> memref<10000x128xf32, #tpu.memory_space<vmem_shared>>
        tpu.wait_indirect_dma semaphore(%run_scoped3A : memref<!tpu.dma_semaphore, #tpu.memory_space<semaphore_mem>>) src(%arg10 : memref<80x128xf32, #tpu.memory_space<vmem>>) dst(%dma_wait3A_100 : memref<10000x128xf32, #tpu.memory_space<vmem_shared>>)
        tpu.yield
      }) : () -> ()
      %mul3A_70 = arith.constant 2 : i32
      %mul3A_71 = arith.muli %mul3A_70, %scan3A_44 : i32
      %add3A_72 = arith.constant 2 : i32
      %add3A_73 = arith.addi %mul3A_71, %add3A_72 : i32
      %mul3A_74 = arith.constant 80 : i32
      %mul3A_75 = arith.muli %add3A_73, %mul3A_74 : i32
      %add3A_76 = arith.addi %mul3A_10, %mul3A_75 : i32
      "tpu.region"() ({
        %run_scoped3A = tpu.sem_alloc : memref<!tpu.dma_semaphore, #tpu.memory_space<semaphore_mem>>
        %dma_start3A_95 = tpu.memref_slice %arg2[%add3A_76] : memref<320000xi32, #tpu.memory_space<hbm>> -> memref<80xi32, #tpu.memory_space<hbm>>
        %dma_start3A_96 = tpu.memref_slice %arg2[%add3A_76] : memref<320000xi32, #tpu.memory_space<hbm>> -> memref<80xi32, #tpu.memory_space<hbm>>
        tpu.enqueue_dma source(%dma_start3A_96 : memref<80xi32, #tpu.memory_space<hbm>>) target(%arg8 : memref<80xi32, #tpu.memory_space<vmem>>) target_semaphore(%run_scoped3A : memref<!tpu.dma_semaphore, #tpu.memory_space<semaphore_mem>>)
        %dma_wait3A_97 = tpu.memref_slice %arg2[%add3A_76] : memref<320000xi32, #tpu.memory_space<hbm>> -> memref<80xi32, #tpu.memory_space<hbm>>
        %dma_wait3A_98 = tpu.memref_slice %arg2[%add3A_76] : memref<320000xi32, #tpu.memory_space<hbm>> -> memref<80xi32, #tpu.memory_space<hbm>>
        tpu.wait_dma2 semaphore(%run_scoped3A : memref<!tpu.dma_semaphore, #tpu.memory_space<semaphore_mem>>) src(%dma_wait3A_98 : memref<80xi32, #tpu.memory_space<hbm>>) dst(%arg8 : memref<80xi32, #tpu.memory_space<vmem>>)
        tpu.yield
      }) : () -> ()
      "tpu.region"() ({
        %run_scoped3A = tpu.sem_alloc : memref<!tpu.dma_semaphore, #tpu.memory_space<semaphore_mem>>
        %dma_start3A_95 = tpu.memref_slice %arg3[%add3A_76] : memref<320000xi32, #tpu.memory_space<hbm>> -> memref<80xi32, #tpu.memory_space<hbm>>
        %dma_start3A_96 = tpu.memref_slice %arg3[%add3A_76] : memref<320000xi32, #tpu.memory_space<hbm>> -> memref<80xi32, #tpu.memory_space<hbm>>
        tpu.enqueue_dma source(%dma_start3A_96 : memref<80xi32, #tpu.memory_space<hbm>>) target(%arg9 : memref<80xi32, #tpu.memory_space<vmem>>) target_semaphore(%run_scoped3A : memref<!tpu.dma_semaphore, #tpu.memory_space<semaphore_mem>>)
        %dma_wait3A_97 = tpu.memref_slice %arg3[%add3A_76] : memref<320000xi32, #tpu.memory_space<hbm>> -> memref<80xi32, #tpu.memory_space<hbm>>
        %dma_wait3A_98 = tpu.memref_slice %arg3[%add3A_76] : memref<320000xi32, #tpu.memory_space<hbm>> -> memref<80xi32, #tpu.memory_space<hbm>>
        tpu.wait_dma2 semaphore(%run_scoped3A : memref<!tpu.dma_semaphore, #tpu.memory_space<semaphore_mem>>) src(%dma_wait3A_98 : memref<80xi32, #tpu.memory_space<hbm>>) dst(%arg9 : memref<80xi32, #tpu.memory_space<vmem>>)
        tpu.yield
      }) : () -> ()
      %dma_start3A_77 = arith.constant 0 : i32
      %dma_start3A_78 = arith.constant 0 : i32
      %dma_start3A_79 = tpu.memref_slice %arg4[%dma_start3A_77, %dma_start3A_78] : memref<10000x128xf32, #tpu.memory_space<hbm>> -> memref<10000x128xf32, #tpu.memory_space<hbm>>
      tpu.enqueue_indirect_dma source(%dma_start3A_79 : memref<10000x128xf32, #tpu.memory_space<hbm>>) target(%arg10 : memref<80x128xf32, #tpu.memory_space<vmem>>) offsets(%arg8 : memref<80xi32, #tpu.memory_space<vmem>>) semaphore(%arg16 : memref<!tpu.dma_semaphore, #tpu.memory_space<semaphore_mem>>)
      %dma_start3A_80 = arith.constant 0 : i32
      %dma_start3A_81 = arith.constant 0 : i32
      %dma_start3A_82 = tpu.memref_slice %arg4[%dma_start3A_80, %dma_start3A_81] : memref<10000x128xf32, #tpu.memory_space<hbm>> -> memref<10000x128xf32, #tpu.memory_space<hbm>>
      tpu.enqueue_indirect_dma source(%dma_start3A_82 : memref<10000x128xf32, #tpu.memory_space<hbm>>) target(%arg11 : memref<80x128xf32, #tpu.memory_space<vmem>>) offsets(%arg9 : memref<80xi32, #tpu.memory_space<vmem>>) semaphore(%arg17 : memref<!tpu.dma_semaphore, #tpu.memory_space<semaphore_mem>>)
      %dma_wait3A_83 = arith.constant 0 : i32
      %dma_wait3A_84 = arith.constant 0 : i32
      %dma_wait3A_85 = tpu.memref_slice %arg4[%dma_wait3A_83, %dma_wait3A_84] : memref<10000x128xf32, #tpu.memory_space<hbm>> -> memref<10000x128xf32, #tpu.memory_space<hbm>>
      tpu.wait_indirect_dma semaphore(%arg18 : memref<!tpu.dma_semaphore, #tpu.memory_space<semaphore_mem>>) src(%dma_wait3A_85 : memref<10000x128xf32, #tpu.memory_space<hbm>>) dst(%arg14 : memref<80x128xf32, #tpu.memory_space<vmem>>)
      %dma_wait3A_86 = arith.constant 0 : i32
      %dma_wait3A_87 = arith.constant 0 : i32
      %dma_wait3A_88 = tpu.memref_slice %arg4[%dma_wait3A_86, %dma_wait3A_87] : memref<10000x128xf32, #tpu.memory_space<hbm>> -> memref<10000x128xf32, #tpu.memory_space<hbm>>
      tpu.wait_indirect_dma semaphore(%arg19 : memref<!tpu.dma_semaphore, #tpu.memory_space<semaphore_mem>>) src(%dma_wait3A_88 : memref<10000x128xf32, #tpu.memory_space<hbm>>) dst(%arg15 : memref<80x128xf32, #tpu.memory_space<vmem>>)
      %scan3A_89 = arith.constant 0 : i32
      %scan3A_90 = arith.constant 0 : i32
      %scan3A_91 = arith.constant 80 : i32
      %scan3A_92 = arith.addi %scan3A_90, %scan3A_91 : i32
      %scan3A_93 = arith.constant 1 : i32
      scf.for %scan3A_95 = %scan3A_90 to %scan3A_92 step %scan3A_93  : i32 {
        %get3A = arith.index_cast %scan3A_95 : i32 to index
        %get3A_96 = arith.constant 64 : index
        %get3A_97 = tpu.vector_load %arg14[%get3A, %get3A_96] {strides = array<i32>} : memref<80x128xf32, #tpu.memory_space<vmem>>, vector<1x16xf32>,
        %get3A_98 = vector.shape_cast %get3A_97 : vector<1x16xf32> to vector<16xf32>
        %get3A_99 = arith.index_cast %scan3A_95 : i32 to index
        %get3A_100 = arith.constant 80 : index
        %get3A_101 = tpu.vector_load %arg15[%get3A_99, %get3A_100] {strides = array<i32>} : memref<80x128xf32, #tpu.memory_space<vmem>>, vector<1x16xf32>,
        %get3A_102 = vector.shape_cast %get3A_101 : vector<1x16xf32> to vector<16xf32>
        %add3A_103 = arith.addf %get3A_98, %get3A_102 : vector<16xf32>
        %ge3A = arith.constant 0.000000e+00 : f32
        %ge3A_104 = vector.broadcast %ge3A : f32 to vector<16xf32>
        %ge3A_105 = arith.cmpf oge, %add3A_103, %ge3A_104 : vector<16xf32>
        %mul3A_106 = arith.constant 2.000000e-01 : f32
        %mul3A_107 = vector.broadcast %mul3A_106 : f32 to vector<16xf32>
        %mul3A_108 = arith.mulf %mul3A_107, %add3A_103 : vector<16xf32>
        %select_n3A = arith.select %ge3A_105, %add3A_103, %mul3A_108 : vector<16xi1>, vector<16xf32>
        %exp3A = math.exp %select_n3A : vector<16xf32>
        %slice3A = vector.extract_strided_slice %exp3A {offsets = [0], sizes = [1], strides = [1]} : vector<16xf32> to vector<1xf32>
        %squeeze3A = vector.extract %slice3A[0] : f32 from vector<1xf32>
        %broadcast_in_dim3A = vector.broadcast %squeeze3A : f32 to vector<16xf32>
        %slice3A_109 = vector.extract_strided_slice %exp3A {offsets = [1], sizes = [1], strides = [1]} : vector<16xf32> to vector<1xf32>
        %squeeze3A_110 = vector.extract %slice3A_109[0] : f32 from vector<1xf32>
        %broadcast_in_dim3A_111 = vector.broadcast %squeeze3A_110 : f32 to vector<16xf32>
        %slice3A_112 = vector.extract_strided_slice %exp3A {offsets = [2], sizes = [1], strides = [1]} : vector<16xf32> to vector<1xf32>
        %squeeze3A_113 = vector.extract %slice3A_112[0] : f32 from vector<1xf32>
        %broadcast_in_dim3A_114 = vector.broadcast %squeeze3A_113 : f32 to vector<16xf32>
        %slice3A_115 = vector.extract_strided_slice %exp3A {offsets = [3], sizes = [1], strides = [1]} : vector<16xf32> to vector<1xf32>
        %squeeze3A_116 = vector.extract %slice3A_115[0] : f32 from vector<1xf32>
        %broadcast_in_dim3A_117 = vector.broadcast %squeeze3A_116 : f32 to vector<16xf32>
        %slice3A_118 = vector.extract_strided_slice %exp3A {offsets = [4], sizes = [1], strides = [1]} : vector<16xf32> to vector<1xf32>
        %squeeze3A_119 = vector.extract %slice3A_118[0] : f32 from vector<1xf32>
        %broadcast_in_dim3A_120 = vector.broadcast %squeeze3A_119 : f32 to vector<16xf32>
        %slice3A_121 = vector.extract_strided_slice %exp3A {offsets = [5], sizes = [1], strides = [1]} : vector<16xf32> to vector<1xf32>
        %squeeze3A_122 = vector.extract %slice3A_121[0] : f32 from vector<1xf32>
        %broadcast_in_dim3A_123 = vector.broadcast %squeeze3A_122 : f32 to vector<16xf32>
        %slice3A_124 = vector.extract_strided_slice %exp3A {offsets = [6], sizes = [1], strides = [1]} : vector<16xf32> to vector<1xf32>
        %squeeze3A_125 = vector.extract %slice3A_124[0] : f32 from vector<1xf32>
        %broadcast_in_dim3A_126 = vector.broadcast %squeeze3A_125 : f32 to vector<16xf32>
        %slice3A_127 = vector.extract_strided_slice %exp3A {offsets = [7], sizes = [1], strides = [1]} : vector<16xf32> to vector<1xf32>
        %squeeze3A_128 = vector.extract %slice3A_127[0] : f32 from vector<1xf32>
        %broadcast_in_dim3A_129 = vector.broadcast %squeeze3A_128 : f32 to vector<16xf32>
        %get3A_130 = arith.index_cast %scan3A_95 : i32 to index
        %get3A_131 = arith.constant 0 : index
        %get3A_132 = tpu.vector_load %arg14[%get3A_130, %get3A_131] {strides = array<i32>} : memref<80x128xf32, #tpu.memory_space<vmem>>, vector<1x16xf32>,
        %get3A_133 = vector.shape_cast %get3A_132 : vector<1x16xf32> to vector<16xf32>
        %select_n3A_134 = arith.select %lt3A_8, %broadcast_in_dim3A, %broadcast_in_dim3A_111 : vector<16xi1>, vector<16xf32>
        %mul3A_135 = arith.mulf %get3A_133, %select_n3A_134 : vector<16xf32>
        %swap3A = arith.index_cast %scan3A_95 : i32 to index
        %swap3A_136 = arith.constant 0 : index
        %swap3A_137 = tpu.vector_load %arg14[%swap3A, %swap3A_136] {strides = array<i32>} : memref<80x128xf32, #tpu.memory_space<vmem>>, vector<1x16xf32>,
        %swap3A_138 = vector.shape_cast %swap3A_137 : vector<1x16xf32> to vector<16xf32>
        %swap3A_139 = vector.shape_cast %mul3A_135 : vector<16xf32> to vector<1x16xf32>
        tpu.vector_store %arg14[%swap3A, %swap3A_136], %swap3A_139 {strides = array<i32>} : memref<80x128xf32, #tpu.memory_space<vmem>>, vector<1x16xf32>,
        %get3A_140 = arith.index_cast %scan3A_95 : i32 to index
        %get3A_141 = arith.constant 16 : index
        %get3A_142 = tpu.vector_load %arg14[%get3A_140, %get3A_141] {strides = array<i32>} : memref<80x128xf32, #tpu.memory_space<vmem>>, vector<1x16xf32>,
        %get3A_143 = vector.shape_cast %get3A_142 : vector<1x16xf32> to vector<16xf32>
        %select_n3A_144 = arith.select %lt3A_8, %broadcast_in_dim3A_114, %broadcast_in_dim3A_117 : vector<16xi1>, vector<16xf32>
        %mul3A_145 = arith.mulf %get3A_143, %select_n3A_144 : vector<16xf32>
        %swap3A_146 = arith.index_cast %scan3A_95 : i32 to index
        %swap3A_147 = arith.constant 16 : index
        %swap3A_148 = tpu.vector_load %arg14[%swap3A_146, %swap3A_147] {strides = array<i32>} : memref<80x128xf32, #tpu.memory_space<vmem>>, vector<1x16xf32>,
        %swap3A_149 = vector.shape_cast %swap3A_148 : vector<1x16xf32> to vector<16xf32>
        %swap3A_150 = vector.shape_cast %mul3A_145 : vector<16xf32> to vector<1x16xf32>
        tpu.vector_store %arg14[%swap3A_146, %swap3A_147], %swap3A_150 {strides = array<i32>} : memref<80x128xf32, #tpu.memory_space<vmem>>, vector<1x16xf32>,
        %get3A_151 = arith.index_cast %scan3A_95 : i32 to index
        %get3A_152 = arith.constant 32 : index
        %get3A_153 = tpu.vector_load %arg14[%get3A_151, %get3A_152] {strides = array<i32>} : memref<80x128xf32, #tpu.memory_space<vmem>>, vector<1x16xf32>,
        %get3A_154 = vector.shape_cast %get3A_153 : vector<1x16xf32> to vector<16xf32>
        %select_n3A_155 = arith.select %lt3A_8, %broadcast_in_dim3A_120, %broadcast_in_dim3A_123 : vector<16xi1>, vector<16xf32>
        %mul3A_156 = arith.mulf %get3A_154, %select_n3A_155 : vector<16xf32>
        %swap3A_157 = arith.index_cast %scan3A_95 : i32 to index
        %swap3A_158 = arith.constant 32 : index
        %swap3A_159 = tpu.vector_load %arg14[%swap3A_157, %swap3A_158] {strides = array<i32>} : memref<80x128xf32, #tpu.memory_space<vmem>>, vector<1x16xf32>,
        %swap3A_160 = vector.shape_cast %swap3A_159 : vector<1x16xf32> to vector<16xf32>
        %swap3A_161 = vector.shape_cast %mul3A_156 : vector<16xf32> to vector<1x16xf32>
        tpu.vector_store %arg14[%swap3A_157, %swap3A_158], %swap3A_161 {strides = array<i32>} : memref<80x128xf32, #tpu.memory_space<vmem>>, vector<1x16xf32>,
        %get3A_162 = arith.index_cast %scan3A_95 : i32 to index
        %get3A_163 = arith.constant 48 : index
        %get3A_164 = tpu.vector_load %arg14[%get3A_162, %get3A_163] {strides = array<i32>} : memref<80x128xf32, #tpu.memory_space<vmem>>, vector<1x16xf32>,
        %get3A_165 = vector.shape_cast %get3A_164 : vector<1x16xf32> to vector<16xf32>
        %select_n3A_166 = arith.select %lt3A_8, %broadcast_in_dim3A_126, %broadcast_in_dim3A_129 : vector<16xi1>, vector<16xf32>
        %mul3A_167 = arith.mulf %get3A_165, %select_n3A_166 : vector<16xf32>
        %swap3A_168 = arith.index_cast %scan3A_95 : i32 to index
        %swap3A_169 = arith.constant 48 : index
        %swap3A_170 = tpu.vector_load %arg14[%swap3A_168, %swap3A_169] {strides = array<i32>} : memref<80x128xf32, #tpu.memory_space<vmem>>, vector<1x16xf32>,
        %swap3A_171 = vector.shape_cast %swap3A_170 : vector<1x16xf32> to vector<16xf32>
        %swap3A_172 = vector.shape_cast %mul3A_167 : vector<16xf32> to vector<1x16xf32>
        tpu.vector_store %arg14[%swap3A_168, %swap3A_169], %swap3A_172 {strides = array<i32>} : memref<80x128xf32, #tpu.memory_space<vmem>>, vector<1x16xf32>,
        %swap3A_173 = arith.index_cast %scan3A_95 : i32 to index
        %swap3A_174 = arith.constant 64 : index
        %swap3A_175 = tpu.vector_load %arg14[%swap3A_173, %swap3A_174] {strides = array<i32>} : memref<80x128xf32, #tpu.memory_space<vmem>>, vector<1x16xf32>,
        %swap3A_176 = vector.shape_cast %swap3A_175 : vector<1x16xf32> to vector<16xf32>
        %swap3A_177 = vector.shape_cast %exp3A : vector<16xf32> to vector<1x16xf32>
        tpu.vector_store %arg14[%swap3A_173, %swap3A_174], %swap3A_177 {strides = array<i32>} : memref<80x128xf32, #tpu.memory_space<vmem>>, vector<1x16xf32>,
      }
      %scan3A_94 = arith.constant 80 : i32
      "tpu.region"() ({
        %run_scoped3A = tpu.sem_alloc : memref<!tpu.dma_semaphore, #tpu.memory_space<semaphore_mem>>
        %dma_start3A_95 = arith.constant 0 : i32
        %dma_start3A_96 = arith.constant 0 : i32
        %dma_start3A_97 = tpu.memref_slice %arg7[%dma_start3A_95, %dma_start3A_96] : memref<10000x128xf32, #tpu.memory_space<vmem_shared>> -> memref<10000x128xf32, #tpu.memory_space<vmem_shared>>
        tpu.enqueue_indirect_dma source(%arg14 : memref<80x128xf32, #tpu.memory_space<vmem>>) target(%dma_start3A_97 : memref<10000x128xf32, #tpu.memory_space<vmem_shared>>) offsets(%arg13 : memref<80xi32, #tpu.memory_space<vmem>>) semaphore(%run_scoped3A : memref<!tpu.dma_semaphore, #tpu.memory_space<semaphore_mem>>) {add = true}
        %dma_wait3A_98 = arith.constant 0 : i32
        %dma_wait3A_99 = arith.constant 0 : i32
        %dma_wait3A_100 = tpu.memref_slice %arg7[%dma_wait3A_98, %dma_wait3A_99] : memref<10000x128xf32, #tpu.memory_space<vmem_shared>> -> memref<10000x128xf32, #tpu.memory_space<vmem_shared>>
        tpu.wait_indirect_dma semaphore(%run_scoped3A : memref<!tpu.dma_semaphore, #tpu.memory_space<semaphore_mem>>) src(%arg14 : memref<80x128xf32, #tpu.memory_space<vmem>>) dst(%dma_wait3A_100 : memref<10000x128xf32, #tpu.memory_space<vmem_shared>>)
        tpu.yield
      }) : () -> ()
    }
    %scan3A_22 = arith.constant 62 : i32
    %dma_wait3A = arith.constant 0 : i32
    %dma_wait3A_23 = arith.constant 0 : i32
    %dma_wait3A_24 = tpu.memref_slice %arg4[%dma_wait3A, %dma_wait3A_23] : memref<10000x128xf32, #tpu.memory_space<hbm>> -> memref<10000x128xf32, #tpu.memory_space<hbm>>
    tpu.wait_indirect_dma semaphore(%arg16 : memref<!tpu.dma_semaphore, #tpu.memory_space<semaphore_mem>>) src(%dma_wait3A_24 : memref<10000x128xf32, #tpu.memory_space<hbm>>) dst(%arg10 : memref<80x128xf32, #tpu.memory_space<vmem>>)
    %dma_wait3A_25 = arith.constant 0 : i32
    %dma_wait3A_26 = arith.constant 0 : i32
    %dma_wait3A_27 = tpu.memref_slice %arg4[%dma_wait3A_25, %dma_wait3A_26] : memref<10000x128xf32, #tpu.memory_space<hbm>> -> memref<10000x128xf32, #tpu.memory_space<hbm>>
    tpu.wait_indirect_dma semaphore(%arg17 : memref<!tpu.dma_semaphore, #tpu.memory_space<semaphore_mem>>) src(%dma_wait3A_27 : memref<10000x128xf32, #tpu.memory_space<hbm>>) dst(%arg11 : memref<80x128xf32, #tpu.memory_space<vmem>>)
    %scan3A_28 = arith.constant 0 : i32
    %scan3A_29 = arith.constant 0 : i32
    %scan3A_30 = arith.constant 80 : i32
    %scan3A_31 = arith.addi %scan3A_29, %scan3A_30 : i32
    %scan3A_32 = arith.constant 1 : i32
    scf.for %scan3A_44 = %scan3A_29 to %scan3A_31 step %scan3A_32  : i32 {
      %get3A = arith.index_cast %scan3A_44 : i32 to index
      %get3A_45 = arith.constant 64 : index
      %get3A_46 = tpu.vector_load %arg10[%get3A, %get3A_45] {strides = array<i32>} : memref<80x128xf32, #tpu.memory_space<vmem>>, vector<1x16xf32>,
      %get3A_47 = vector.shape_cast %get3A_46 : vector<1x16xf32> to vector<16xf32>
      %get3A_48 = arith.index_cast %scan3A_44 : i32 to index
      %get3A_49 = arith.constant 80 : index
      %get3A_50 = tpu.vector_load %arg11[%get3A_48, %get3A_49] {strides = array<i32>} : memref<80x128xf32, #tpu.memory_space<vmem>>, vector<1x16xf32>,
      %get3A_51 = vector.shape_cast %get3A_50 : vector<1x16xf32> to vector<16xf32>
      %add3A_52 = arith.addf %get3A_47, %get3A_51 : vector<16xf32>
      %ge3A = arith.constant 0.000000e+00 : f32
      %ge3A_53 = vector.broadcast %ge3A : f32 to vector<16xf32>
      %ge3A_54 = arith.cmpf oge, %add3A_52, %ge3A_53 : vector<16xf32>
      %mul3A_55 = arith.constant 2.000000e-01 : f32
      %mul3A_56 = vector.broadcast %mul3A_55 : f32 to vector<16xf32>
      %mul3A_57 = arith.mulf %mul3A_56, %add3A_52 : vector<16xf32>
      %select_n3A = arith.select %ge3A_54, %add3A_52, %mul3A_57 : vector<16xi1>, vector<16xf32>
      %exp3A = math.exp %select_n3A : vector<16xf32>
      %slice3A = vector.extract_strided_slice %exp3A {offsets = [0], sizes = [1], strides = [1]} : vector<16xf32> to vector<1xf32>
      %squeeze3A = vector.extract %slice3A[0] : f32 from vector<1xf32>
      %broadcast_in_dim3A = vector.broadcast %squeeze3A : f32 to vector<16xf32>
      %slice3A_58 = vector.extract_strided_slice %exp3A {offsets = [1], sizes = [1], strides = [1]} : vector<16xf32> to vector<1xf32>
      %squeeze3A_59 = vector.extract %slice3A_58[0] : f32 from vector<1xf32>
      %broadcast_in_dim3A_60 = vector.broadcast %squeeze3A_59 : f32 to vector<16xf32>
      %slice3A_61 = vector.extract_strided_slice %exp3A {offsets = [2], sizes = [1], strides = [1]} : vector<16xf32> to vector<1xf32>
      %squeeze3A_62 = vector.extract %slice3A_61[0] : f32 from vector<1xf32>
      %broadcast_in_dim3A_63 = vector.broadcast %squeeze3A_62 : f32 to vector<16xf32>
      %slice3A_64 = vector.extract_strided_slice %exp3A {offsets = [3], sizes = [1], strides = [1]} : vector<16xf32> to vector<1xf32>
      %squeeze3A_65 = vector.extract %slice3A_64[0] : f32 from vector<1xf32>
      %broadcast_in_dim3A_66 = vector.broadcast %squeeze3A_65 : f32 to vector<16xf32>
      %slice3A_67 = vector.extract_strided_slice %exp3A {offsets = [4], sizes = [1], strides = [1]} : vector<16xf32> to vector<1xf32>
      %squeeze3A_68 = vector.extract %slice3A_67[0] : f32 from vector<1xf32>
      %broadcast_in_dim3A_69 = vector.broadcast %squeeze3A_68 : f32 to vector<16xf32>
      %slice3A_70 = vector.extract_strided_slice %exp3A {offsets = [5], sizes = [1], strides = [1]} : vector<16xf32> to vector<1xf32>
      %squeeze3A_71 = vector.extract %slice3A_70[0] : f32 from vector<1xf32>
      %broadcast_in_dim3A_72 = vector.broadcast %squeeze3A_71 : f32 to vector<16xf32>
      %slice3A_73 = vector.extract_strided_slice %exp3A {offsets = [6], sizes = [1], strides = [1]} : vector<16xf32> to vector<1xf32>
      %squeeze3A_74 = vector.extract %slice3A_73[0] : f32 from vector<1xf32>
      %broadcast_in_dim3A_75 = vector.broadcast %squeeze3A_74 : f32 to vector<16xf32>
      %slice3A_76 = vector.extract_strided_slice %exp3A {offsets = [7], sizes = [1], strides = [1]} : vector<16xf32> to vector<1xf32>
      %squeeze3A_77 = vector.extract %slice3A_76[0] : f32 from vector<1xf32>
      %broadcast_in_dim3A_78 = vector.broadcast %squeeze3A_77 : f32 to vector<16xf32>
      %get3A_79 = arith.index_cast %scan3A_44 : i32 to index
      %get3A_80 = arith.constant 0 : index
      %get3A_81 = tpu.vector_load %arg10[%get3A_79, %get3A_80] {strides = array<i32>} : memref<80x128xf32, #tpu.memory_space<vmem>>, vector<1x16xf32>,
      %get3A_82 = vector.shape_cast %get3A_81 : vector<1x16xf32> to vector<16xf32>
      %select_n3A_83 = arith.select %lt3A_8, %broadcast_in_dim3A, %broadcast_in_dim3A_60 : vector<16xi1>, vector<16xf32>
      %mul3A_84 = arith.mulf %get3A_82, %select_n3A_83 : vector<16xf32>
      %swap3A = arith.index_cast %scan3A_44 : i32 to index
      %swap3A_85 = arith.constant 0 : index
      %swap3A_86 = tpu.vector_load %arg10[%swap3A, %swap3A_85] {strides = array<i32>} : memref<80x128xf32, #tpu.memory_space<vmem>>, vector<1x16xf32>,
      %swap3A_87 = vector.shape_cast %swap3A_86 : vector<1x16xf32> to vector<16xf32>
      %swap3A_88 = vector.shape_cast %mul3A_84 : vector<16xf32> to vector<1x16xf32>
      tpu.vector_store %arg10[%swap3A, %swap3A_85], %swap3A_88 {strides = array<i32>} : memref<80x128xf32, #tpu.memory_space<vmem>>, vector<1x16xf32>,
      %get3A_89 = arith.index_cast %scan3A_44 : i32 to index
      %get3A_90 = arith.constant 16 : index
      %get3A_91 = tpu.vector_load %arg10[%get3A_89, %get3A_90] {strides = array<i32>} : memref<80x128xf32, #tpu.memory_space<vmem>>, vector<1x16xf32>,
      %get3A_92 = vector.shape_cast %get3A_91 : vector<1x16xf32> to vector<16xf32>
      %select_n3A_93 = arith.select %lt3A_8, %broadcast_in_dim3A_63, %broadcast_in_dim3A_66 : vector<16xi1>, vector<16xf32>
      %mul3A_94 = arith.mulf %get3A_92, %select_n3A_93 : vector<16xf32>
      %swap3A_95 = arith.index_cast %scan3A_44 : i32 to index
      %swap3A_96 = arith.constant 16 : index
      %swap3A_97 = tpu.vector_load %arg10[%swap3A_95, %swap3A_96] {strides = array<i32>} : memref<80x128xf32, #tpu.memory_space<vmem>>, vector<1x16xf32>,
      %swap3A_98 = vector.shape_cast %swap3A_97 : vector<1x16xf32> to vector<16xf32>
      %swap3A_99 = vector.shape_cast %mul3A_94 : vector<16xf32> to vector<1x16xf32>
      tpu.vector_store %arg10[%swap3A_95, %swap3A_96], %swap3A_99 {strides = array<i32>} : memref<80x128xf32, #tpu.memory_space<vmem>>, vector<1x16xf32>,
      %get3A_100 = arith.index_cast %scan3A_44 : i32 to index
      %get3A_101 = arith.constant 32 : index
      %get3A_102 = tpu.vector_load %arg10[%get3A_100, %get3A_101] {strides = array<i32>} : memref<80x128xf32, #tpu.memory_space<vmem>>, vector<1x16xf32>,
      %get3A_103 = vector.shape_cast %get3A_102 : vector<1x16xf32> to vector<16xf32>
      %select_n3A_104 = arith.select %lt3A_8, %broadcast_in_dim3A_69, %broadcast_in_dim3A_72 : vector<16xi1>, vector<16xf32>
      %mul3A_105 = arith.mulf %get3A_103, %select_n3A_104 : vector<16xf32>
      %swap3A_106 = arith.index_cast %scan3A_44 : i32 to index
      %swap3A_107 = arith.constant 32 : index
      %swap3A_108 = tpu.vector_load %arg10[%swap3A_106, %swap3A_107] {strides = array<i32>} : memref<80x128xf32, #tpu.memory_space<vmem>>, vector<1x16xf32>,
      %swap3A_109 = vector.shape_cast %swap3A_108 : vector<1x16xf32> to vector<16xf32>
      %swap3A_110 = vector.shape_cast %mul3A_105 : vector<16xf32> to vector<1x16xf32>
      tpu.vector_store %arg10[%swap3A_106, %swap3A_107], %swap3A_110 {strides = array<i32>} : memref<80x128xf32, #tpu.memory_space<vmem>>, vector<1x16xf32>,
      %get3A_111 = arith.index_cast %scan3A_44 : i32 to index
      %get3A_112 = arith.constant 48 : index
      %get3A_113 = tpu.vector_load %arg10[%get3A_111, %get3A_112] {strides = array<i32>} : memref<80x128xf32, #tpu.memory_space<vmem>>, vector<1x16xf32>,
      %get3A_114 = vector.shape_cast %get3A_113 : vector<1x16xf32> to vector<16xf32>
      %select_n3A_115 = arith.select %lt3A_8, %broadcast_in_dim3A_75, %broadcast_in_dim3A_78 : vector<16xi1>, vector<16xf32>
      %mul3A_116 = arith.mulf %get3A_114, %select_n3A_115 : vector<16xf32>
      %swap3A_117 = arith.index_cast %scan3A_44 : i32 to index
      %swap3A_118 = arith.constant 48 : index
      %swap3A_119 = tpu.vector_load %arg10[%swap3A_117, %swap3A_118] {strides = array<i32>} : memref<80x128xf32, #tpu.memory_space<vmem>>, vector<1x16xf32>,
      %swap3A_120 = vector.shape_cast %swap3A_119 : vector<1x16xf32> to vector<16xf32>
      %swap3A_121 = vector.shape_cast %mul3A_116 : vector<16xf32> to vector<1x16xf32>
      tpu.vector_store %arg10[%swap3A_117, %swap3A_118], %swap3A_121 {strides = array<i32>} : memref<80x128xf32, #tpu.memory_space<vmem>>, vector<1x16xf32>,
      %swap3A_122 = arith.index_cast %scan3A_44 : i32 to index
      %swap3A_123 = arith.constant 64 : index
      %swap3A_124 = tpu.vector_load %arg10[%swap3A_122, %swap3A_123] {strides = array<i32>} : memref<80x128xf32, #tpu.memory_space<vmem>>, vector<1x16xf32>,
      %swap3A_125 = vector.shape_cast %swap3A_124 : vector<1x16xf32> to vector<16xf32>
      %swap3A_126 = vector.shape_cast %exp3A : vector<16xf32> to vector<1x16xf32>
      tpu.vector_store %arg10[%swap3A_122, %swap3A_123], %swap3A_126 {strides = array<i32>} : memref<80x128xf32, #tpu.memory_space<vmem>>, vector<1x16xf32>,
    }
    %scan3A_33 = arith.constant 80 : i32
    "tpu.region"() ({
      %run_scoped3A = tpu.sem_alloc : memref<!tpu.dma_semaphore, #tpu.memory_space<semaphore_mem>>
      %dma_start3A_44 = arith.constant 0 : i32
      %dma_start3A_45 = arith.constant 0 : i32
      %dma_start3A_46 = tpu.memref_slice %arg7[%dma_start3A_44, %dma_start3A_45] : memref<10000x128xf32, #tpu.memory_space<vmem_shared>> -> memref<10000x128xf32, #tpu.memory_space<vmem_shared>>
      tpu.enqueue_indirect_dma source(%arg10 : memref<80x128xf32, #tpu.memory_space<vmem>>) target(%dma_start3A_46 : memref<10000x128xf32, #tpu.memory_space<vmem_shared>>) offsets(%arg9 : memref<80xi32, #tpu.memory_space<vmem>>) semaphore(%run_scoped3A : memref<!tpu.dma_semaphore, #tpu.memory_space<semaphore_mem>>) {add = true}
      %dma_wait3A_47 = arith.constant 0 : i32
      %dma_wait3A_48 = arith.constant 0 : i32
      %dma_wait3A_49 = tpu.memref_slice %arg7[%dma_wait3A_47, %dma_wait3A_48] : memref<10000x128xf32, #tpu.memory_space<vmem_shared>> -> memref<10000x128xf32, #tpu.memory_space<vmem_shared>>
      tpu.wait_indirect_dma semaphore(%run_scoped3A : memref<!tpu.dma_semaphore, #tpu.memory_space<semaphore_mem>>) src(%arg10 : memref<80x128xf32, #tpu.memory_space<vmem>>) dst(%dma_wait3A_49 : memref<10000x128xf32, #tpu.memory_space<vmem_shared>>)
      tpu.yield
    }) : () -> ()
    %barrier3A_34 = arith.constant 0 : index
    tpu.barrier barrier_id(%barrier3A_34)
    %mul3A_35 = arith.constant 624 : i32
    %mul3A_36 = arith.muli %arg1, %mul3A_35 : i32
    %mul3A_37 = arith.constant 624 : i32
    %mul3A_38 = arith.muli %arg1, %mul3A_37 : i32
    "tpu.region"() ({
      %run_scoped3A = tpu.sem_alloc : memref<!tpu.dma_semaphore, #tpu.memory_space<semaphore_mem>>
      %dma_start3A_44 = arith.constant 0 : i32
      %dma_start3A_45 = tpu.memref_slice %arg6[%arg0, %mul3A_38, %dma_start3A_44] : memref<2x10000x128xf32, #tpu.memory_space<hbm>> -> memref<1x624x128xf32, #tpu.memory_space<hbm>>
      %dma_start3A_46 = tpu.memref_squeeze %dma_start3A_45 : memref<1x624x128xf32, #tpu.memory_space<hbm>> -> memref<624x128xf32, #tpu.memory_space<hbm>>
      %dma_start3A_47 = arith.constant 0 : i32
      %dma_start3A_48 = tpu.memref_slice %arg7[%mul3A_36, %dma_start3A_47] : memref<10000x128xf32, #tpu.memory_space<vmem_shared>> -> memref<624x128xf32, #tpu.memory_space<vmem_shared>>
      tpu.enqueue_dma source(%dma_start3A_48 : memref<624x128xf32, #tpu.memory_space<vmem_shared>>) target(%dma_start3A_46 : memref<624x128xf32, #tpu.memory_space<hbm>>) target_semaphore(%run_scoped3A : memref<!tpu.dma_semaphore, #tpu.memory_space<semaphore_mem>>)
      %dma_wait3A_49 = arith.constant 0 : i32
      %dma_wait3A_50 = tpu.memref_slice %arg6[%arg0, %mul3A_38, %dma_wait3A_49] : memref<2x10000x128xf32, #tpu.memory_space<hbm>> -> memref<1x624x128xf32, #tpu.memory_space<hbm>>
      %dma_wait3A_51 = tpu.memref_squeeze %dma_wait3A_50 : memref<1x624x128xf32, #tpu.memory_space<hbm>> -> memref<624x128xf32, #tpu.memory_space<hbm>>
      %dma_wait3A_52 = arith.constant 0 : i32
      %dma_wait3A_53 = tpu.memref_slice %arg7[%mul3A_36, %dma_wait3A_52] : memref<10000x128xf32, #tpu.memory_space<vmem_shared>> -> memref<624x128xf32, #tpu.memory_space<vmem_shared>>
      tpu.wait_dma2 semaphore(%run_scoped3A : memref<!tpu.dma_semaphore, #tpu.memory_space<semaphore_mem>>) src(%dma_wait3A_53 : memref<624x128xf32, #tpu.memory_space<vmem_shared>>) dst(%dma_wait3A_51 : memref<624x128xf32, #tpu.memory_space<hbm>>)
      tpu.yield
    }) : () -> ()
    %eq3A_39 = arith.constant 15 : i32
    %eq3A_40 = arith.cmpi eq, %arg1, %eq3A_39 : i32
    %convert_element_type3A_41 = arith.extui %eq3A_40 : i1 to i32
    %cond3A_42 = arith.constant 0 : i32
    %cond3A_43 = arith.cmpi ne, %convert_element_type3A_41, %cond3A_42 : i32
    scf.if %cond3A_43 {
      "tpu.region"() ({
        %run_scoped3A = tpu.sem_alloc : memref<!tpu.dma_semaphore, #tpu.memory_space<semaphore_mem>>
        %dma_start3A_44 = arith.constant 9984 : i32
        %dma_start3A_45 = arith.constant 0 : i32
        %dma_start3A_46 = tpu.memref_slice %arg6[%arg0, %dma_start3A_44, %dma_start3A_45] : memref<2x10000x128xf32, #tpu.memory_space<hbm>> -> memref<1x16x128xf32, #tpu.memory_space<hbm>>
        %dma_start3A_47 = tpu.memref_squeeze %dma_start3A_46 : memref<1x16x128xf32, #tpu.memory_space<hbm>> -> memref<16x128xf32, #tpu.memory_space<hbm>>
        %dma_start3A_48 = arith.constant 9984 : i32
        %dma_start3A_49 = arith.constant 0 : i32
        %dma_start3A_50 = tpu.memref_slice %arg7[%dma_start3A_48, %dma_start3A_49] : memref<10000x128xf32, #tpu.memory_space<vmem_shared>> -> memref<16x128xf32, #tpu.memory_space<vmem_shared>>
        tpu.enqueue_dma source(%dma_start3A_50 : memref<16x128xf32, #tpu.memory_space<vmem_shared>>) target(%dma_start3A_47 : memref<16x128xf32, #tpu.memory_space<hbm>>) target_semaphore(%run_scoped3A : memref<!tpu.dma_semaphore, #tpu.memory_space<semaphore_mem>>)
        %dma_wait3A_51 = arith.constant 9984 : i32
        %dma_wait3A_52 = arith.constant 0 : i32
        %dma_wait3A_53 = tpu.memref_slice %arg6[%arg0, %dma_wait3A_51, %dma_wait3A_52] : memref<2x10000x128xf32, #tpu.memory_space<hbm>> -> memref<1x16x128xf32, #tpu.memory_space<hbm>>
        %dma_wait3A_54 = tpu.memref_squeeze %dma_wait3A_53 : memref<1x16x128xf32, #tpu.memory_space<hbm>> -> memref<16x128xf32, #tpu.memory_space<hbm>>
        %dma_wait3A_55 = arith.constant 9984 : i32
        %dma_wait3A_56 = arith.constant 0 : i32
        %dma_wait3A_57 = tpu.memref_slice %arg7[%dma_wait3A_55, %dma_wait3A_56] : memref<10000x128xf32, #tpu.memory_space<vmem_shared>> -> memref<16x128xf32, #tpu.memory_space<vmem_shared>>
        tpu.wait_dma2 semaphore(%run_scoped3A : memref<!tpu.dma_semaphore, #tpu.memory_space<semaphore_mem>>) src(%dma_wait3A_57 : memref<16x128xf32, #tpu.memory_space<vmem_shared>>) dst(%dma_wait3A_54 : memref<16x128xf32, #tpu.memory_space<hbm>>)
        tpu.yield
      }) : () -> ()
    } else {
    }
    return
  }
}

#map = affine_map<(d0, d1) -> (0)>
#map1 = affine_map<(d0, d1) -> (0, 0)>
#map2 = affine_map<(d0, d1) -> (0, 0, 0)>
module attributes {stable_mosaic.version = 14 : i64} {
  func.func @_sc_edge_body(%arg0: i32, %arg1: i32, %arg2: memref<320000xi32, #tpu.memory_space<hbm>>, %arg3: memref<320000xi32, #tpu.memory_space<hbm>>, %arg4: memref<10000x128xf32, #tpu.memory_space<hbm>>, %arg5: memref<10000x128xf32, #tpu.memory_space<hbm>>, %arg6: memref<2x10000x128xf32, #tpu.memory_space<hbm>>, %arg7: memref<10000x128xf32, #tpu.memory_space<vmem_shared>>, %arg8: memref<80xi32, #tpu.memory_space<vmem>>, %arg9: memref<80xi32, #tpu.memory_space<vmem>>, %arg10: memref<80x128xf32, #tpu.memory_space<vmem>>, %arg11: memref<80x128xf32, #tpu.memory_space<vmem>>, %arg12: memref<80xi32, #tpu.memory_space<vmem>>, %arg13: memref<80xi32, #tpu.memory_space<vmem>>, %arg14: memref<80x128xf32, #tpu.memory_space<vmem>>, %arg15: memref<80x128xf32, #tpu.memory_space<vmem>>, %arg16: memref<!tpu.dma_semaphore, #tpu.memory_space<semaphore_mem>>, %arg17: memref<!tpu.dma_semaphore, #tpu.memory_space<semaphore_mem>>, %arg18: memref<!tpu.dma_semaphore, #tpu.memory_space<semaphore_mem>>, %arg19: memref<!tpu.dma_semaphore, #tpu.memory_space<semaphore_mem>>) attributes {dimension_semantics = [#tpu.dimension_semantics<core_parallel>, #tpu.dimension_semantics<subcore_parallel>], iteration_bounds = array<i64: 2, 16>, scalar_prefetch = 0 : i64, scratch_operands = 13 : i64, tpu.core_type = #tpu.core_type<sc_vector_subcore>, window_params = [{transform_indices = #map}, {transform_indices = #map}, {transform_indices = #map1}, {transform_indices = #map1}, {transform_indices = #map2}]} {
    %mul3A = arith.constant 16 : i32
    %mul3A_0 = arith.muli %arg0, %mul3A : i32
    %add3A = arith.addi %mul3A_0, %arg1 : i32
    %mul3A_1 = arith.constant 624 : i32
    %mul3A_2 = arith.muli %arg1, %mul3A_1 : i32
    %mul3A_3 = arith.constant 624 : i32
    %mul3A_4 = arith.muli %arg1, %mul3A_3 : i32
    "tpu.region"() ({
      %run_scoped3A = tpu.sem_alloc : memref<!tpu.dma_semaphore, #tpu.memory_space<semaphore_mem>>
      %dma_start3A_44 = arith.constant 0 : i32
      %dma_start3A_45 = tpu.memref_slice %arg7[%mul3A_4, %dma_start3A_44] : memref<10000x128xf32, #tpu.memory_space<vmem_shared>> -> memref<624x128xf32, #tpu.memory_space<vmem_shared>>
      %dma_start3A_46 = arith.constant 0 : i32
      %dma_start3A_47 = tpu.memref_slice %arg5[%mul3A_2, %dma_start3A_46] : memref<10000x128xf32, #tpu.memory_space<hbm>> -> memref<624x128xf32, #tpu.memory_space<hbm>>
      tpu.enqueue_dma source(%dma_start3A_47 : memref<624x128xf32, #tpu.memory_space<hbm>>) target(%dma_start3A_45 : memref<624x128xf32, #tpu.memory_space<vmem_shared>>) target_semaphore(%run_scoped3A : memref<!tpu.dma_semaphore, #tpu.memory_space<semaphore_mem>>)
      %dma_wait3A_48 = arith.constant 0 : i32
      %dma_wait3A_49 = tpu.memref_slice %arg7[%mul3A_4, %dma_wait3A_48] : memref<10000x128xf32, #tpu.memory_space<vmem_shared>> -> memref<624x128xf32, #tpu.memory_space<vmem_shared>>
      %dma_wait3A_50 = arith.constant 0 : i32
      %dma_wait3A_51 = tpu.memref_slice %arg5[%mul3A_2, %dma_wait3A_50] : memref<10000x128xf32, #tpu.memory_space<hbm>> -> memref<624x128xf32, #tpu.memory_space<hbm>>
      tpu.wait_dma2 semaphore(%run_scoped3A : memref<!tpu.dma_semaphore, #tpu.memory_space<semaphore_mem>>) src(%dma_wait3A_51 : memref<624x128xf32, #tpu.memory_space<hbm>>) dst(%dma_wait3A_49 : memref<624x128xf32, #tpu.memory_space<vmem_shared>>)
      tpu.yield
    }) : () -> ()
    %eq3A = arith.constant 15 : i32
    %eq3A_5 = arith.cmpi eq, %arg1, %eq3A : i32
    %convert_element_type3A = arith.extui %eq3A_5 : i1 to i32
    %cond3A = arith.constant 0 : i32
    %cond3A_6 = arith.cmpi ne, %convert_element_type3A, %cond3A : i32
    scf.if %cond3A_6 {
      "tpu.region"() ({
        %run_scoped3A = tpu.sem_alloc : memref<!tpu.dma_semaphore, #tpu.memory_space<semaphore_mem>>
        %dma_start3A_44 = arith.constant 9984 : i32
        %dma_start3A_45 = arith.constant 0 : i32
        %dma_start3A_46 = tpu.memref_slice %arg7[%dma_start3A_44, %dma_start3A_45] : memref<10000x128xf32, #tpu.memory_space<vmem_shared>> -> memref<16x128xf32, #tpu.memory_space<vmem_shared>>
        %dma_start3A_47 = arith.constant 9984 : i32
        %dma_start3A_48 = arith.constant 0 : i32
        %dma_start3A_49 = tpu.memref_slice %arg5[%dma_start3A_47, %dma_start3A_48] : memref<10000x128xf32, #tpu.memory_space<hbm>> -> memref<16x128xf32, #tpu.memory_space<hbm>>
        tpu.enqueue_dma source(%dma_start3A_49 : memref<16x128xf32, #tpu.memory_space<hbm>>) target(%dma_start3A_46 : memref<16x128xf32, #tpu.memory_space<vmem_shared>>) target_semaphore(%run_scoped3A : memref<!tpu.dma_semaphore, #tpu.memory_space<semaphore_mem>>)
        %dma_wait3A_50 = arith.constant 9984 : i32
        %dma_wait3A_51 = arith.constant 0 : i32
        %dma_wait3A_52 = tpu.memref_slice %arg7[%dma_wait3A_50, %dma_wait3A_51] : memref<10000x128xf32, #tpu.memory_space<vmem_shared>> -> memref<16x128xf32, #tpu.memory_space<vmem_shared>>
        %dma_wait3A_53 = arith.constant 9984 : i32
        %dma_wait3A_54 = arith.constant 0 : i32
        %dma_wait3A_55 = tpu.memref_slice %arg5[%dma_wait3A_53, %dma_wait3A_54] : memref<10000x128xf32, #tpu.memory_space<hbm>> -> memref<16x128xf32, #tpu.memory_space<hbm>>
        tpu.wait_dma2 semaphore(%run_scoped3A : memref<!tpu.dma_semaphore, #tpu.memory_space<semaphore_mem>>) src(%dma_wait3A_55 : memref<16x128xf32, #tpu.memory_space<hbm>>) dst(%dma_wait3A_52 : memref<16x128xf32, #tpu.memory_space<vmem_shared>>)
        tpu.yield
      }) : () -> ()
    } else {
    }
    %barrier3A = arith.constant 0 : index
    tpu.barrier barrier_id(%barrier3A)
    %iota3A = tpu.iota {dimensions = array<i32: 0>} : vector<16xi32>
    %lt3A = arith.constant 8 : i32
    %lt3A_7 = vector.broadcast %lt3A : i32 to vector<16xi32>
    %lt3A_8 = arith.cmpi slt, %iota3A, %lt3A_7 : vector<16xi32>
    %mul3A_9 = arith.constant 10000 : i32
    %mul3A_10 = arith.muli %add3A, %mul3A_9 : i32
    %add3A_11 = arith.constant 0 : i32
    %add3A_12 = arith.addi %mul3A_10, %add3A_11 : i32
    "tpu.region"() ({
      %run_scoped3A = tpu.sem_alloc : memref<!tpu.dma_semaphore, #tpu.memory_space<semaphore_mem>>
      %dma_start3A_44 = tpu.memref_slice %arg2[%add3A_12] : memref<320000xi32, #tpu.memory_space<hbm>> -> memref<80xi32, #tpu.memory_space<hbm>>
      %dma_start3A_45 = tpu.memref_slice %arg2[%add3A_12] : memref<320000xi32, #tpu.memory_space<hbm>> -> memref<80xi32, #tpu.memory_space<hbm>>
      tpu.enqueue_dma source(%dma_start3A_45 : memref<80xi32, #tpu.memory_space<hbm>>) target(%arg8 : memref<80xi32, #tpu.memory_space<vmem>>) target_semaphore(%run_scoped3A : memref<!tpu.dma_semaphore, #tpu.memory_space<semaphore_mem>>)
      %dma_wait3A_46 = tpu.memref_slice %arg2[%add3A_12] : memref<320000xi32, #tpu.memory_space<hbm>> -> memref<80xi32, #tpu.memory_space<hbm>>
      %dma_wait3A_47 = tpu.memref_slice %arg2[%add3A_12] : memref<320000xi32, #tpu.memory_space<hbm>> -> memref<80xi32, #tpu.memory_space<hbm>>
      tpu.wait_dma2 semaphore(%run_scoped3A : memref<!tpu.dma_semaphore, #tpu.memory_space<semaphore_mem>>) src(%dma_wait3A_47 : memref<80xi32, #tpu.memory_space<hbm>>) dst(%arg8 : memref<80xi32, #tpu.memory_space<vmem>>)
      tpu.yield
    }) : () -> ()
    "tpu.region"() ({
      %run_scoped3A = tpu.sem_alloc : memref<!tpu.dma_semaphore, #tpu.memory_space<semaphore_mem>>
      %dma_start3A_44 = tpu.memref_slice %arg3[%add3A_12] : memref<320000xi32, #tpu.memory_space<hbm>> -> memref<80xi32, #tpu.memory_space<hbm>>
      %dma_start3A_45 = tpu.memref_slice %arg3[%add3A_12] : memref<320000xi32, #tpu.memory_space<hbm>> -> memref<80xi32, #tpu.memory_space<hbm>>
      tpu.enqueue_dma source(%dma_start3A_45 : memref<80xi32, #tpu.memory_space<hbm>>) target(%arg9 : memref<80xi32, #tpu.memory_space<vmem>>) target_semaphore(%run_scoped3A : memref<!tpu.dma_semaphore, #tpu.memory_space<semaphore_mem>>)
      %dma_wait3A_46 = tpu.memref_slice %arg3[%add3A_12] : memref<320000xi32, #tpu.memory_space<hbm>> -> memref<80xi32, #tpu.memory_space<hbm>>
      %dma_wait3A_47 = tpu.memref_slice %arg3[%add3A_12] : memref<320000xi32, #tpu.memory_space<hbm>> -> memref<80xi32, #tpu.memory_space<hbm>>
      tpu.wait_dma2 semaphore(%run_scoped3A : memref<!tpu.dma_semaphore, #tpu.memory_space<semaphore_mem>>) src(%dma_wait3A_47 : memref<80xi32, #tpu.memory_space<hbm>>) dst(%arg9 : memref<80xi32, #tpu.memory_space<vmem>>)
      tpu.yield
    }) : () -> ()
    %dma_start3A = arith.constant 0 : i32
    %dma_start3A_13 = arith.constant 0 : i32
    %dma_start3A_14 = tpu.memref_slice %arg4[%dma_start3A, %dma_start3A_13] : memref<10000x128xf32, #tpu.memory_space<hbm>> -> memref<10000x128xf32, #tpu.memory_space<hbm>>
    tpu.enqueue_indirect_dma source(%dma_start3A_14 : memref<10000x128xf32, #tpu.memory_space<hbm>>) target(%arg10 : memref<80x128xf32, #tpu.memory_space<vmem>>) offsets(%arg8 : memref<80xi32, #tpu.memory_space<vmem>>) semaphore(%arg16 : memref<!tpu.dma_semaphore, #tpu.memory_space<semaphore_mem>>)
    %dma_start3A_15 = arith.constant 0 : i32
    %dma_start3A_16 = arith.constant 0 : i32
    %dma_start3A_17 = tpu.memref_slice %arg4[%dma_start3A_15, %dma_start3A_16] : memref<10000x128xf32, #tpu.memory_space<hbm>> -> memref<10000x128xf32, #tpu.memory_space<hbm>>
    tpu.enqueue_indirect_dma source(%dma_start3A_17 : memref<10000x128xf32, #tpu.memory_space<hbm>>) target(%arg11 : memref<80x128xf32, #tpu.memory_space<vmem>>) offsets(%arg9 : memref<80xi32, #tpu.memory_space<vmem>>) semaphore(%arg17 : memref<!tpu.dma_semaphore, #tpu.memory_space<semaphore_mem>>)
    %scan3A = arith.constant 0 : i32
    %scan3A_18 = arith.constant 0 : i32
    %scan3A_19 = arith.constant 62 : i32
    %scan3A_20 = arith.addi %scan3A_18, %scan3A_19 : i32
    %scan3A_21 = arith.constant 1 : i32
    scf.for %scan3A_44 = %scan3A_18 to %scan3A_20 step %scan3A_21  : i32 {
      %mul3A_45 = arith.constant 2 : i32
      %mul3A_46 = arith.muli %mul3A_45, %scan3A_44 : i32
      %add3A_47 = arith.constant 1 : i32
      %add3A_48 = arith.addi %mul3A_46, %add3A_47 : i32
      %mul3A_49 = arith.constant 80 : i32
      %mul3A_50 = arith.muli %add3A_48, %mul3A_49 : i32
      %add3A_51 = arith.addi %mul3A_10, %mul3A_50 : i32
      "tpu.region"() ({
        %run_scoped3A = tpu.sem_alloc : memref<!tpu.dma_semaphore, #tpu.memory_space<semaphore_mem>>
        %dma_start3A_95 = tpu.memref_slice %arg2[%add3A_51] : memref<320000xi32, #tpu.memory_space<hbm>> -> memref<80xi32, #tpu.memory_space<hbm>>
        %dma_start3A_96 = tpu.memref_slice %arg2[%add3A_51] : memref<320000xi32, #tpu.memory_space<hbm>> -> memref<80xi32, #tpu.memory_space<hbm>>
        tpu.enqueue_dma source(%dma_start3A_96 : memref<80xi32, #tpu.memory_space<hbm>>) target(%arg12 : memref<80xi32, #tpu.memory_space<vmem>>) target_semaphore(%run_scoped3A : memref<!tpu.dma_semaphore, #tpu.memory_space<semaphore_mem>>)
        %dma_wait3A_97 = tpu.memref_slice %arg2[%add3A_51] : memref<320000xi32, #tpu.memory_space<hbm>> -> memref<80xi32, #tpu.memory_space<hbm>>
        %dma_wait3A_98 = tpu.memref_slice %arg2[%add3A_51] : memref<320000xi32, #tpu.memory_space<hbm>> -> memref<80xi32, #tpu.memory_space<hbm>>
        tpu.wait_dma2 semaphore(%run_scoped3A : memref<!tpu.dma_semaphore, #tpu.memory_space<semaphore_mem>>) src(%dma_wait3A_98 : memref<80xi32, #tpu.memory_space<hbm>>) dst(%arg12 : memref<80xi32, #tpu.memory_space<vmem>>)
        tpu.yield
      }) : () -> ()
      "tpu.region"() ({
        %run_scoped3A = tpu.sem_alloc : memref<!tpu.dma_semaphore, #tpu.memory_space<semaphore_mem>>
        %dma_start3A_95 = tpu.memref_slice %arg3[%add3A_51] : memref<320000xi32, #tpu.memory_space<hbm>> -> memref<80xi32, #tpu.memory_space<hbm>>
        %dma_start3A_96 = tpu.memref_slice %arg3[%add3A_51] : memref<320000xi32, #tpu.memory_space<hbm>> -> memref<80xi32, #tpu.memory_space<hbm>>
        tpu.enqueue_dma source(%dma_start3A_96 : memref<80xi32, #tpu.memory_space<hbm>>) target(%arg13 : memref<80xi32, #tpu.memory_space<vmem>>) target_semaphore(%run_scoped3A : memref<!tpu.dma_semaphore, #tpu.memory_space<semaphore_mem>>)
        %dma_wait3A_97 = tpu.memref_slice %arg3[%add3A_51] : memref<320000xi32, #tpu.memory_space<hbm>> -> memref<80xi32, #tpu.memory_space<hbm>>
        %dma_wait3A_98 = tpu.memref_slice %arg3[%add3A_51] : memref<320000xi32, #tpu.memory_space<hbm>> -> memref<80xi32, #tpu.memory_space<hbm>>
        tpu.wait_dma2 semaphore(%run_scoped3A : memref<!tpu.dma_semaphore, #tpu.memory_space<semaphore_mem>>) src(%dma_wait3A_98 : memref<80xi32, #tpu.memory_space<hbm>>) dst(%arg13 : memref<80xi32, #tpu.memory_space<vmem>>)
        tpu.yield
      }) : () -> ()
      %dma_start3A_52 = arith.constant 0 : i32
      %dma_start3A_53 = arith.constant 0 : i32
      %dma_start3A_54 = tpu.memref_slice %arg4[%dma_start3A_52, %dma_start3A_53] : memref<10000x128xf32, #tpu.memory_space<hbm>> -> memref<10000x128xf32, #tpu.memory_space<hbm>>
      tpu.enqueue_indirect_dma source(%dma_start3A_54 : memref<10000x128xf32, #tpu.memory_space<hbm>>) target(%arg14 : memref<80x128xf32, #tpu.memory_space<vmem>>) offsets(%arg12 : memref<80xi32, #tpu.memory_space<vmem>>) semaphore(%arg18 : memref<!tpu.dma_semaphore, #tpu.memory_space<semaphore_mem>>)
      %dma_start3A_55 = arith.constant 0 : i32
      %dma_start3A_56 = arith.constant 0 : i32
      %dma_start3A_57 = tpu.memref_slice %arg4[%dma_start3A_55, %dma_start3A_56] : memref<10000x128xf32, #tpu.memory_space<hbm>> -> memref<10000x128xf32, #tpu.memory_space<hbm>>
      tpu.enqueue_indirect_dma source(%dma_start3A_57 : memref<10000x128xf32, #tpu.memory_space<hbm>>) target(%arg15 : memref<80x128xf32, #tpu.memory_space<vmem>>) offsets(%arg13 : memref<80xi32, #tpu.memory_space<vmem>>) semaphore(%arg19 : memref<!tpu.dma_semaphore, #tpu.memory_space<semaphore_mem>>)
      %dma_wait3A_58 = arith.constant 0 : i32
      %dma_wait3A_59 = arith.constant 0 : i32
      %dma_wait3A_60 = tpu.memref_slice %arg4[%dma_wait3A_58, %dma_wait3A_59] : memref<10000x128xf32, #tpu.memory_space<hbm>> -> memref<10000x128xf32, #tpu.memory_space<hbm>>
      tpu.wait_indirect_dma semaphore(%arg16 : memref<!tpu.dma_semaphore, #tpu.memory_space<semaphore_mem>>) src(%dma_wait3A_60 : memref<10000x128xf32, #tpu.memory_space<hbm>>) dst(%arg10 : memref<80x128xf32, #tpu.memory_space<vmem>>)
      %dma_wait3A_61 = arith.constant 0 : i32
      %dma_wait3A_62 = arith.constant 0 : i32
      %dma_wait3A_63 = tpu.memref_slice %arg4[%dma_wait3A_61, %dma_wait3A_62] : memref<10000x128xf32, #tpu.memory_space<hbm>> -> memref<10000x128xf32, #tpu.memory_space<hbm>>
      tpu.wait_indirect_dma semaphore(%arg17 : memref<!tpu.dma_semaphore, #tpu.memory_space<semaphore_mem>>) src(%dma_wait3A_63 : memref<10000x128xf32, #tpu.memory_space<hbm>>) dst(%arg11 : memref<80x128xf32, #tpu.memory_space<vmem>>)
      %scan3A_64 = arith.constant 0 : i32
      %scan3A_65 = arith.constant 0 : i32
      %scan3A_66 = arith.constant 80 : i32
      %scan3A_67 = arith.addi %scan3A_65, %scan3A_66 : i32
      %scan3A_68 = arith.constant 1 : i32
      scf.for %scan3A_95 = %scan3A_65 to %scan3A_67 step %scan3A_68  : i32 {
        %get3A = arith.index_cast %scan3A_95 : i32 to index
        %get3A_96 = arith.constant 64 : index
        %get3A_97 = tpu.vector_load %arg10[%get3A, %get3A_96] {strides = array<i32>} : memref<80x128xf32, #tpu.memory_space<vmem>>, vector<1x16xf32>,
        %get3A_98 = vector.shape_cast %get3A_97 : vector<1x16xf32> to vector<16xf32>
        %get3A_99 = arith.index_cast %scan3A_95 : i32 to index
        %get3A_100 = arith.constant 80 : index
        %get3A_101 = tpu.vector_load %arg11[%get3A_99, %get3A_100] {strides = array<i32>} : memref<80x128xf32, #tpu.memory_space<vmem>>, vector<1x16xf32>,
        %get3A_102 = vector.shape_cast %get3A_101 : vector<1x16xf32> to vector<16xf32>
        %add3A_103 = arith.addf %get3A_98, %get3A_102 : vector<16xf32>
        %ge3A = arith.constant 0.000000e+00 : f32
        %ge3A_104 = vector.broadcast %ge3A : f32 to vector<16xf32>
        %ge3A_105 = arith.cmpf oge, %add3A_103, %ge3A_104 : vector<16xf32>
        %mul3A_106 = arith.constant 2.000000e-01 : f32
        %mul3A_107 = vector.broadcast %mul3A_106 : f32 to vector<16xf32>
        %mul3A_108 = arith.mulf %mul3A_107, %add3A_103 : vector<16xf32>
        %select_n3A = arith.select %ge3A_105, %add3A_103, %mul3A_108 : vector<16xi1>, vector<16xf32>
        %exp3A = math.exp %select_n3A : vector<16xf32>
        %slice3A = vector.extract_strided_slice %exp3A {offsets = [0], sizes = [1], strides = [1]} : vector<16xf32> to vector<1xf32>
        %squeeze3A = vector.extract %slice3A[0] : f32 from vector<1xf32>
        %broadcast_in_dim3A = vector.broadcast %squeeze3A : f32 to vector<16xf32>
        %slice3A_109 = vector.extract_strided_slice %exp3A {offsets = [1], sizes = [1], strides = [1]} : vector<16xf32> to vector<1xf32>
        %squeeze3A_110 = vector.extract %slice3A_109[0] : f32 from vector<1xf32>
        %broadcast_in_dim3A_111 = vector.broadcast %squeeze3A_110 : f32 to vector<16xf32>
        %slice3A_112 = vector.extract_strided_slice %exp3A {offsets = [2], sizes = [1], strides = [1]} : vector<16xf32> to vector<1xf32>
        %squeeze3A_113 = vector.extract %slice3A_112[0] : f32 from vector<1xf32>
        %broadcast_in_dim3A_114 = vector.broadcast %squeeze3A_113 : f32 to vector<16xf32>
        %slice3A_115 = vector.extract_strided_slice %exp3A {offsets = [3], sizes = [1], strides = [1]} : vector<16xf32> to vector<1xf32>
        %squeeze3A_116 = vector.extract %slice3A_115[0] : f32 from vector<1xf32>
        %broadcast_in_dim3A_117 = vector.broadcast %squeeze3A_116 : f32 to vector<16xf32>
        %slice3A_118 = vector.extract_strided_slice %exp3A {offsets = [4], sizes = [1], strides = [1]} : vector<16xf32> to vector<1xf32>
        %squeeze3A_119 = vector.extract %slice3A_118[0] : f32 from vector<1xf32>
        %broadcast_in_dim3A_120 = vector.broadcast %squeeze3A_119 : f32 to vector<16xf32>
        %slice3A_121 = vector.extract_strided_slice %exp3A {offsets = [5], sizes = [1], strides = [1]} : vector<16xf32> to vector<1xf32>
        %squeeze3A_122 = vector.extract %slice3A_121[0] : f32 from vector<1xf32>
        %broadcast_in_dim3A_123 = vector.broadcast %squeeze3A_122 : f32 to vector<16xf32>
        %slice3A_124 = vector.extract_strided_slice %exp3A {offsets = [6], sizes = [1], strides = [1]} : vector<16xf32> to vector<1xf32>
        %squeeze3A_125 = vector.extract %slice3A_124[0] : f32 from vector<1xf32>
        %broadcast_in_dim3A_126 = vector.broadcast %squeeze3A_125 : f32 to vector<16xf32>
        %slice3A_127 = vector.extract_strided_slice %exp3A {offsets = [7], sizes = [1], strides = [1]} : vector<16xf32> to vector<1xf32>
        %squeeze3A_128 = vector.extract %slice3A_127[0] : f32 from vector<1xf32>
        %broadcast_in_dim3A_129 = vector.broadcast %squeeze3A_128 : f32 to vector<16xf32>
        %get3A_130 = arith.index_cast %scan3A_95 : i32 to index
        %get3A_131 = arith.constant 0 : index
        %get3A_132 = tpu.vector_load %arg10[%get3A_130, %get3A_131] {strides = array<i32>} : memref<80x128xf32, #tpu.memory_space<vmem>>, vector<1x16xf32>,
        %get3A_133 = vector.shape_cast %get3A_132 : vector<1x16xf32> to vector<16xf32>
        %select_n3A_134 = arith.select %lt3A_8, %broadcast_in_dim3A, %broadcast_in_dim3A_111 : vector<16xi1>, vector<16xf32>
        %mul3A_135 = arith.mulf %get3A_133, %select_n3A_134 : vector<16xf32>
        %swap3A = arith.index_cast %scan3A_95 : i32 to index
        %swap3A_136 = arith.constant 0 : index
        %swap3A_137 = tpu.vector_load %arg10[%swap3A, %swap3A_136] {strides = array<i32>} : memref<80x128xf32, #tpu.memory_space<vmem>>, vector<1x16xf32>,
        %swap3A_138 = vector.shape_cast %swap3A_137 : vector<1x16xf32> to vector<16xf32>
        %swap3A_139 = vector.shape_cast %mul3A_135 : vector<16xf32> to vector<1x16xf32>
        tpu.vector_store %arg10[%swap3A, %swap3A_136], %swap3A_139 {strides = array<i32>} : memref<80x128xf32, #tpu.memory_space<vmem>>, vector<1x16xf32>,
        %get3A_140 = arith.index_cast %scan3A_95 : i32 to index
        %get3A_141 = arith.constant 16 : index
        %get3A_142 = tpu.vector_load %arg10[%get3A_140, %get3A_141] {strides = array<i32>} : memref<80x128xf32, #tpu.memory_space<vmem>>, vector<1x16xf32>,
        %get3A_143 = vector.shape_cast %get3A_142 : vector<1x16xf32> to vector<16xf32>
        %select_n3A_144 = arith.select %lt3A_8, %broadcast_in_dim3A_114, %broadcast_in_dim3A_117 : vector<16xi1>, vector<16xf32>
        %mul3A_145 = arith.mulf %get3A_143, %select_n3A_144 : vector<16xf32>
        %swap3A_146 = arith.index_cast %scan3A_95 : i32 to index
        %swap3A_147 = arith.constant 16 : index
        %swap3A_148 = tpu.vector_load %arg10[%swap3A_146, %swap3A_147] {strides = array<i32>} : memref<80x128xf32, #tpu.memory_space<vmem>>, vector<1x16xf32>,
        %swap3A_149 = vector.shape_cast %swap3A_148 : vector<1x16xf32> to vector<16xf32>
        %swap3A_150 = vector.shape_cast %mul3A_145 : vector<16xf32> to vector<1x16xf32>
        tpu.vector_store %arg10[%swap3A_146, %swap3A_147], %swap3A_150 {strides = array<i32>} : memref<80x128xf32, #tpu.memory_space<vmem>>, vector<1x16xf32>,
        %get3A_151 = arith.index_cast %scan3A_95 : i32 to index
        %get3A_152 = arith.constant 32 : index
        %get3A_153 = tpu.vector_load %arg10[%get3A_151, %get3A_152] {strides = array<i32>} : memref<80x128xf32, #tpu.memory_space<vmem>>, vector<1x16xf32>,
        %get3A_154 = vector.shape_cast %get3A_153 : vector<1x16xf32> to vector<16xf32>
        %select_n3A_155 = arith.select %lt3A_8, %broadcast_in_dim3A_120, %broadcast_in_dim3A_123 : vector<16xi1>, vector<16xf32>
        %mul3A_156 = arith.mulf %get3A_154, %select_n3A_155 : vector<16xf32>
        %swap3A_157 = arith.index_cast %scan3A_95 : i32 to index
        %swap3A_158 = arith.constant 32 : index
        %swap3A_159 = tpu.vector_load %arg10[%swap3A_157, %swap3A_158] {strides = array<i32>} : memref<80x128xf32, #tpu.memory_space<vmem>>, vector<1x16xf32>,
        %swap3A_160 = vector.shape_cast %swap3A_159 : vector<1x16xf32> to vector<16xf32>
        %swap3A_161 = vector.shape_cast %mul3A_156 : vector<16xf32> to vector<1x16xf32>
        tpu.vector_store %arg10[%swap3A_157, %swap3A_158], %swap3A_161 {strides = array<i32>} : memref<80x128xf32, #tpu.memory_space<vmem>>, vector<1x16xf32>,
        %get3A_162 = arith.index_cast %scan3A_95 : i32 to index
        %get3A_163 = arith.constant 48 : index
        %get3A_164 = tpu.vector_load %arg10[%get3A_162, %get3A_163] {strides = array<i32>} : memref<80x128xf32, #tpu.memory_space<vmem>>, vector<1x16xf32>,
        %get3A_165 = vector.shape_cast %get3A_164 : vector<1x16xf32> to vector<16xf32>
        %select_n3A_166 = arith.select %lt3A_8, %broadcast_in_dim3A_126, %broadcast_in_dim3A_129 : vector<16xi1>, vector<16xf32>
        %mul3A_167 = arith.mulf %get3A_165, %select_n3A_166 : vector<16xf32>
        %swap3A_168 = arith.index_cast %scan3A_95 : i32 to index
        %swap3A_169 = arith.constant 48 : index
        %swap3A_170 = tpu.vector_load %arg10[%swap3A_168, %swap3A_169] {strides = array<i32>} : memref<80x128xf32, #tpu.memory_space<vmem>>, vector<1x16xf32>,
        %swap3A_171 = vector.shape_cast %swap3A_170 : vector<1x16xf32> to vector<16xf32>
        %swap3A_172 = vector.shape_cast %mul3A_167 : vector<16xf32> to vector<1x16xf32>
        tpu.vector_store %arg10[%swap3A_168, %swap3A_169], %swap3A_172 {strides = array<i32>} : memref<80x128xf32, #tpu.memory_space<vmem>>, vector<1x16xf32>,
        %swap3A_173 = arith.index_cast %scan3A_95 : i32 to index
        %swap3A_174 = arith.constant 64 : index
        %swap3A_175 = tpu.vector_load %arg10[%swap3A_173, %swap3A_174] {strides = array<i32>} : memref<80x128xf32, #tpu.memory_space<vmem>>, vector<1x16xf32>,
        %swap3A_176 = vector.shape_cast %swap3A_175 : vector<1x16xf32> to vector<16xf32>
        %swap3A_177 = vector.shape_cast %exp3A : vector<16xf32> to vector<1x16xf32>
        tpu.vector_store %arg10[%swap3A_173, %swap3A_174], %swap3A_177 {strides = array<i32>} : memref<80x128xf32, #tpu.memory_space<vmem>>, vector<1x16xf32>,
      }
      %scan3A_69 = arith.constant 80 : i32
      "tpu.region"() ({
        %run_scoped3A = tpu.sem_alloc : memref<!tpu.dma_semaphore, #tpu.memory_space<semaphore_mem>>
        %dma_start3A_95 = arith.constant 0 : i32
        %dma_start3A_96 = arith.constant 0 : i32
        %dma_start3A_97 = tpu.memref_slice %arg7[%dma_start3A_95, %dma_start3A_96] : memref<10000x128xf32, #tpu.memory_space<vmem_shared>> -> memref<10000x128xf32, #tpu.memory_space<vmem_shared>>
        tpu.enqueue_indirect_dma source(%arg10 : memref<80x128xf32, #tpu.memory_space<vmem>>) target(%dma_start3A_97 : memref<10000x128xf32, #tpu.memory_space<vmem_shared>>) offsets(%arg9 : memref<80xi32, #tpu.memory_space<vmem>>) semaphore(%run_scoped3A : memref<!tpu.dma_semaphore, #tpu.memory_space<semaphore_mem>>) {add = true}
        %dma_wait3A_98 = arith.constant 0 : i32
        %dma_wait3A_99 = arith.constant 0 : i32
        %dma_wait3A_100 = tpu.memref_slice %arg7[%dma_wait3A_98, %dma_wait3A_99] : memref<10000x128xf32, #tpu.memory_space<vmem_shared>> -> memref<10000x128xf32, #tpu.memory_space<vmem_shared>>
        tpu.wait_indirect_dma semaphore(%run_scoped3A : memref<!tpu.dma_semaphore, #tpu.memory_space<semaphore_mem>>) src(%arg10 : memref<80x128xf32, #tpu.memory_space<vmem>>) dst(%dma_wait3A_100 : memref<10000x128xf32, #tpu.memory_space<vmem_shared>>)
        tpu.yield
      }) : () -> ()
      %mul3A_70 = arith.constant 2 : i32
      %mul3A_71 = arith.muli %mul3A_70, %scan3A_44 : i32
      %add3A_72 = arith.constant 2 : i32
      %add3A_73 = arith.addi %mul3A_71, %add3A_72 : i32
      %mul3A_74 = arith.constant 80 : i32
      %mul3A_75 = arith.muli %add3A_73, %mul3A_74 : i32
      %add3A_76 = arith.addi %mul3A_10, %mul3A_75 : i32
      "tpu.region"() ({
        %run_scoped3A = tpu.sem_alloc : memref<!tpu.dma_semaphore, #tpu.memory_space<semaphore_mem>>
        %dma_start3A_95 = tpu.memref_slice %arg2[%add3A_76] : memref<320000xi32, #tpu.memory_space<hbm>> -> memref<80xi32, #tpu.memory_space<hbm>>
        %dma_start3A_96 = tpu.memref_slice %arg2[%add3A_76] : memref<320000xi32, #tpu.memory_space<hbm>> -> memref<80xi32, #tpu.memory_space<hbm>>
        tpu.enqueue_dma source(%dma_start3A_96 : memref<80xi32, #tpu.memory_space<hbm>>) target(%arg8 : memref<80xi32, #tpu.memory_space<vmem>>) target_semaphore(%run_scoped3A : memref<!tpu.dma_semaphore, #tpu.memory_space<semaphore_mem>>)
        %dma_wait3A_97 = tpu.memref_slice %arg2[%add3A_76] : memref<320000xi32, #tpu.memory_space<hbm>> -> memref<80xi32, #tpu.memory_space<hbm>>
        %dma_wait3A_98 = tpu.memref_slice %arg2[%add3A_76] : memref<320000xi32, #tpu.memory_space<hbm>> -> memref<80xi32, #tpu.memory_space<hbm>>
        tpu.wait_dma2 semaphore(%run_scoped3A : memref<!tpu.dma_semaphore, #tpu.memory_space<semaphore_mem>>) src(%dma_wait3A_98 : memref<80xi32, #tpu.memory_space<hbm>>) dst(%arg8 : memref<80xi32, #tpu.memory_space<vmem>>)
        tpu.yield
      }) : () -> ()
      "tpu.region"() ({
        %run_scoped3A = tpu.sem_alloc : memref<!tpu.dma_semaphore, #tpu.memory_space<semaphore_mem>>
        %dma_start3A_95 = tpu.memref_slice %arg3[%add3A_76] : memref<320000xi32, #tpu.memory_space<hbm>> -> memref<80xi32, #tpu.memory_space<hbm>>
        %dma_start3A_96 = tpu.memref_slice %arg3[%add3A_76] : memref<320000xi32, #tpu.memory_space<hbm>> -> memref<80xi32, #tpu.memory_space<hbm>>
        tpu.enqueue_dma source(%dma_start3A_96 : memref<80xi32, #tpu.memory_space<hbm>>) target(%arg9 : memref<80xi32, #tpu.memory_space<vmem>>) target_semaphore(%run_scoped3A : memref<!tpu.dma_semaphore, #tpu.memory_space<semaphore_mem>>)
        %dma_wait3A_97 = tpu.memref_slice %arg3[%add3A_76] : memref<320000xi32, #tpu.memory_space<hbm>> -> memref<80xi32, #tpu.memory_space<hbm>>
        %dma_wait3A_98 = tpu.memref_slice %arg3[%add3A_76] : memref<320000xi32, #tpu.memory_space<hbm>> -> memref<80xi32, #tpu.memory_space<hbm>>
        tpu.wait_dma2 semaphore(%run_scoped3A : memref<!tpu.dma_semaphore, #tpu.memory_space<semaphore_mem>>) src(%dma_wait3A_98 : memref<80xi32, #tpu.memory_space<hbm>>) dst(%arg9 : memref<80xi32, #tpu.memory_space<vmem>>)
        tpu.yield
      }) : () -> ()
      %dma_start3A_77 = arith.constant 0 : i32
      %dma_start3A_78 = arith.constant 0 : i32
      %dma_start3A_79 = tpu.memref_slice %arg4[%dma_start3A_77, %dma_start3A_78] : memref<10000x128xf32, #tpu.memory_space<hbm>> -> memref<10000x128xf32, #tpu.memory_space<hbm>>
      tpu.enqueue_indirect_dma source(%dma_start3A_79 : memref<10000x128xf32, #tpu.memory_space<hbm>>) target(%arg10 : memref<80x128xf32, #tpu.memory_space<vmem>>) offsets(%arg8 : memref<80xi32, #tpu.memory_space<vmem>>) semaphore(%arg16 : memref<!tpu.dma_semaphore, #tpu.memory_space<semaphore_mem>>)
      %dma_start3A_80 = arith.constant 0 : i32
      %dma_start3A_81 = arith.constant 0 : i32
      %dma_start3A_82 = tpu.memref_slice %arg4[%dma_start3A_80, %dma_start3A_81] : memref<10000x128xf32, #tpu.memory_space<hbm>> -> memref<10000x128xf32, #tpu.memory_space<hbm>>
      tpu.enqueue_indirect_dma source(%dma_start3A_82 : memref<10000x128xf32, #tpu.memory_space<hbm>>) target(%arg11 : memref<80x128xf32, #tpu.memory_space<vmem>>) offsets(%arg9 : memref<80xi32, #tpu.memory_space<vmem>>) semaphore(%arg17 : memref<!tpu.dma_semaphore, #tpu.memory_space<semaphore_mem>>)
      %dma_wait3A_83 = arith.constant 0 : i32
      %dma_wait3A_84 = arith.constant 0 : i32
      %dma_wait3A_85 = tpu.memref_slice %arg4[%dma_wait3A_83, %dma_wait3A_84] : memref<10000x128xf32, #tpu.memory_space<hbm>> -> memref<10000x128xf32, #tpu.memory_space<hbm>>
      tpu.wait_indirect_dma semaphore(%arg18 : memref<!tpu.dma_semaphore, #tpu.memory_space<semaphore_mem>>) src(%dma_wait3A_85 : memref<10000x128xf32, #tpu.memory_space<hbm>>) dst(%arg14 : memref<80x128xf32, #tpu.memory_space<vmem>>)
      %dma_wait3A_86 = arith.constant 0 : i32
      %dma_wait3A_87 = arith.constant 0 : i32
      %dma_wait3A_88 = tpu.memref_slice %arg4[%dma_wait3A_86, %dma_wait3A_87] : memref<10000x128xf32, #tpu.memory_space<hbm>> -> memref<10000x128xf32, #tpu.memory_space<hbm>>
      tpu.wait_indirect_dma semaphore(%arg19 : memref<!tpu.dma_semaphore, #tpu.memory_space<semaphore_mem>>) src(%dma_wait3A_88 : memref<10000x128xf32, #tpu.memory_space<hbm>>) dst(%arg15 : memref<80x128xf32, #tpu.memory_space<vmem>>)
      %scan3A_89 = arith.constant 0 : i32
      %scan3A_90 = arith.constant 0 : i32
      %scan3A_91 = arith.constant 80 : i32
      %scan3A_92 = arith.addi %scan3A_90, %scan3A_91 : i32
      %scan3A_93 = arith.constant 1 : i32
      scf.for %scan3A_95 = %scan3A_90 to %scan3A_92 step %scan3A_93  : i32 {
        %get3A = arith.index_cast %scan3A_95 : i32 to index
        %get3A_96 = arith.constant 64 : index
        %get3A_97 = tpu.vector_load %arg14[%get3A, %get3A_96] {strides = array<i32>} : memref<80x128xf32, #tpu.memory_space<vmem>>, vector<1x16xf32>,
        %get3A_98 = vector.shape_cast %get3A_97 : vector<1x16xf32> to vector<16xf32>
        %get3A_99 = arith.index_cast %scan3A_95 : i32 to index
        %get3A_100 = arith.constant 80 : index
        %get3A_101 = tpu.vector_load %arg15[%get3A_99, %get3A_100] {strides = array<i32>} : memref<80x128xf32, #tpu.memory_space<vmem>>, vector<1x16xf32>,
        %get3A_102 = vector.shape_cast %get3A_101 : vector<1x16xf32> to vector<16xf32>
        %add3A_103 = arith.addf %get3A_98, %get3A_102 : vector<16xf32>
        %ge3A = arith.constant 0.000000e+00 : f32
        %ge3A_104 = vector.broadcast %ge3A : f32 to vector<16xf32>
        %ge3A_105 = arith.cmpf oge, %add3A_103, %ge3A_104 : vector<16xf32>
        %mul3A_106 = arith.constant 2.000000e-01 : f32
        %mul3A_107 = vector.broadcast %mul3A_106 : f32 to vector<16xf32>
        %mul3A_108 = arith.mulf %mul3A_107, %add3A_103 : vector<16xf32>
        %select_n3A = arith.select %ge3A_105, %add3A_103, %mul3A_108 : vector<16xi1>, vector<16xf32>
        %exp3A = math.exp %select_n3A : vector<16xf32>
        %slice3A = vector.extract_strided_slice %exp3A {offsets = [0], sizes = [1], strides = [1]} : vector<16xf32> to vector<1xf32>
        %squeeze3A = vector.extract %slice3A[0] : f32 from vector<1xf32>
        %broadcast_in_dim3A = vector.broadcast %squeeze3A : f32 to vector<16xf32>
        %slice3A_109 = vector.extract_strided_slice %exp3A {offsets = [1], sizes = [1], strides = [1]} : vector<16xf32> to vector<1xf32>
        %squeeze3A_110 = vector.extract %slice3A_109[0] : f32 from vector<1xf32>
        %broadcast_in_dim3A_111 = vector.broadcast %squeeze3A_110 : f32 to vector<16xf32>
        %slice3A_112 = vector.extract_strided_slice %exp3A {offsets = [2], sizes = [1], strides = [1]} : vector<16xf32> to vector<1xf32>
        %squeeze3A_113 = vector.extract %slice3A_112[0] : f32 from vector<1xf32>
        %broadcast_in_dim3A_114 = vector.broadcast %squeeze3A_113 : f32 to vector<16xf32>
        %slice3A_115 = vector.extract_strided_slice %exp3A {offsets = [3], sizes = [1], strides = [1]} : vector<16xf32> to vector<1xf32>
        %squeeze3A_116 = vector.extract %slice3A_115[0] : f32 from vector<1xf32>
        %broadcast_in_dim3A_117 = vector.broadcast %squeeze3A_116 : f32 to vector<16xf32>
        %slice3A_118 = vector.extract_strided_slice %exp3A {offsets = [4], sizes = [1], strides = [1]} : vector<16xf32> to vector<1xf32>
        %squeeze3A_119 = vector.extract %slice3A_118[0] : f32 from vector<1xf32>
        %broadcast_in_dim3A_120 = vector.broadcast %squeeze3A_119 : f32 to vector<16xf32>
        %slice3A_121 = vector.extract_strided_slice %exp3A {offsets = [5], sizes = [1], strides = [1]} : vector<16xf32> to vector<1xf32>
        %squeeze3A_122 = vector.extract %slice3A_121[0] : f32 from vector<1xf32>
        %broadcast_in_dim3A_123 = vector.broadcast %squeeze3A_122 : f32 to vector<16xf32>
        %slice3A_124 = vector.extract_strided_slice %exp3A {offsets = [6], sizes = [1], strides = [1]} : vector<16xf32> to vector<1xf32>
        %squeeze3A_125 = vector.extract %slice3A_124[0] : f32 from vector<1xf32>
        %broadcast_in_dim3A_126 = vector.broadcast %squeeze3A_125 : f32 to vector<16xf32>
        %slice3A_127 = vector.extract_strided_slice %exp3A {offsets = [7], sizes = [1], strides = [1]} : vector<16xf32> to vector<1xf32>
        %squeeze3A_128 = vector.extract %slice3A_127[0] : f32 from vector<1xf32>
        %broadcast_in_dim3A_129 = vector.broadcast %squeeze3A_128 : f32 to vector<16xf32>
        %get3A_130 = arith.index_cast %scan3A_95 : i32 to index
        %get3A_131 = arith.constant 0 : index
        %get3A_132 = tpu.vector_load %arg14[%get3A_130, %get3A_131] {strides = array<i32>} : memref<80x128xf32, #tpu.memory_space<vmem>>, vector<1x16xf32>,
        %get3A_133 = vector.shape_cast %get3A_132 : vector<1x16xf32> to vector<16xf32>
        %select_n3A_134 = arith.select %lt3A_8, %broadcast_in_dim3A, %broadcast_in_dim3A_111 : vector<16xi1>, vector<16xf32>
        %mul3A_135 = arith.mulf %get3A_133, %select_n3A_134 : vector<16xf32>
        %swap3A = arith.index_cast %scan3A_95 : i32 to index
        %swap3A_136 = arith.constant 0 : index
        %swap3A_137 = tpu.vector_load %arg14[%swap3A, %swap3A_136] {strides = array<i32>} : memref<80x128xf32, #tpu.memory_space<vmem>>, vector<1x16xf32>,
        %swap3A_138 = vector.shape_cast %swap3A_137 : vector<1x16xf32> to vector<16xf32>
        %swap3A_139 = vector.shape_cast %mul3A_135 : vector<16xf32> to vector<1x16xf32>
        tpu.vector_store %arg14[%swap3A, %swap3A_136], %swap3A_139 {strides = array<i32>} : memref<80x128xf32, #tpu.memory_space<vmem>>, vector<1x16xf32>,
        %get3A_140 = arith.index_cast %scan3A_95 : i32 to index
        %get3A_141 = arith.constant 16 : index
        %get3A_142 = tpu.vector_load %arg14[%get3A_140, %get3A_141] {strides = array<i32>} : memref<80x128xf32, #tpu.memory_space<vmem>>, vector<1x16xf32>,
        %get3A_143 = vector.shape_cast %get3A_142 : vector<1x16xf32> to vector<16xf32>
        %select_n3A_144 = arith.select %lt3A_8, %broadcast_in_dim3A_114, %broadcast_in_dim3A_117 : vector<16xi1>, vector<16xf32>
        %mul3A_145 = arith.mulf %get3A_143, %select_n3A_144 : vector<16xf32>
        %swap3A_146 = arith.index_cast %scan3A_95 : i32 to index
        %swap3A_147 = arith.constant 16 : index
        %swap3A_148 = tpu.vector_load %arg14[%swap3A_146, %swap3A_147] {strides = array<i32>} : memref<80x128xf32, #tpu.memory_space<vmem>>, vector<1x16xf32>,
        %swap3A_149 = vector.shape_cast %swap3A_148 : vector<1x16xf32> to vector<16xf32>
        %swap3A_150 = vector.shape_cast %mul3A_145 : vector<16xf32> to vector<1x16xf32>
        tpu.vector_store %arg14[%swap3A_146, %swap3A_147], %swap3A_150 {strides = array<i32>} : memref<80x128xf32, #tpu.memory_space<vmem>>, vector<1x16xf32>,
        %get3A_151 = arith.index_cast %scan3A_95 : i32 to index
        %get3A_152 = arith.constant 32 : index
        %get3A_153 = tpu.vector_load %arg14[%get3A_151, %get3A_152] {strides = array<i32>} : memref<80x128xf32, #tpu.memory_space<vmem>>, vector<1x16xf32>,
        %get3A_154 = vector.shape_cast %get3A_153 : vector<1x16xf32> to vector<16xf32>
        %select_n3A_155 = arith.select %lt3A_8, %broadcast_in_dim3A_120, %broadcast_in_dim3A_123 : vector<16xi1>, vector<16xf32>
        %mul3A_156 = arith.mulf %get3A_154, %select_n3A_155 : vector<16xf32>
        %swap3A_157 = arith.index_cast %scan3A_95 : i32 to index
        %swap3A_158 = arith.constant 32 : index
        %swap3A_159 = tpu.vector_load %arg14[%swap3A_157, %swap3A_158] {strides = array<i32>} : memref<80x128xf32, #tpu.memory_space<vmem>>, vector<1x16xf32>,
        %swap3A_160 = vector.shape_cast %swap3A_159 : vector<1x16xf32> to vector<16xf32>
        %swap3A_161 = vector.shape_cast %mul3A_156 : vector<16xf32> to vector<1x16xf32>
        tpu.vector_store %arg14[%swap3A_157, %swap3A_158], %swap3A_161 {strides = array<i32>} : memref<80x128xf32, #tpu.memory_space<vmem>>, vector<1x16xf32>,
        %get3A_162 = arith.index_cast %scan3A_95 : i32 to index
        %get3A_163 = arith.constant 48 : index
        %get3A_164 = tpu.vector_load %arg14[%get3A_162, %get3A_163] {strides = array<i32>} : memref<80x128xf32, #tpu.memory_space<vmem>>, vector<1x16xf32>,
        %get3A_165 = vector.shape_cast %get3A_164 : vector<1x16xf32> to vector<16xf32>
        %select_n3A_166 = arith.select %lt3A_8, %broadcast_in_dim3A_126, %broadcast_in_dim3A_129 : vector<16xi1>, vector<16xf32>
        %mul3A_167 = arith.mulf %get3A_165, %select_n3A_166 : vector<16xf32>
        %swap3A_168 = arith.index_cast %scan3A_95 : i32 to index
        %swap3A_169 = arith.constant 48 : index
        %swap3A_170 = tpu.vector_load %arg14[%swap3A_168, %swap3A_169] {strides = array<i32>} : memref<80x128xf32, #tpu.memory_space<vmem>>, vector<1x16xf32>,
        %swap3A_171 = vector.shape_cast %swap3A_170 : vector<1x16xf32> to vector<16xf32>
        %swap3A_172 = vector.shape_cast %mul3A_167 : vector<16xf32> to vector<1x16xf32>
        tpu.vector_store %arg14[%swap3A_168, %swap3A_169], %swap3A_172 {strides = array<i32>} : memref<80x128xf32, #tpu.memory_space<vmem>>, vector<1x16xf32>,
        %swap3A_173 = arith.index_cast %scan3A_95 : i32 to index
        %swap3A_174 = arith.constant 64 : index
        %swap3A_175 = tpu.vector_load %arg14[%swap3A_173, %swap3A_174] {strides = array<i32>} : memref<80x128xf32, #tpu.memory_space<vmem>>, vector<1x16xf32>,
        %swap3A_176 = vector.shape_cast %swap3A_175 : vector<1x16xf32> to vector<16xf32>
        %swap3A_177 = vector.shape_cast %exp3A : vector<16xf32> to vector<1x16xf32>
        tpu.vector_store %arg14[%swap3A_173, %swap3A_174], %swap3A_177 {strides = array<i32>} : memref<80x128xf32, #tpu.memory_space<vmem>>, vector<1x16xf32>,
      }
      %scan3A_94 = arith.constant 80 : i32
      "tpu.region"() ({
        %run_scoped3A = tpu.sem_alloc : memref<!tpu.dma_semaphore, #tpu.memory_space<semaphore_mem>>
        %dma_start3A_95 = arith.constant 0 : i32
        %dma_start3A_96 = arith.constant 0 : i32
        %dma_start3A_97 = tpu.memref_slice %arg7[%dma_start3A_95, %dma_start3A_96] : memref<10000x128xf32, #tpu.memory_space<vmem_shared>> -> memref<10000x128xf32, #tpu.memory_space<vmem_shared>>
        tpu.enqueue_indirect_dma source(%arg14 : memref<80x128xf32, #tpu.memory_space<vmem>>) target(%dma_start3A_97 : memref<10000x128xf32, #tpu.memory_space<vmem_shared>>) offsets(%arg13 : memref<80xi32, #tpu.memory_space<vmem>>) semaphore(%run_scoped3A : memref<!tpu.dma_semaphore, #tpu.memory_space<semaphore_mem>>) {add = true}
        %dma_wait3A_98 = arith.constant 0 : i32
        %dma_wait3A_99 = arith.constant 0 : i32
        %dma_wait3A_100 = tpu.memref_slice %arg7[%dma_wait3A_98, %dma_wait3A_99] : memref<10000x128xf32, #tpu.memory_space<vmem_shared>> -> memref<10000x128xf32, #tpu.memory_space<vmem_shared>>
        tpu.wait_indirect_dma semaphore(%run_scoped3A : memref<!tpu.dma_semaphore, #tpu.memory_space<semaphore_mem>>) src(%arg14 : memref<80x128xf32, #tpu.memory_space<vmem>>) dst(%dma_wait3A_100 : memref<10000x128xf32, #tpu.memory_space<vmem_shared>>)
        tpu.yield
      }) : () -> ()
    }
    %scan3A_22 = arith.constant 62 : i32
    %dma_wait3A = arith.constant 0 : i32
    %dma_wait3A_23 = arith.constant 0 : i32
    %dma_wait3A_24 = tpu.memref_slice %arg4[%dma_wait3A, %dma_wait3A_23] : memref<10000x128xf32, #tpu.memory_space<hbm>> -> memref<10000x128xf32, #tpu.memory_space<hbm>>
    tpu.wait_indirect_dma semaphore(%arg16 : memref<!tpu.dma_semaphore, #tpu.memory_space<semaphore_mem>>) src(%dma_wait3A_24 : memref<10000x128xf32, #tpu.memory_space<hbm>>) dst(%arg10 : memref<80x128xf32, #tpu.memory_space<vmem>>)
    %dma_wait3A_25 = arith.constant 0 : i32
    %dma_wait3A_26 = arith.constant 0 : i32
    %dma_wait3A_27 = tpu.memref_slice %arg4[%dma_wait3A_25, %dma_wait3A_26] : memref<10000x128xf32, #tpu.memory_space<hbm>> -> memref<10000x128xf32, #tpu.memory_space<hbm>>
    tpu.wait_indirect_dma semaphore(%arg17 : memref<!tpu.dma_semaphore, #tpu.memory_space<semaphore_mem>>) src(%dma_wait3A_27 : memref<10000x128xf32, #tpu.memory_space<hbm>>) dst(%arg11 : memref<80x128xf32, #tpu.memory_space<vmem>>)
    %scan3A_28 = arith.constant 0 : i32
    %scan3A_29 = arith.constant 0 : i32
    %scan3A_30 = arith.constant 80 : i32
    %scan3A_31 = arith.addi %scan3A_29, %scan3A_30 : i32
    %scan3A_32 = arith.constant 1 : i32
    scf.for %scan3A_44 = %scan3A_29 to %scan3A_31 step %scan3A_32  : i32 {
      %get3A = arith.index_cast %scan3A_44 : i32 to index
      %get3A_45 = arith.constant 64 : index
      %get3A_46 = tpu.vector_load %arg10[%get3A, %get3A_45] {strides = array<i32>} : memref<80x128xf32, #tpu.memory_space<vmem>>, vector<1x16xf32>,
      %get3A_47 = vector.shape_cast %get3A_46 : vector<1x16xf32> to vector<16xf32>
      %get3A_48 = arith.index_cast %scan3A_44 : i32 to index
      %get3A_49 = arith.constant 80 : index
      %get3A_50 = tpu.vector_load %arg11[%get3A_48, %get3A_49] {strides = array<i32>} : memref<80x128xf32, #tpu.memory_space<vmem>>, vector<1x16xf32>,
      %get3A_51 = vector.shape_cast %get3A_50 : vector<1x16xf32> to vector<16xf32>
      %add3A_52 = arith.addf %get3A_47, %get3A_51 : vector<16xf32>
      %ge3A = arith.constant 0.000000e+00 : f32
      %ge3A_53 = vector.broadcast %ge3A : f32 to vector<16xf32>
      %ge3A_54 = arith.cmpf oge, %add3A_52, %ge3A_53 : vector<16xf32>
      %mul3A_55 = arith.constant 2.000000e-01 : f32
      %mul3A_56 = vector.broadcast %mul3A_55 : f32 to vector<16xf32>
      %mul3A_57 = arith.mulf %mul3A_56, %add3A_52 : vector<16xf32>
      %select_n3A = arith.select %ge3A_54, %add3A_52, %mul3A_57 : vector<16xi1>, vector<16xf32>
      %exp3A = math.exp %select_n3A : vector<16xf32>
      %slice3A = vector.extract_strided_slice %exp3A {offsets = [0], sizes = [1], strides = [1]} : vector<16xf32> to vector<1xf32>
      %squeeze3A = vector.extract %slice3A[0] : f32 from vector<1xf32>
      %broadcast_in_dim3A = vector.broadcast %squeeze3A : f32 to vector<16xf32>
      %slice3A_58 = vector.extract_strided_slice %exp3A {offsets = [1], sizes = [1], strides = [1]} : vector<16xf32> to vector<1xf32>
      %squeeze3A_59 = vector.extract %slice3A_58[0] : f32 from vector<1xf32>
      %broadcast_in_dim3A_60 = vector.broadcast %squeeze3A_59 : f32 to vector<16xf32>
      %slice3A_61 = vector.extract_strided_slice %exp3A {offsets = [2], sizes = [1], strides = [1]} : vector<16xf32> to vector<1xf32>
      %squeeze3A_62 = vector.extract %slice3A_61[0] : f32 from vector<1xf32>
      %broadcast_in_dim3A_63 = vector.broadcast %squeeze3A_62 : f32 to vector<16xf32>
      %slice3A_64 = vector.extract_strided_slice %exp3A {offsets = [3], sizes = [1], strides = [1]} : vector<16xf32> to vector<1xf32>
      %squeeze3A_65 = vector.extract %slice3A_64[0] : f32 from vector<1xf32>
      %broadcast_in_dim3A_66 = vector.broadcast %squeeze3A_65 : f32 to vector<16xf32>
      %slice3A_67 = vector.extract_strided_slice %exp3A {offsets = [4], sizes = [1], strides = [1]} : vector<16xf32> to vector<1xf32>
      %squeeze3A_68 = vector.extract %slice3A_67[0] : f32 from vector<1xf32>
      %broadcast_in_dim3A_69 = vector.broadcast %squeeze3A_68 : f32 to vector<16xf32>
      %slice3A_70 = vector.extract_strided_slice %exp3A {offsets = [5], sizes = [1], strides = [1]} : vector<16xf32> to vector<1xf32>
      %squeeze3A_71 = vector.extract %slice3A_70[0] : f32 from vector<1xf32>
      %broadcast_in_dim3A_72 = vector.broadcast %squeeze3A_71 : f32 to vector<16xf32>
      %slice3A_73 = vector.extract_strided_slice %exp3A {offsets = [6], sizes = [1], strides = [1]} : vector<16xf32> to vector<1xf32>
      %squeeze3A_74 = vector.extract %slice3A_73[0] : f32 from vector<1xf32>
      %broadcast_in_dim3A_75 = vector.broadcast %squeeze3A_74 : f32 to vector<16xf32>
      %slice3A_76 = vector.extract_strided_slice %exp3A {offsets = [7], sizes = [1], strides = [1]} : vector<16xf32> to vector<1xf32>
      %squeeze3A_77 = vector.extract %slice3A_76[0] : f32 from vector<1xf32>
      %broadcast_in_dim3A_78 = vector.broadcast %squeeze3A_77 : f32 to vector<16xf32>
      %get3A_79 = arith.index_cast %scan3A_44 : i32 to index
      %get3A_80 = arith.constant 0 : index
      %get3A_81 = tpu.vector_load %arg10[%get3A_79, %get3A_80] {strides = array<i32>} : memref<80x128xf32, #tpu.memory_space<vmem>>, vector<1x16xf32>,
      %get3A_82 = vector.shape_cast %get3A_81 : vector<1x16xf32> to vector<16xf32>
      %select_n3A_83 = arith.select %lt3A_8, %broadcast_in_dim3A, %broadcast_in_dim3A_60 : vector<16xi1>, vector<16xf32>
      %mul3A_84 = arith.mulf %get3A_82, %select_n3A_83 : vector<16xf32>
      %swap3A = arith.index_cast %scan3A_44 : i32 to index
      %swap3A_85 = arith.constant 0 : index
      %swap3A_86 = tpu.vector_load %arg10[%swap3A, %swap3A_85] {strides = array<i32>} : memref<80x128xf32, #tpu.memory_space<vmem>>, vector<1x16xf32>,
      %swap3A_87 = vector.shape_cast %swap3A_86 : vector<1x16xf32> to vector<16xf32>
      %swap3A_88 = vector.shape_cast %mul3A_84 : vector<16xf32> to vector<1x16xf32>
      tpu.vector_store %arg10[%swap3A, %swap3A_85], %swap3A_88 {strides = array<i32>} : memref<80x128xf32, #tpu.memory_space<vmem>>, vector<1x16xf32>,
      %get3A_89 = arith.index_cast %scan3A_44 : i32 to index
      %get3A_90 = arith.constant 16 : index
      %get3A_91 = tpu.vector_load %arg10[%get3A_89, %get3A_90] {strides = array<i32>} : memref<80x128xf32, #tpu.memory_space<vmem>>, vector<1x16xf32>,
      %get3A_92 = vector.shape_cast %get3A_91 : vector<1x16xf32> to vector<16xf32>
      %select_n3A_93 = arith.select %lt3A_8, %broadcast_in_dim3A_63, %broadcast_in_dim3A_66 : vector<16xi1>, vector<16xf32>
      %mul3A_94 = arith.mulf %get3A_92, %select_n3A_93 : vector<16xf32>
      %swap3A_95 = arith.index_cast %scan3A_44 : i32 to index
      %swap3A_96 = arith.constant 16 : index
      %swap3A_97 = tpu.vector_load %arg10[%swap3A_95, %swap3A_96] {strides = array<i32>} : memref<80x128xf32, #tpu.memory_space<vmem>>, vector<1x16xf32>,
      %swap3A_98 = vector.shape_cast %swap3A_97 : vector<1x16xf32> to vector<16xf32>
      %swap3A_99 = vector.shape_cast %mul3A_94 : vector<16xf32> to vector<1x16xf32>
      tpu.vector_store %arg10[%swap3A_95, %swap3A_96], %swap3A_99 {strides = array<i32>} : memref<80x128xf32, #tpu.memory_space<vmem>>, vector<1x16xf32>,
      %get3A_100 = arith.index_cast %scan3A_44 : i32 to index
      %get3A_101 = arith.constant 32 : index
      %get3A_102 = tpu.vector_load %arg10[%get3A_100, %get3A_101] {strides = array<i32>} : memref<80x128xf32, #tpu.memory_space<vmem>>, vector<1x16xf32>,
      %get3A_103 = vector.shape_cast %get3A_102 : vector<1x16xf32> to vector<16xf32>
      %select_n3A_104 = arith.select %lt3A_8, %broadcast_in_dim3A_69, %broadcast_in_dim3A_72 : vector<16xi1>, vector<16xf32>
      %mul3A_105 = arith.mulf %get3A_103, %select_n3A_104 : vector<16xf32>
      %swap3A_106 = arith.index_cast %scan3A_44 : i32 to index
      %swap3A_107 = arith.constant 32 : index
      %swap3A_108 = tpu.vector_load %arg10[%swap3A_106, %swap3A_107] {strides = array<i32>} : memref<80x128xf32, #tpu.memory_space<vmem>>, vector<1x16xf32>,
      %swap3A_109 = vector.shape_cast %swap3A_108 : vector<1x16xf32> to vector<16xf32>
      %swap3A_110 = vector.shape_cast %mul3A_105 : vector<16xf32> to vector<1x16xf32>
      tpu.vector_store %arg10[%swap3A_106, %swap3A_107], %swap3A_110 {strides = array<i32>} : memref<80x128xf32, #tpu.memory_space<vmem>>, vector<1x16xf32>,
      %get3A_111 = arith.index_cast %scan3A_44 : i32 to index
      %get3A_112 = arith.constant 48 : index
      %get3A_113 = tpu.vector_load %arg10[%get3A_111, %get3A_112] {strides = array<i32>} : memref<80x128xf32, #tpu.memory_space<vmem>>, vector<1x16xf32>,
      %get3A_114 = vector.shape_cast %get3A_113 : vector<1x16xf32> to vector<16xf32>
      %select_n3A_115 = arith.select %lt3A_8, %broadcast_in_dim3A_75, %broadcast_in_dim3A_78 : vector<16xi1>, vector<16xf32>
      %mul3A_116 = arith.mulf %get3A_114, %select_n3A_115 : vector<16xf32>
      %swap3A_117 = arith.index_cast %scan3A_44 : i32 to index
      %swap3A_118 = arith.constant 48 : index
      %swap3A_119 = tpu.vector_load %arg10[%swap3A_117, %swap3A_118] {strides = array<i32>} : memref<80x128xf32, #tpu.memory_space<vmem>>, vector<1x16xf32>,
      %swap3A_120 = vector.shape_cast %swap3A_119 : vector<1x16xf32> to vector<16xf32>
      %swap3A_121 = vector.shape_cast %mul3A_116 : vector<16xf32> to vector<1x16xf32>
      tpu.vector_store %arg10[%swap3A_117, %swap3A_118], %swap3A_121 {strides = array<i32>} : memref<80x128xf32, #tpu.memory_space<vmem>>, vector<1x16xf32>,
      %swap3A_122 = arith.index_cast %scan3A_44 : i32 to index
      %swap3A_123 = arith.constant 64 : index
      %swap3A_124 = tpu.vector_load %arg10[%swap3A_122, %swap3A_123] {strides = array<i32>} : memref<80x128xf32, #tpu.memory_space<vmem>>, vector<1x16xf32>,
      %swap3A_125 = vector.shape_cast %swap3A_124 : vector<1x16xf32> to vector<16xf32>
      %swap3A_126 = vector.shape_cast %exp3A : vector<16xf32> to vector<1x16xf32>
      tpu.vector_store %arg10[%swap3A_122, %swap3A_123], %swap3A_126 {strides = array<i32>} : memref<80x128xf32, #tpu.memory_space<vmem>>, vector<1x16xf32>,
    }
    %scan3A_33 = arith.constant 80 : i32
    "tpu.region"() ({
      %run_scoped3A = tpu.sem_alloc : memref<!tpu.dma_semaphore, #tpu.memory_space<semaphore_mem>>
      %dma_start3A_44 = arith.constant 0 : i32
      %dma_start3A_45 = arith.constant 0 : i32
      %dma_start3A_46 = tpu.memref_slice %arg7[%dma_start3A_44, %dma_start3A_45] : memref<10000x128xf32, #tpu.memory_space<vmem_shared>> -> memref<10000x128xf32, #tpu.memory_space<vmem_shared>>
      tpu.enqueue_indirect_dma source(%arg10 : memref<80x128xf32, #tpu.memory_space<vmem>>) target(%dma_start3A_46 : memref<10000x128xf32, #tpu.memory_space<vmem_shared>>) offsets(%arg9 : memref<80xi32, #tpu.memory_space<vmem>>) semaphore(%run_scoped3A : memref<!tpu.dma_semaphore, #tpu.memory_space<semaphore_mem>>) {add = true}
      %dma_wait3A_47 = arith.constant 0 : i32
      %dma_wait3A_48 = arith.constant 0 : i32
      %dma_wait3A_49 = tpu.memref_slice %arg7[%dma_wait3A_47, %dma_wait3A_48] : memref<10000x128xf32, #tpu.memory_space<vmem_shared>> -> memref<10000x128xf32, #tpu.memory_space<vmem_shared>>
      tpu.wait_indirect_dma semaphore(%run_scoped3A : memref<!tpu.dma_semaphore, #tpu.memory_space<semaphore_mem>>) src(%arg10 : memref<80x128xf32, #tpu.memory_space<vmem>>) dst(%dma_wait3A_49 : memref<10000x128xf32, #tpu.memory_space<vmem_shared>>)
      tpu.yield
    }) : () -> ()
    %barrier3A_34 = arith.constant 0 : index
    tpu.barrier barrier_id(%barrier3A_34)
    %mul3A_35 = arith.constant 624 : i32
    %mul3A_36 = arith.muli %arg1, %mul3A_35 : i32
    %mul3A_37 = arith.constant 624 : i32
    %mul3A_38 = arith.muli %arg1, %mul3A_37 : i32
    "tpu.region"() ({
      %run_scoped3A = tpu.sem_alloc : memref<!tpu.dma_semaphore, #tpu.memory_space<semaphore_mem>>
      %dma_start3A_44 = arith.constant 0 : i32
      %dma_start3A_45 = tpu.memref_slice %arg6[%arg0, %mul3A_38, %dma_start3A_44] : memref<2x10000x128xf32, #tpu.memory_space<hbm>> -> memref<1x624x128xf32, #tpu.memory_space<hbm>>
      %dma_start3A_46 = tpu.memref_squeeze %dma_start3A_45 : memref<1x624x128xf32, #tpu.memory_space<hbm>> -> memref<624x128xf32, #tpu.memory_space<hbm>>
      %dma_start3A_47 = arith.constant 0 : i32
      %dma_start3A_48 = tpu.memref_slice %arg7[%mul3A_36, %dma_start3A_47] : memref<10000x128xf32, #tpu.memory_space<vmem_shared>> -> memref<624x128xf32, #tpu.memory_space<vmem_shared>>
      tpu.enqueue_dma source(%dma_start3A_48 : memref<624x128xf32, #tpu.memory_space<vmem_shared>>) target(%dma_start3A_46 : memref<624x128xf32, #tpu.memory_space<hbm>>) target_semaphore(%run_scoped3A : memref<!tpu.dma_semaphore, #tpu.memory_space<semaphore_mem>>)
      %dma_wait3A_49 = arith.constant 0 : i32
      %dma_wait3A_50 = tpu.memref_slice %arg6[%arg0, %mul3A_38, %dma_wait3A_49] : memref<2x10000x128xf32, #tpu.memory_space<hbm>> -> memref<1x624x128xf32, #tpu.memory_space<hbm>>
      %dma_wait3A_51 = tpu.memref_squeeze %dma_wait3A_50 : memref<1x624x128xf32, #tpu.memory_space<hbm>> -> memref<624x128xf32, #tpu.memory_space<hbm>>
      %dma_wait3A_52 = arith.constant 0 : i32
      %dma_wait3A_53 = tpu.memref_slice %arg7[%mul3A_36, %dma_wait3A_52] : memref<10000x128xf32, #tpu.memory_space<vmem_shared>> -> memref<624x128xf32, #tpu.memory_space<vmem_shared>>
      tpu.wait_dma2 semaphore(%run_scoped3A : memref<!tpu.dma_semaphore, #tpu.memory_space<semaphore_mem>>) src(%dma_wait3A_53 : memref<624x128xf32, #tpu.memory_space<vmem_shared>>) dst(%dma_wait3A_51 : memref<624x128xf32, #tpu.memory_space<hbm>>)
      tpu.yield
    }) : () -> ()
    %eq3A_39 = arith.constant 15 : i32
    %eq3A_40 = arith.cmpi eq, %arg1, %eq3A_39 : i32
    %convert_element_type3A_41 = arith.extui %eq3A_40 : i1 to i32
    %cond3A_42 = arith.constant 0 : i32
    %cond3A_43 = arith.cmpi ne, %convert_element_type3A_41, %cond3A_42 : i32
    scf.if %cond3A_43 {
      "tpu.region"() ({
        %run_scoped3A = tpu.sem_alloc : memref<!tpu.dma_semaphore, #tpu.memory_space<semaphore_mem>>
        %dma_start3A_44 = arith.constant 9984 : i32
        %dma_start3A_45 = arith.constant 0 : i32
        %dma_start3A_46 = tpu.memref_slice %arg6[%arg0, %dma_start3A_44, %dma_start3A_45] : memref<2x10000x128xf32, #tpu.memory_space<hbm>> -> memref<1x16x128xf32, #tpu.memory_space<hbm>>
        %dma_start3A_47 = tpu.memref_squeeze %dma_start3A_46 : memref<1x16x128xf32, #tpu.memory_space<hbm>> -> memref<16x128xf32, #tpu.memory_space<hbm>>
        %dma_start3A_48 = arith.constant 9984 : i32
        %dma_start3A_49 = arith.constant 0 : i32
        %dma_start3A_50 = tpu.memref_slice %arg7[%dma_start3A_48, %dma_start3A_49] : memref<10000x128xf32, #tpu.memory_space<vmem_shared>> -> memref<16x128xf32, #tpu.memory_space<vmem_shared>>
        tpu.enqueue_dma source(%dma_start3A_50 : memref<16x128xf32, #tpu.memory_space<vmem_shared>>) target(%dma_start3A_47 : memref<16x128xf32, #tpu.memory_space<hbm>>) target_semaphore(%run_scoped3A : memref<!tpu.dma_semaphore, #tpu.memory_space<semaphore_mem>>)
        %dma_wait3A_51 = arith.constant 9984 : i32
        %dma_wait3A_52 = arith.constant 0 : i32
        %dma_wait3A_53 = tpu.memref_slice %arg6[%arg0, %dma_wait3A_51, %dma_wait3A_52] : memref<2x10000x128xf32, #tpu.memory_space<hbm>> -> memref<1x16x128xf32, #tpu.memory_space<hbm>>
        %dma_wait3A_54 = tpu.memref_squeeze %dma_wait3A_53 : memref<1x16x128xf32, #tpu.memory_space<hbm>> -> memref<16x128xf32, #tpu.memory_space<hbm>>
        %dma_wait3A_55 = arith.constant 9984 : i32
        %dma_wait3A_56 = arith.constant 0 : i32
        %dma_wait3A_57 = tpu.memref_slice %arg7[%dma_wait3A_55, %dma_wait3A_56] : memref<10000x128xf32, #tpu.memory_space<vmem_shared>> -> memref<16x128xf32, #tpu.memory_space<vmem_shared>>
        tpu.wait_dma2 semaphore(%run_scoped3A : memref<!tpu.dma_semaphore, #tpu.memory_space<semaphore_mem>>) src(%dma_wait3A_57 : memref<16x128xf32, #tpu.memory_space<vmem_shared>>) dst(%dma_wait3A_54 : memref<16x128xf32, #tpu.memory_space<hbm>>)
        tpu.yield
      }) : () -> ()
    } else {
    }
    return
  }
}

module attributes {stable_mosaic.version = 14 : i64} {
  func.func @_start_body(%arg0: i32, %arg1: memref<1000x128xf32, #tpu.memory_space<vmem>>, %arg2: memref<128x64xf32, #tpu.memory_space<vmem>>, %arg3: memref<64x128xf32, #tpu.memory_space<vmem>>, %arg4: memref<1000x128xf32, #tpu.memory_space<vmem>>) attributes {dimension_semantics = [#tpu.dimension_semantics<arbitrary>], iteration_bounds = array<i64: 10>, scalar_prefetch = 0 : i64, scratch_operands = 0 : i64, tpu.core_type = #tpu.core_type<tc>, window_params = [{transform_indices = @transform_0, window_bounds = array<i64: 1000, 128>}, {pipeline_mode = #tpu.pipeline_mode<synchronous>, transform_indices = @transform_1, window_bounds = array<i64: 128, 64>}, {pipeline_mode = #tpu.pipeline_mode<synchronous>, transform_indices = @transform_2, window_bounds = array<i64: 64, 128>}, {transform_indices = @transform_3, window_bounds = array<i64: 1000, 128>}]} {
    %get3A = arith.constant 0 : index
    %get3A_0 = arith.constant 0 : index
    %get3A_1 = vector.load %arg1[%get3A, %get3A_0] : memref<1000x128xf32, #tpu.memory_space<vmem>>, vector<1000x128xf32>
    %get3A_2 = arith.constant 0 : index
    %get3A_3 = arith.constant 0 : index
    %get3A_4 = vector.load %arg2[%get3A_2, %get3A_3] : memref<128x64xf32, #tpu.memory_space<vmem>>, vector<128x64xf32>
    %dot_general3A = arith.constant dense<0.000000e+00> : vector<1000x64xf32>
    %dot_general3A_5 = tpu.matmul %get3A_1, %get3A_4, %dot_general3A {dimension_numbers = #tpu.dot_dimension_numbers<[1], [0], [0], [1], [0, 0, 1, 1], [], []>, precision = #tpu.contract_precision<fp32>, transpose_lhs_hint = false} : vector<1000x128xf32>, vector<128x64xf32>, vector<1000x64xf32> -> vector<1000x64xf32>
    %get3A_6 = arith.constant 0 : index
    %get3A_7 = arith.constant 0 : index
    %get3A_8 = vector.load %arg3[%get3A_6, %get3A_7] : memref<64x128xf32, #tpu.memory_space<vmem>>, vector<64x128xf32>
    %dot_general3A_9 = arith.constant dense<0.000000e+00> : vector<1000x128xf32>
    %dot_general3A_10 = tpu.matmul %dot_general3A_5, %get3A_8, %dot_general3A_9 {dimension_numbers = #tpu.dot_dimension_numbers<[1], [0], [0], [1], [0, 0, 1, 1], [], []>, precision = #tpu.contract_precision<fp32>, transpose_lhs_hint = false} : vector<1000x64xf32>, vector<64x128xf32>, vector<1000x128xf32> -> vector<1000x128xf32>
    %swap3A = arith.constant 0 : index
    %swap3A_11 = arith.constant 0 : index
    %swap3A_12 = vector.load %arg4[%swap3A, %swap3A_11] : memref<1000x128xf32, #tpu.memory_space<vmem>>, vector<1000x128xf32>
    tpu.vector_store %arg4[%swap3A, %swap3A_11], %dot_general3A_10 {strides = array<i32>} : memref<1000x128xf32, #tpu.memory_space<vmem>>, vector<1000x128xf32>,
    return
  }
  func.func @transform_0(%arg0: i32) -> (i32, i32) {
    %c0_i32 = arith.constant 0 : i32
    %c0_i32_0 = arith.constant 0 : i32
    return %arg0, %c0_i32 : i32, i32
  }
  func.func @transform_1(%arg0: i32) -> (i32, i32) {
    %c0_i32 = arith.constant 0 : i32
    %c0_i32_0 = arith.constant 0 : i32
    %c0_i32_1 = arith.constant 0 : i32
    return %c0_i32, %c0_i32_0 : i32, i32
  }
  func.func @transform_2(%arg0: i32) -> (i32, i32) {
    %c0_i32 = arith.constant 0 : i32
    %c0_i32_0 = arith.constant 0 : i32
    %c0_i32_1 = arith.constant 0 : i32
    return %c0_i32, %c0_i32_0 : i32, i32
  }
  func.func @transform_3(%arg0: i32) -> (i32, i32) {
    %c0_i32 = arith.constant 0 : i32
    %c0_i32_0 = arith.constant 0 : i32
    return %arg0, %c0_i32 : i32, i32
  }
}

module attributes {stable_mosaic.version = 14 : i64} {
  func.func @_bridge_body(%arg0: i32, %arg1: memref<1000x128xf32, #tpu.memory_space<vmem>>, %arg2: memref<1000x128xf32, #tpu.memory_space<vmem>>, %arg3: memref<1000x128xf32, #tpu.memory_space<vmem>>, %arg4: memref<1x64xf32, #tpu.memory_space<vmem>>, %arg5: memref<64x64xf32, #tpu.memory_space<vmem>>, %arg6: memref<64x128xf32, #tpu.memory_space<vmem>>, %arg7: memref<8x64xf32, #tpu.memory_space<vmem>>, %arg8: memref<1000x128xf32, #tpu.memory_space<vmem>>) attributes {dimension_semantics = [#tpu.dimension_semantics<arbitrary>], iteration_bounds = array<i64: 10>, scalar_prefetch = 0 : i64, scratch_operands = 0 : i64, tpu.core_type = #tpu.core_type<tc>, window_params = [{transform_indices = @transform_0, window_bounds = array<i64: 1000, 128>}, {transform_indices = @transform_1, window_bounds = array<i64: 1000, 128>}, {transform_indices = @transform_2, window_bounds = array<i64: 1000, 128>}, {pipeline_mode = #tpu.pipeline_mode<synchronous>, transform_indices = @transform_3, window_bounds = array<i64: 1, 64>}, {pipeline_mode = #tpu.pipeline_mode<synchronous>, transform_indices = @transform_4, window_bounds = array<i64: 64, 64>}, {pipeline_mode = #tpu.pipeline_mode<synchronous>, transform_indices = @transform_5, window_bounds = array<i64: 64, 128>}, {pipeline_mode = #tpu.pipeline_mode<synchronous>, transform_indices = @transform_6, window_bounds = array<i64: 8, 64>}, {transform_indices = @transform_7, window_bounds = array<i64: 1000, 128>}]} {
    %get3A = arith.constant 0 : index
    %get3A_0 = arith.constant 0 : index
    %get3A_1 = vector.load %arg1[%get3A, %get3A_0] : memref<1000x128xf32, #tpu.memory_space<vmem>>, vector<1000x128xf32>
    %get3A_2 = arith.constant 0 : index
    %get3A_3 = arith.constant 0 : index
    %get3A_4 = vector.load %arg2[%get3A_2, %get3A_3] : memref<1000x128xf32, #tpu.memory_space<vmem>>, vector<1000x128xf32>
    %get3A_5 = arith.constant 0 : index
    %get3A_6 = arith.constant 0 : index
    %get3A_7 = vector.load %arg3[%get3A_5, %get3A_6] : memref<1000x128xf32, #tpu.memory_space<vmem>>, vector<1000x128xf32>
    %slice3A = vector.extract_strided_slice %get3A_1 {offsets = [0, 0], sizes = [1000, 64], strides = [1, 1]} : vector<1000x128xf32> to vector<1000x64xf32>
    %slice3A_8 = vector.extract_strided_slice %get3A_4 {offsets = [0, 0], sizes = [1000, 64], strides = [1, 1]} : vector<1000x128xf32> to vector<1000x64xf32>
    %add3A = arith.addf %slice3A, %slice3A_8 : vector<1000x64xf32>
    %slice3A_9 = vector.extract_strided_slice %get3A_1 {offsets = [0, 64], sizes = [1000, 8], strides = [1, 1]} : vector<1000x128xf32> to vector<1000x8xf32>
    %slice3A_10 = vector.extract_strided_slice %get3A_4 {offsets = [0, 64], sizes = [1000, 8], strides = [1, 1]} : vector<1000x128xf32> to vector<1000x8xf32>
    %add3A_11 = arith.addf %slice3A_9, %slice3A_10 : vector<1000x8xf32>
    %slice3A_12 = vector.extract_strided_slice %get3A_7 {offsets = [0, 64], sizes = [1000, 8], strides = [1, 1]} : vector<1000x128xf32> to vector<1000x8xf32>
    %slice3A_13 = vector.extract_strided_slice %get3A_7 {offsets = [0, 80], sizes = [1000, 8], strides = [1, 1]} : vector<1000x128xf32> to vector<1000x8xf32>
    %add3A_14 = arith.addf %slice3A_12, %slice3A_13 : vector<1000x8xf32>
    %ge3A = arith.constant 0.000000e+00 : f32
    %ge3A_15 = vector.broadcast %ge3A : f32 to vector<1000x8xf32>
    %ge3A_16 = arith.cmpf oge, %add3A_14, %ge3A_15 : vector<1000x8xf32>
    %mul3A = arith.constant 2.000000e-01 : f32
    %mul3A_17 = vector.broadcast %mul3A : f32 to vector<1000x8xf32>
    %mul3A_18 = arith.mulf %mul3A_17, %add3A_14 : vector<1000x8xf32>
    %select_n3A = arith.select %ge3A_16, %add3A_14, %mul3A_18 : vector<1000x8xi1>, vector<1000x8xf32>
    %exp3A = math.exp %select_n3A : vector<1000x8xf32>
    %get3A_19 = arith.constant 0 : index
    %get3A_20 = arith.constant 0 : index
    %get3A_21 = vector.load %arg7[%get3A_19, %get3A_20] : memref<8x64xf32, #tpu.memory_space<vmem>>, vector<8x64xf32>
    %slice3A_22 = vector.extract_strided_slice %get3A_7 {offsets = [0, 0], sizes = [1000, 64], strides = [1, 1]} : vector<1000x128xf32> to vector<1000x64xf32>
    %dot_general3A = arith.constant dense<0.000000e+00> : vector<1000x64xf32>
    %dot_general3A_23 = tpu.matmul %exp3A, %get3A_21, %dot_general3A {dimension_numbers = #tpu.dot_dimension_numbers<[1], [0], [0], [1], [0, 0, 1, 1], [], []>, precision = #tpu.contract_precision<fp32>, transpose_lhs_hint = false} : vector<1000x8xf32>, vector<8x64xf32>, vector<1000x64xf32> -> vector<1000x64xf32>
    %mul3A_24 = arith.mulf %slice3A_22, %dot_general3A_23 : vector<1000x64xf32>
    %add3A_25 = arith.addf %add3A, %mul3A_24 : vector<1000x64xf32>
    %add3A_26 = arith.addf %add3A_11, %exp3A : vector<1000x8xf32>
    %dot_general3A_27 = arith.constant dense<0.000000e+00> : vector<1000x64xf32>
    %dot_general3A_28 = tpu.matmul %add3A_26, %get3A_21, %dot_general3A_27 {dimension_numbers = #tpu.dot_dimension_numbers<[1], [0], [0], [1], [0, 0, 1, 1], [], []>, precision = #tpu.contract_precision<fp32>, transpose_lhs_hint = false} : vector<1000x8xf32>, vector<8x64xf32>, vector<1000x64xf32> -> vector<1000x64xf32>
    %div3A = arith.divf %add3A_25, %dot_general3A_28 : vector<1000x64xf32>
    %get3A_29 = arith.constant 0 : index
    %get3A_30 = arith.constant 0 : index
    %get3A_31 = vector.load %arg4[%get3A_29, %get3A_30] : memref<1x64xf32, #tpu.memory_space<vmem>>, vector<1x64xf32>
    %add3A_32 = vector.broadcast %get3A_31 : vector<1x64xf32> to vector<1000x64xf32>
    %add3A_33 = arith.addf %div3A, %add3A_32 : vector<1000x64xf32>
    %get3A_34 = arith.constant 0 : index
    %get3A_35 = arith.constant 0 : index
    %get3A_36 = vector.load %arg5[%get3A_34, %get3A_35] : memref<64x64xf32, #tpu.memory_space<vmem>>, vector<64x64xf32>
    %dot_general3A_37 = arith.constant dense<0.000000e+00> : vector<1000x64xf32>
    %dot_general3A_38 = tpu.matmul %add3A_33, %get3A_36, %dot_general3A_37 {dimension_numbers = #tpu.dot_dimension_numbers<[1], [0], [0], [1], [0, 0, 1, 1], [], []>, precision = #tpu.contract_precision<fp32>, transpose_lhs_hint = false} : vector<1000x64xf32>, vector<64x64xf32>, vector<1000x64xf32> -> vector<1000x64xf32>
    %get3A_39 = arith.constant 0 : index
    %get3A_40 = arith.constant 0 : index
    %get3A_41 = vector.load %arg6[%get3A_39, %get3A_40] : memref<64x128xf32, #tpu.memory_space<vmem>>, vector<64x128xf32>
    %dot_general3A_42 = arith.constant dense<0.000000e+00> : vector<1000x128xf32>
    %dot_general3A_43 = tpu.matmul %dot_general3A_38, %get3A_41, %dot_general3A_42 {dimension_numbers = #tpu.dot_dimension_numbers<[1], [0], [0], [1], [0, 0, 1, 1], [], []>, precision = #tpu.contract_precision<fp32>, transpose_lhs_hint = false} : vector<1000x64xf32>, vector<64x128xf32>, vector<1000x128xf32> -> vector<1000x128xf32>
    %swap3A = arith.constant 0 : index
    %swap3A_44 = arith.constant 0 : index
    %swap3A_45 = vector.load %arg8[%swap3A, %swap3A_44] : memref<1000x128xf32, #tpu.memory_space<vmem>>, vector<1000x128xf32>
    tpu.vector_store %arg8[%swap3A, %swap3A_44], %dot_general3A_43 {strides = array<i32>} : memref<1000x128xf32, #tpu.memory_space<vmem>>, vector<1000x128xf32>,
    return
  }
  func.func @transform_0(%arg0: i32) -> (i32, i32) {
    %c0_i32 = arith.constant 0 : i32
    %c0_i32_0 = arith.constant 0 : i32
    return %arg0, %c0_i32 : i32, i32
  }
  func.func @transform_1(%arg0: i32) -> (i32, i32) {
    %c0_i32 = arith.constant 0 : i32
    %c0_i32_0 = arith.constant 0 : i32
    return %arg0, %c0_i32 : i32, i32
  }
  func.func @transform_2(%arg0: i32) -> (i32, i32) {
    %c0_i32 = arith.constant 0 : i32
    %c0_i32_0 = arith.constant 0 : i32
    return %arg0, %c0_i32 : i32, i32
  }
  func.func @transform_3(%arg0: i32) -> (i32, i32) {
    %c0_i32 = arith.constant 0 : i32
    %c0_i32_0 = arith.constant 0 : i32
    %c0_i32_1 = arith.constant 0 : i32
    return %c0_i32, %c0_i32_0 : i32, i32
  }
  func.func @transform_4(%arg0: i32) -> (i32, i32) {
    %c0_i32 = arith.constant 0 : i32
    %c0_i32_0 = arith.constant 0 : i32
    %c0_i32_1 = arith.constant 0 : i32
    return %c0_i32, %c0_i32_0 : i32, i32
  }
  func.func @transform_5(%arg0: i32) -> (i32, i32) {
    %c0_i32 = arith.constant 0 : i32
    %c0_i32_0 = arith.constant 0 : i32
    %c0_i32_1 = arith.constant 0 : i32
    return %c0_i32, %c0_i32_0 : i32, i32
  }
  func.func @transform_6(%arg0: i32) -> (i32, i32) {
    %c0_i32 = arith.constant 0 : i32
    %c0_i32_0 = arith.constant 0 : i32
    %c0_i32_1 = arith.constant 0 : i32
    return %c0_i32, %c0_i32_0 : i32, i32
  }
  func.func @transform_7(%arg0: i32) -> (i32, i32) {
    %c0_i32 = arith.constant 0 : i32
    %c0_i32_0 = arith.constant 0 : i32
    return %arg0, %c0_i32 : i32, i32
  }
}

module attributes {stable_mosaic.version = 14 : i64} {
  func.func @_finish_body(%arg0: i32, %arg1: memref<1000x128xf32, #tpu.memory_space<vmem>>, %arg2: memref<1000x128xf32, #tpu.memory_space<vmem>>, %arg3: memref<1000x128xf32, #tpu.memory_space<vmem>>, %arg4: memref<1x64xf32, #tpu.memory_space<vmem>>, %arg5: memref<8x64xf32, #tpu.memory_space<vmem>>, %arg6: memref<1000x64xf32, #tpu.memory_space<vmem>>) attributes {dimension_semantics = [#tpu.dimension_semantics<arbitrary>], iteration_bounds = array<i64: 10>, scalar_prefetch = 0 : i64, scratch_operands = 0 : i64, tpu.core_type = #tpu.core_type<tc>, window_params = [{transform_indices = @transform_0, window_bounds = array<i64: 1000, 128>}, {transform_indices = @transform_1, window_bounds = array<i64: 1000, 128>}, {transform_indices = @transform_2, window_bounds = array<i64: 1000, 128>}, {pipeline_mode = #tpu.pipeline_mode<synchronous>, transform_indices = @transform_3, window_bounds = array<i64: 1, 64>}, {pipeline_mode = #tpu.pipeline_mode<synchronous>, transform_indices = @transform_4, window_bounds = array<i64: 8, 64>}, {transform_indices = @transform_5, window_bounds = array<i64: 1000, 64>}]} {
    %get3A = arith.constant 0 : index
    %get3A_0 = arith.constant 0 : index
    %get3A_1 = vector.load %arg1[%get3A, %get3A_0] : memref<1000x128xf32, #tpu.memory_space<vmem>>, vector<1000x128xf32>
    %get3A_2 = arith.constant 0 : index
    %get3A_3 = arith.constant 0 : index
    %get3A_4 = vector.load %arg2[%get3A_2, %get3A_3] : memref<1000x128xf32, #tpu.memory_space<vmem>>, vector<1000x128xf32>
    %get3A_5 = arith.constant 0 : index
    %get3A_6 = arith.constant 0 : index
    %get3A_7 = vector.load %arg3[%get3A_5, %get3A_6] : memref<1000x128xf32, #tpu.memory_space<vmem>>, vector<1000x128xf32>
    %slice3A = vector.extract_strided_slice %get3A_1 {offsets = [0, 0], sizes = [1000, 64], strides = [1, 1]} : vector<1000x128xf32> to vector<1000x64xf32>
    %slice3A_8 = vector.extract_strided_slice %get3A_4 {offsets = [0, 0], sizes = [1000, 64], strides = [1, 1]} : vector<1000x128xf32> to vector<1000x64xf32>
    %add3A = arith.addf %slice3A, %slice3A_8 : vector<1000x64xf32>
    %slice3A_9 = vector.extract_strided_slice %get3A_1 {offsets = [0, 64], sizes = [1000, 8], strides = [1, 1]} : vector<1000x128xf32> to vector<1000x8xf32>
    %slice3A_10 = vector.extract_strided_slice %get3A_4 {offsets = [0, 64], sizes = [1000, 8], strides = [1, 1]} : vector<1000x128xf32> to vector<1000x8xf32>
    %add3A_11 = arith.addf %slice3A_9, %slice3A_10 : vector<1000x8xf32>
    %slice3A_12 = vector.extract_strided_slice %get3A_7 {offsets = [0, 64], sizes = [1000, 8], strides = [1, 1]} : vector<1000x128xf32> to vector<1000x8xf32>
    %slice3A_13 = vector.extract_strided_slice %get3A_7 {offsets = [0, 80], sizes = [1000, 8], strides = [1, 1]} : vector<1000x128xf32> to vector<1000x8xf32>
    %add3A_14 = arith.addf %slice3A_12, %slice3A_13 : vector<1000x8xf32>
    %ge3A = arith.constant 0.000000e+00 : f32
    %ge3A_15 = vector.broadcast %ge3A : f32 to vector<1000x8xf32>
    %ge3A_16 = arith.cmpf oge, %add3A_14, %ge3A_15 : vector<1000x8xf32>
    %mul3A = arith.constant 2.000000e-01 : f32
    %mul3A_17 = vector.broadcast %mul3A : f32 to vector<1000x8xf32>
    %mul3A_18 = arith.mulf %mul3A_17, %add3A_14 : vector<1000x8xf32>
    %select_n3A = arith.select %ge3A_16, %add3A_14, %mul3A_18 : vector<1000x8xi1>, vector<1000x8xf32>
    %exp3A = math.exp %select_n3A : vector<1000x8xf32>
    %get3A_19 = arith.constant 0 : index
    %get3A_20 = arith.constant 0 : index
    %get3A_21 = vector.load %arg5[%get3A_19, %get3A_20] : memref<8x64xf32, #tpu.memory_space<vmem>>, vector<8x64xf32>
    %slice3A_22 = vector.extract_strided_slice %get3A_7 {offsets = [0, 0], sizes = [1000, 64], strides = [1, 1]} : vector<1000x128xf32> to vector<1000x64xf32>
    %dot_general3A = arith.constant dense<0.000000e+00> : vector<1000x64xf32>
    %dot_general3A_23 = tpu.matmul %exp3A, %get3A_21, %dot_general3A {dimension_numbers = #tpu.dot_dimension_numbers<[1], [0], [0], [1], [0, 0, 1, 1], [], []>, precision = #tpu.contract_precision<fp32>, transpose_lhs_hint = false} : vector<1000x8xf32>, vector<8x64xf32>, vector<1000x64xf32> -> vector<1000x64xf32>
    %mul3A_24 = arith.mulf %slice3A_22, %dot_general3A_23 : vector<1000x64xf32>
    %add3A_25 = arith.addf %add3A, %mul3A_24 : vector<1000x64xf32>
    %add3A_26 = arith.addf %add3A_11, %exp3A : vector<1000x8xf32>
    %dot_general3A_27 = arith.constant dense<0.000000e+00> : vector<1000x64xf32>
    %dot_general3A_28 = tpu.matmul %add3A_26, %get3A_21, %dot_general3A_27 {dimension_numbers = #tpu.dot_dimension_numbers<[1], [0], [0], [1], [0, 0, 1, 1], [], []>, precision = #tpu.contract_precision<fp32>, transpose_lhs_hint = false} : vector<1000x8xf32>, vector<8x64xf32>, vector<1000x64xf32> -> vector<1000x64xf32>
    %div3A = arith.divf %add3A_25, %dot_general3A_28 : vector<1000x64xf32>
    %get3A_29 = arith.constant 0 : index
    %get3A_30 = arith.constant 0 : index
    %get3A_31 = vector.load %arg4[%get3A_29, %get3A_30] : memref<1x64xf32, #tpu.memory_space<vmem>>, vector<1x64xf32>
    %add3A_32 = vector.broadcast %get3A_31 : vector<1x64xf32> to vector<1000x64xf32>
    %add3A_33 = arith.addf %div3A, %add3A_32 : vector<1000x64xf32>
    %reduce_max3A = arith.constant dense<0xFF800000> : vector<1000xf32>
    %reduce_max3A_34 = vector.multi_reduction <maximumf>, %add3A_33, %reduce_max3A [1] : vector<1000x64xf32> to vector<1000xf32>
    %broadcast_in_dim3A = vector.shape_cast %reduce_max3A_34 : vector<1000xf32> to vector<1000x1xf32>
    %sub3A = vector.broadcast %broadcast_in_dim3A : vector<1000x1xf32> to vector<1000x64xf32>
    %sub3A_35 = arith.subf %add3A_33, %sub3A : vector<1000x64xf32>
    %exp3A_36 = math.exp %sub3A_35 : vector<1000x64xf32>
    %reduce_sum3A = arith.constant dense<0.000000e+00> : vector<1000xf32>
    %reduce_sum3A_37 = vector.multi_reduction <add>, %exp3A_36, %reduce_sum3A [1] : vector<1000x64xf32> to vector<1000xf32>
    %broadcast_in_dim3A_38 = vector.shape_cast %reduce_sum3A_37 : vector<1000xf32> to vector<1000x1xf32>
    %log3A = math.log %broadcast_in_dim3A_38 : vector<1000x1xf32>
    %add3A_39 = arith.addf %broadcast_in_dim3A, %log3A : vector<1000x1xf32>
    %sub3A_40 = vector.broadcast %add3A_39 : vector<1000x1xf32> to vector<1000x64xf32>
    %sub3A_41 = arith.subf %add3A_33, %sub3A_40 : vector<1000x64xf32>
    %swap3A = arith.constant 0 : index
    %swap3A_42 = arith.constant 0 : index
    %swap3A_43 = vector.load %arg6[%swap3A, %swap3A_42] : memref<1000x64xf32, #tpu.memory_space<vmem>>, vector<1000x64xf32>
    tpu.vector_store %arg6[%swap3A, %swap3A_42], %sub3A_41 {strides = array<i32>} : memref<1000x64xf32, #tpu.memory_space<vmem>>, vector<1000x64xf32>,
    return
  }
  func.func @transform_0(%arg0: i32) -> (i32, i32) {
    %c0_i32 = arith.constant 0 : i32
    %c0_i32_0 = arith.constant 0 : i32
    return %arg0, %c0_i32 : i32, i32
  }
  func.func @transform_1(%arg0: i32) -> (i32, i32) {
    %c0_i32 = arith.constant 0 : i32
    %c0_i32_0 = arith.constant 0 : i32
    return %arg0, %c0_i32 : i32, i32
  }
  func.func @transform_2(%arg0: i32) -> (i32, i32) {
    %c0_i32 = arith.constant 0 : i32
    %c0_i32_0 = arith.constant 0 : i32
    return %arg0, %c0_i32 : i32, i32
  }
  func.func @transform_3(%arg0: i32) -> (i32, i32) {
    %c0_i32 = arith.constant 0 : i32
    %c0_i32_0 = arith.constant 0 : i32
    %c0_i32_1 = arith.constant 0 : i32
    return %c0_i32, %c0_i32_0 : i32, i32
  }
  func.func @transform_4(%arg0: i32) -> (i32, i32) {
    %c0_i32 = arith.constant 0 : i32
    %c0_i32_0 = arith.constant 0 : i32
    %c0_i32_1 = arith.constant 0 : i32
    return %c0_i32, %c0_i32_0 : i32, i32
  }
  func.func @transform_5(%arg0: i32) -> (i32, i32) {
    %c0_i32 = arith.constant 0 : i32
    %c0_i32_0 = arith.constant 0 : i32
    return %arg0, %c0_i32 : i32, i32
  }
}

</mosaic_0001>

<sc_bundles>
// kernel: kernel.12.cloned.1.call-start
scs
__scs_entry_jumppad:
0x0: {  	(pc) =	sbr.rel $0x88, $3  }
0x1: {  	(tag) =	ssettag $0x0;
	lr =	simm.s32 $0x1  }
0x2: {  	[smem:$0x3F97] =	sst lr;
	_ =	strace $0xD0000000  }
0x3: {  	_ = 	snop  }
0x4: {  	_ = 	snop  }
0x5: {  	_ = 	snop  }
0x6: {  	_ = 	snop  }
0x7: {  	_ = 	snop  }
__scs_overlays_trampoline_lowered:
0x8: {  	[smem:$0x3FA6] =	sst s0  }
0x9: {  	[smem:$0x3FA7] =	sst s1  }
0xa: {  	[smem:$0x3FA8] =	sst s2  }
0xb: {  	[smem:$0x3FA9] =	sst s3  }
0xc: {  	[smem:$0x3FAA] =	sst s4  }
0xd: {  	[smem:$0x3FAB] =	sst s5  }
0xe: {  	[smem:$0x3FAC] =	sst s6  }
0xf: {  	[smem:$0x3FAD] =	sst s7  }
0x10: {  	[smem:$0x3FAE] =	sst s8  }
0x11: {  	[smem:$0x3FAF] =	sst s9;
	s0 =	simm.s32 @!p0 $0x0  }
0x12: {  	s1 =	sld [smem:$0x3F95];
	s0 =	simm.s32 @p0 $0x1  }
0x13: {  	[smem:$0x3FB0] =	sst s0;
	s0 =	simm.s32 @!p1 $0x0  }
0x14: {  	s2 =	sld [smem:$0x3F94];
	s0 =	simm.s32 @p1 $0x1  }
0x15: {  	[smem:$0x3FB1] =	sst s0;
	s0 =	simm.s32 @!p2 $0x0  }
0x16: {  	s3 =	sld [smem:$0x3FDB];
	s0 =	simm.s32 @p2 $0x1  }
0x17: {  	s4 =	simm.s32 $0x1BF5;
	[smem:$0x3FB3] =	sst s0  }
0x18: {  	s0 =	sld [smem:$0x3F96];
	_ =	swait.ge [sflag:s4], $0x0  }
0x19: {  	s7 =	sld [smem:$0x3F97]  }
0x1a: {  	s8 =	sadd.s32 $0xFFFFE003, lr  }
0x1b: {  	s9 =	sadd.s32 $0xFFFFFEF7, lr;
	s5 =	simm.s32 $0xFFFFFFFF;
	p2 =	slt.u32 s8, $0xFFFFF086  }
0x1c: {  	p1 =	slt.u32 s9, $0xF7A;
	s5 =	simm.s32 @!p2 $0x0  }
0x1d: {  	s5 =	simm.s32 @p1 $0x1;
	p0 =	seq.s32 s7, s2  }
0x1e: {  	s7 =	smul.u32 @!p0 $0xF7A, s2;
	p2 =	seq.s32 @!p0 s5, $0x0  }
0x1f: {  	s9 =	smul.u32 $0xF7A, s1;
	s8 =	simm.s32 @!p0 $0x1BF5;
	p2 =	por !p2, p0  }
0x20: {  	[sflag:s8] =	ssyncset.s32 @!p0 $0xFFFFF086;
	s6 =	sadd.s32 @!p0 s3, s7;
	s7 =	simm.s32 @!p0 $0x108  }
0x21: {  	s3 =	sadd.s32 s3, s9;
	s6 =	sadd.s32 @!p0 $0x88, s6;
	s7 =	simm.s32 @p2 $0x1082  }
0x22: {  	[simem:s7], [sflag:s8] =	dma.local @!p0 [hbm:s6], $0xF7A  }
0x23: {  	s9 =	sor.u32 $0xD0000000, s2;
	s6 =	simm.s32 $0x108;
	_ =	swait.ge @!p0 [sflag:s8], $0x0  }
0x24: {  	s3 =	sadd.s32 $0x88, s3;
	s6 =	simm.s32 @!p1 $0x1082;
	[sflag:s4] =	ssyncset.s32 $0xFFFFF086  }
0x25: {  	[simem:s6], [sflag:s4] =	dma.local [hbm:s3], $0xF7A  }
0x26: {  	[smem:$0x3F97] =	sst s1;
	(tag) =	ssettag s2;
	_ =	strace s9  }
0x27: {  	s1 =	sld [smem:$0x3FA7]  }
0x28: {  	s2 =	sld [smem:$0x3FA8]  }
0x29: {  	s4 =	sld [smem:$0x3FAA]  }
0x2a: {  	p0 =	seq.s32 s5, $0x0;
	s5 =	sld [smem:$0x3FAB]  }
0x2b: {  	s6 =	sld [smem:$0x3FAC]  }
0x2c: {  	s7 =	sld [smem:$0x3FAD]  }
0x2d: {  	s3 =	simm.s32 $0x108;
	s8 =	sld [smem:$0x3FAE]  }
0x2e: {  	s3 =	simm.s32 @!p0 $0x1082;
	s9 =	sld [smem:$0x3FAF]  }
0x2f: {  	lr =	sadd.s32 s0, s3;
	s0 =	sld [smem:$0x3FA6]  }
0x30: {  	s3 =	sld [smem:$0x3FA9]  }
0x31: {  	[smem:$0x3FB2] =	sst s10  }
0x32: {  	s10 =	sld [smem:$0x3FB0];
	_ =	sdelay $0x3  }
0x33: {  	p0 =	seq.s32 s10, $0x1;
	s10 =	sld [smem:$0x3FB2];
	_ =	sdelay $0x3  }
0x34: {  	[smem:$0x3FB2] =	sst s10  }
0x35: {  	s10 =	sld [smem:$0x3FB1];
	_ =	sdelay $0x3  }
0x36: {  	p1 =	seq.s32 s10, $0x1;
	s10 =	sld [smem:$0x3FB2];
	_ =	sdelay $0x3  }
0x37: {  	[smem:$0x3FB2] =	sst s10  }
0x38: {  	s10 =	sld [smem:$0x3FB3]  }
0x39: {  	_ = 	snop;
	(pc) =	sbr.ind lr, $3  }
0x3a: {  	_ = 	snop  }
0x3b: {  	_ = 	snop  }
0x3c: {  	p2 =	seq.s32 s10, $0x1;
	s10 =	sld [smem:$0x3FB2]  }
0x3d: {  	_ =	shalt  }
0x3e: {  	_ =	shalt  }
0x3f: {  	_ =	shalt  }
0x40: {  	_ =	shalt  }
0x41: {  	_ =	shalt  }
0x42: {  	_ =	shalt  }
0x43: {  	_ =	shalt  }
0x44: {  	_ =	shalt  }
0x45: {  	_ =	shalt  }
0x46: {  	_ =	shalt  }
0x47: {  	_ =	shalt  }
0x48: {  	_ =	shalt  }
0x49: {  	_ =	shalt  }
0x4a: {  	_ =	shalt  }
0x4b: {  	_ =	shalt  }
0x4c: {  	_ =	shalt  }
0x4d: {  	_ =	shalt  }
0x4e: {  	_ =	shalt  }
0x4f: {  	_ =	shalt  }
0x50: {  	_ =	shalt  }
0x51: {  	_ =	shalt  }
0x52: {  	_ =	shalt  }
0x53: {  	_ =	shalt  }
0x54: {  	_ =	shalt  }
0x55: {  	_ =	shalt  }
0x56: {  	_ =	shalt  }
0x57: {  	_ =	shalt  }
0x58: {  	_ =	shalt  }
0x59: {  	_ =	shalt  }
0x5a: {  	_ =	shalt  }
0x5b: {  	_ =	shalt  }
0x5c: {  	_ =	shalt  }
0x5d: {  	_ =	shalt  }
0x5e: {  	_ =	shalt  }
0x5f: {  	_ =	shalt  }
0x60: {  	_ =	shalt  }
0x61: {  	_ =	shalt  }
0x62: {  	_ =	shalt  }
0x63: {  	_ =	shalt  }
0x64: {  	_ =	shalt  }
0x65: {  	_ =	shalt  }
0x66: {  	_ =	shalt  }
0x67: {  	_ =	shalt  }
0x68: {  	_ =	shalt  }
0x69: {  	_ =	shalt  }
0x6a: {  	_ =	shalt  }
0x6b: {  	_ =	shalt  }
0x6c: {  	_ =	shalt  }
0x6d: {  	_ =	shalt  }
0x6e: {  	_ =	shalt  }
0x6f: {  	_ =	shalt  }
0x70: {  	_ =	shalt  }
0x71: {  	_ =	shalt  }
0x72: {  	_ =	shalt  }
0x73: {  	_ =	shalt  }
0x74: {  	_ =	shalt  }
0x75: {  	_ =	shalt  }
0x76: {  	_ =	shalt  }
0x77: {  	_ =	shalt  }
0x78: {  	_ =	shalt  }
0x79: {  	_ =	shalt  }
0x7a: {  	_ =	shalt  }
0x7b: {  	_ =	shalt  }
0x7c: {  	_ =	shalt  }
0x7d: {  	_ =	shalt  }
0x7e: {  	_ =	shalt  }
0x7f: {  	_ =	shalt  }
0x80: {  	_ =	shalt  }
0x81: {  	_ =	shalt  }
0x82: {  	_ =	shalt  }
0x83: {  	_ =	shalt  }
0x84: {  	_ =	shalt  }
0x85: {  	_ =	shalt  }
0x86: {  	_ =	shalt  }
0x87: {  	_ =	shalt  }
.Lfunc_end0:
.L_simem_size_0:
called_computation.1_lowered:
.L_overlay_start_0:
0x88: {  	s2 =	sld [smem:$0x3FD9]  }
0x89: {  	s3 =	sld [smem:$0x3FFE];
	_ =	sdelay $0x1  }
0x8a: {  	s1 =	srdreg.scid  }
0x8b: {  	s0 =	sand.u32 $0x1, s1  }
0x8c: {  	s17 =	sshll.u32 s0, $0xA;
	s2 =	sadd.s32 s3, s2  }
0x8d: {  	s2 =	sadd.s32 s2, s17  }
0x8e: {  	[smem:$0x3FBE] =	sst s2  }
0x8f: {  	_ = 	snop  }
0x90: {  	s2 =	sld [smem:$0x3FD0];
	(tm) =	ssettm $0x1  }
0x91: {  	s18 =	sld [smem:$0x3FFB];
	_ =	sdelay $0x3  }
0x92: {  	_ =	strace s18  }
0x93: {  	s3 =	sld [smem:$0x3FFC];
	_ =	sdelay $0x3  }
0x94: {  	_ =	strace s3  }
0x95: {  	s3 =	sld [smem:$0x3FFD];
	_ =	sdelay $0x3  }
0x96: {  	_ =	strace s3  }
0x97: {  	_ =	strace $0x8FFFFFFF  }
0x98: {  	s19 =	sld [smem:$0x3FDB];
	_ =	sdelay $0x1  }
0x99: {  	s4 =	simm.s32 $_scs_section_size  }
0x9a: {  	s5 =	simm.s32 $_size__tile_overlayer_lowered;
	s6 =	simm.s32 $_tile_overlayer_lowered  }
0x9b: {  	s22 =	simm.s32 $0x1BFF;
	s21 =	sshll.u32 s6, $0x1;
	s3 =	sadd.s32 s4, s19  }
0x9c: {  	s7 =	simm.s32 $0x0;
	s20 =	sshll.u32 s5, $0x1;
	s5 =	sadd.s32 s21, s3  }
0x9d: {  	[timem:s7], [sflag:s22] =	dma.local [hbm:s5], s20  }
0x9e: {  	_ =	swait.ge [sflag:s22], s20  }
0x9f: {  	s4 =	ssub.s32 $0x0, s20;
	[sflag:s22] =	ssyncset.done $0x0  }
0xa0: {  	[sflag:s22] =	ssyncadd.s32 s4;
	_ =	sdelay $0x1  }
0xa1: {  	s23 =	simm.s32 $0x1B8B  }
0xa2: {  	_ =	swait.ge [sflag:s23], $0x1  }
0xa3: {  	[sflag:s23] =	ssyncset.done $0x0  }
0xa4: {  	s25 =	simm.s32 $0x1B8E;
	s24 =	sld [smem:$0x3FFE];
	[sflag:s23] =	ssyncadd.s32 $0xFFFFFFFF  }
0xa5: {  	s26 =	simm.s32 $execute0_lowered;
	[smem:$0x3FD2] =	sst s25  }
0xa6: {  	s5 =	sshll.u32 s26, $0x1;
	_ =	strace $0x80000049;
	[dreg:$0x1] =	wrdreg $0xFFFFFFFF  }
0xa7: {  	s28 =	simm.s32 $_size_execute0_lowered;
	s3 =	sadd.s32 s3, s5;
	[dreg:$0x0] =	wrdreg $0x0  }
0xa8: {  	s5 =	sshll.u32 s28, $0x1;
	[dreg:$0x2] =	wrdreg s3  }
0xa9: {  	[dreg:$0x3] =	wrdreg s5  }
0xaa: {  	[dreg:$0x4] =	wrdreg $0xC0  }
0xab: {  	_ =	task [dreg:s7], $0x5FFFF  }
0xac: {  	[dreg:$0x1] =	wrdreg $0xFFFFFFFF  }
0xad: {  	[dreg:$0x0] =	wrdreg $0x60  }
0xae: {  	[dreg:$0x2] =	wrdreg s24  }
0xaf: {  	[dreg:$0x3] =	wrdreg s2  }
0xb0: {  	[dreg:$0x4] =	wrdreg $0x0  }
0xb1: {  	[dreg:$0x5] =	wrdreg $0x9  }
0xb2: {  	_ =	task.clear_ibuf [dreg:s7], $0x6FFFF;
	_ =	strace $0x90000049  }
0xb3: {  	s29 =	simm.s32 $0x9;
	_ =	strace $0x8000004B  }
0xb4: {  	_ =	swait.ge [sflag:s29], $0x1  }
0xb5: {  	[sflag:s29] =	ssyncadd.s32 $0xFFFFFFFF  }
0xb6: {  	_ =	strace $0x9000004B  }
0xb7: {  	_ =	sfence  }
0xb8: {  	s30 =	sld [smem:$0x0];
	_ =	sdelay $0x2  }
0xb9: {  	s31 =	sshll.u32 s1, $0xD;
	s1 =	sshrl.u32 s1, $0x2  }
0xba: {  	s3 =	sand.u32 $0x4000, s31;
	s1 =	sadd.s32 s1, s30  }
0xbb: {  	s0 =	sor.u32 s3, s0;
	s1 =	sshll.u32 s1, $0x11  }
0xbc: {  	s0 =	sor.u32 s1, s0  }
0xbd: {  	s0 =	sadd.s32 $0x8F2B, s0  }
0xbe: {  	[sflag:s0] =	ssyncadd.remote.s32 $0x1  }
0xbf: {  	_ =	sfence.sel $0xFFFF  }
0xc0: {  	[dreg:$0x0] =	wrdreg $0xFFFFFFFF;
	(pc) =	sbr.abs _section_cstart, $3  }
0xc1: {  	[dreg:$0x1] =	wrdreg $0xFFFFFFFF  }
0xc2: {  	_ =	task.clear_ibuf [dreg:s7], $0x2FFFF;
	_ =	strace $0x9FFFFFFF  }
0xc3: {  	(tm) =	ssettm $0x7FFFFFFF  }
tec
execute0_lowered:
.L_overlay_start_1:
0x0: {  	(tag) =	ssettag $0x1  }
0x1: {  	s0 =	rddreg [dreg:$0x0]  }
0x2: {  	s2 =	rddreg [dreg:$0x1]  }
0x3: {  	s3 =	rddreg [dreg:$0x2]  }
0x4: {  	s1 =	simm.s32 $0x0;
	s15 =	stileid.u32;
	s4 =	srdreg.scid  }
0x5: {  	s28 =	simm.s32 $0x18A80;
	s29 =	simm.s32 $0x1B280;
	s30 =	simm.s32 $0x1  }
0x6: {  	s31 =	simm.s32 $0x2;
	[smem:$0x7FF] =	sst s1;
	s17 =	smul.u32 $0x13800, s15  }
0x7: {  	s5 =	sadd.s32 $0x1800, s0;
	s4 =	sand.u32 $0x1, s4;
	s6 =	sadd.s32 $0xB600, s0  }
0x8: {  	s11 =	smul.u32 $0x4E000, s15;
	s14 =	sadd.s32 $0x59A00, s0;
	s20 =	sshll.u32 s15, $0x6  }
0x9: {  	p0 =	sne.s32 s15, $0xF;
	_ =	strace $0x8000004A;
	s8 =	ssub.s32 $0x2, s4  }
0xa: {  	s10 =	sshll.u32 s4, $0x4;
	s4 =	smul.u32 $0x138800, s4;
	s7 =	sshrl.u32 s17, $0x3  }
0xb: {  	s9 =	sshrl.u32 s8, $0x1;
	s18 =	sor.u32 s15, s10;
	s19 =	sshrl.u32 s11, $0x2  }
0xc: {  	s7 =	sadd.s32 s7, s0;
	s9 =	ssub.s32 s8, s9;
	s13 =	smul.u32 $0x2710, s18  }
0xd: {  	s10 =	sadd.s32 s19, s3;
	s8 =	sor.u32 $0x1C05, s20;
	s0 =	sadd.s32 $0x59800, s0  }
0xe: {  	s24 =	sadd.s32 s17, s4;
	s25 =	sshrl.u32 s4, $0x3;
	s18 =	simm.s32 $0x5  }
0xf: {  	s20 =	simm.s32 $0x13880;
	s4 =	simm.s32 $0x0;
	s7 =	sadd.s32 $0x32800, s7  }
0x10: {  	[dreg:$0x5] =	wrdreg s0;
	s0 =	sshrl.u32 s24, $0x3;
	s1 =	sadd.s32 s14, s25  }
0x11: {  	s16 =	smax.u32 s9, $0x1;
	s17 =	sshrl.u32 s10, $0x3;
	s24 =	simm.s32 $0x16180  }
0x12: {  	s25 =	simm.s32 $0x18980;
	[dreg:$0x4] =	wrdreg s7;
	s7 =	sadd.s32 $0x138000, s3  }
0x13: {  	s21 =	sshrl.u32 s13, $0x3;
	s12 =	sadd.s32 $0x50, s13;
	s13 =	sadd.s32 $0xA0, s13  }
0x14: {  	s0 =	sadd.s32 s14, s0;
	s26 =	sadd.s32 $0x27000, s1;
	s1 =	simm.s32 $0x4  }
0x15: {  	s22 =	sadd.s32 s5, s21;
	s23 =	sadd.s32 s2, s21;
	[dreg:$0x8] =	wrdreg s0  }
0x16: {  	[dreg:$0x9] =	wrdreg s26;
	s19 =	sshrl.u32 @!p0 s7, $0x3;
	s21 =	simm.s32 $0x13900  }
0x17: {  	s26 =	simm.s32 $0x18A00;
	s0 =	simm.s32 $0x3;
	[dreg:$0x6] =	wrdreg s22  }
0x18: {  	vm0 =	vmmov $0xff;
	[dreg:$0x7] =	wrdreg s23;
	s22 =	simm.s32 $0x50;
	s23 =	simm.s32 $0x13980  }
.LBB2_1:
0x19: {  	s7 =	rddreg [dreg:$0x4]  }
0x1a: {  	[spmem:s17], [sflag:s8] =	dma.local [hbm:s7], $0x2700  }
0x1b: {  	_ =	swait.ge [sflag:s18], $0x2700  }
0x1c: {  	[sflag:s18] =	ssyncset.done $0x0  }
0x1d: {  	s7 =	rddreg [dreg:$0x5];
	[sflag:s18] =	ssyncadd.s32 $0xFFFFD900  }
0x1e: {  	[spmem:s19], [sflag:s8] =	dma.local @!p0 [hbm:s7], $0x100  }
0x1f: {  	s7 =	simm.s32 @!p0 $0x5  }
0x20: {  	_ =	swait.ge @!p0 [sflag:s7], $0x100  }
0x21: {  	[sflag:s7] =	ssyncset.done @!p0 $0x0  }
0x22: {  	[sflag:s7] =	ssyncadd.s32 @!p0 $0xFFFFFF00  }
0x23: {  	[bflag:$0x0] =	sbarrier.arrive $0xFFFF  }
0x24: {  	s14 =	simm.s32 $0x0;
	s9 =	rddreg [dreg:$0x6]  }
0x25: {  	[tilespmem:s20], [sflag:$0x5] =	stream.linear.gather [hbm4b:s9+s14], $0x50, $0x38;
	[tilespmem:$0x1DA80] =	vst v63  }
0x26: {  	_ =	swait.ge [sflag:s18], $0x50  }
0x27: {  	[sflag:s18] =	ssyncset.done $0x0  }
0x28: {  	s15 =	rddreg [dreg:$0x7];
	[sflag:s18] =	ssyncadd.s32 $0xFFFFFFB0  }
0x29: {  	[tilespmem:s21], [sflag:$0x5] =	stream.linear.gather [hbm4b:s15+s14], $0x50, $0x38;
	[tilespmem:$0x1DA80] =	vst v63  }
0x2a: {  	_ =	swait.ge [sflag:s18], $0x50  }
0x2b: {  	[sflag:s18] =	ssyncset.done $0x0  }
0x2c: {  	[sflag:s18] =	ssyncadd.s32 $0xFFFFFFB0  }
0x2d: {  	[tilespmem:s23], [sflag:$0x1] =	stream.indirect.gather [hbm4b:s6+s22], $0x80, s20, s22, $0xb8;
	[tilespmem:$0x1DA80] =	vst v63  }
0x2e: {  	s7 =	simm.s32 $0x0  }
0x2f: {  	[tilespmem:s24], [sflag:$0x2] =	stream.indirect.gather [hbm4b:s6+s22], $0x80, s21, s22, $0xb8;
	[tilespmem:$0x1DA80] =	vst v63  }
.LBB2_2:
0x30: {  	s9 =	smul.u32 $0xA0, s7;
	_ =	sdelay $0x1  }
0x31: {  	s10 =	sadd.s32 s9, s12  }
0x32: {  	s10 =	sshrl.u32 s10, $0x3  }
0x33: {  	s14 =	simm.s32 $0x0;
	s11 =	sadd.s32 s5, s10  }
0x34: {  	[tilespmem:s25], [sflag:$0x5] =	stream.linear.gather [hbm4b:s11+s14], $0x50, $0x38;
	[tilespmem:$0x1DA80] =	vst v63  }
0x35: {  	_ =	swait.ge [sflag:s18], $0x50  }
0x36: {  	[sflag:s18] =	ssyncset.done $0x0  }
0x37: {  	s10 =	sadd.s32 s2, s10;
	[sflag:s18] =	ssyncadd.s32 $0xFFFFFFB0  }
0x38: {  	[tilespmem:s26], [sflag:$0x5] =	stream.linear.gather [hbm4b:s10+s14], $0x50, $0x38;
	[tilespmem:$0x1DA80] =	vst v63  }
0x39: {  	_ =	swait.ge [sflag:s18], $0x50  }
0x3a: {  	[sflag:s18] =	ssyncset.done $0x0  }
0x3b: {  	[sflag:s18] =	ssyncadd.s32 $0xFFFFFFB0  }
0x3c: {  	[tilespmem:s28], [sflag:$0x3] =	stream.indirect.gather [hbm4b:s6+s22], $0x80, s25, s22, $0xb8;
	[tilespmem:$0x1DA80] =	vst v63  }
0x3d: {  	_ = 	snop  }
0x3e: {  	[tilespmem:s29], [sflag:$0x4] =	stream.indirect.gather [hbm4b:s6+s22], $0x80, s26, s22, $0xb8;
	[tilespmem:$0x1DA80] =	vst v63  }
0x3f: {  	_ =	swait.ge [sflag:s30], $0x2800  }
0x40: {  	[sflag:s30] =	ssyncset.done $0x0  }
0x41: {  	[sflag:s30] =	ssyncadd.s32 $0xFFFFD800  }
0x42: {  	_ =	swait.ge [sflag:s31], $0x2800  }
0x43: {  	[sflag:s31] =	ssyncset.done $0x0  }
0x44: {  	s10 =	simm.s32 $0x0;
	[sflag:s31] =	ssyncadd.s32 $0xFFFFD800  }
0x45: {  	v0 =	vld [tilespmem:s10+$0x161D0]  }
0x46: {  	v1 =	vld [tilespmem:s10+$0x139C0];
	_ =	sdelay $0x4  }
0x47: {  	v0 =	vadd.f32 v0, v1;
	_ =	sdelay $0x1  }
0x48: {  	v1 =	vmul.f32 $2.000000030e-01, v0  }
0x49: {  	vm1 =	vge.f32 v0, $0.0e+00  }
0x4a: {  	v0 =	vsel vm1, v0, v1  }
0x4b: {  	v0 =	vmul.f32 $1.442695020e+00, v0;
	_ =	sdelay $0x1  }
0x4c: {  	(erf) = vpow2.f32 v0;
	_ =	sdelay $0x6  }
0x4d: {  	s11 =	simm.s32 $0x80;
	v2 =	vld [tilespmem:s10+$0x13980]  }
0x4e: {  	v4 =	vld [tilespmem:s11+$0x161D0]  }
0x4f: {  	v1 =	vld [tilespmem:s10+$0x139B0];
	v11 =	vpop (erf)  }
0x50: {  	v0 =	vld [tilespmem:s10+$0x139A0];
	v6 =	vbroadcast v11, $0x0;
	v3 =	vbroadcast v11, $0x7;
	[tilespmem:s10+$0x139C0] =	vst v11  }
0x51: {  	v8 =	vbroadcast v11, $0x2;
	v7 =	vbroadcast v11, $0x5;
	v9 =	vld [tilespmem:s11+$0x139C0]  }
0x52: {  	v5 =	vld [tilespmem:s10+$0x13990];
	v13 =	vbroadcast v11, $0x1;
	v10 =	vbroadcast v11, $0x3  }
0x53: {  	s14 =	simm.s32 $0x400;
	v12 =	vbroadcast v11, $0x4;
	v11 =	vbroadcast v11, $0x6  }
.LBB2_3:
0x54: {  	p1 =	sne.s32 s14, $0x9E00;
	v6 =	vsel vm0, v6, v13;
	v8 =	vsel vm0, v8, v10;
	s15 =	smov.u32 s14;
	s14 =	sadd.s32 $0x200, s14  }
0x55: {  	v2 =	vmul.f32 v6, v2;
	v6 =	vsel vm0, v12, v7;
	v3 =	vsel vm0, v11, v3  }
0x56: {  	v4 =	vadd.f32 v4, v9;
	v0 =	vmul.f32 v6, v0;
	v1 =	vmul.f32 v3, v1  }
0x57: {  	[tilespmem:s10+$0x13980] =	vst v2;
	v2 =	vmul.f32 v8, v5  }
0x58: {  	vm1 =	vge.f32 v4, $0.0e+00;
	v3 =	vmul.f32 $2.000000030e-01, v4;
	[tilespmem:s10+$0x139A0] =	vst v0  }
0x59: {  	[tilespmem:s10+$0x13990] =	vst v2  }
0x5a: {  	v0 =	vsel vm1, v4, v3;
	[tilespmem:s10+$0x139B0] =	vst v1;
	s10 =	smov.u32 s11  }
0x5b: {  	v0 =	vmul.f32 $1.442695020e+00, v0;
	_ =	sdelay $0x1  }
0x5c: {  	(erf) = vpow2.f32 v0;
	_ =	sdelay $0x6  }
0x5d: {  	v0 =	vld [tilespmem:s10+$0x139A0]  }
0x5e: {  	v2 =	vld [tilespmem:s10+$0x13980]  }
.Ltmp0:
0x5f: {  	s11 =	sshra.s32 s15, $0x2;
	v1 =	vld [tilespmem:s10+$0x139B0];
	v11 =	vpop (erf);
	(pc) =	sbr.rel @p1 .LBB2_3-.Ltmp0, $4  }
0x60: {  	v4 =	vld [tilespmem:s11+$0x161D0];
	v6 =	vbroadcast v11, $0x0;
	v3 =	vbroadcast v11, $0x7;
	[tilespmem:s10+$0x139C0] =	vst v11  }
0x61: {  	v8 =	vbroadcast v11, $0x2;
	v7 =	vbroadcast v11, $0x5;
	v9 =	vld [tilespmem:s11+$0x139C0]  }
0x62: {  	v13 =	vbroadcast v11, $0x1;
	v10 =	vbroadcast v11, $0x3;
	v5 =	vld [tilespmem:s10+$0x13990]  }
0x63: {  	v12 =	vbroadcast v11, $0x4;
	v11 =	vbroadcast v11, $0x6  }
0x64: {  	_ =	sdelay $0x1  }
0x65: {  	v4 =	vadd.f32 v4, v9;
	_ =	sdelay $0x1  }
0x66: {  	v9 =	vmul.f32 $2.000000030e-01, v4  }
0x67: {  	vm1 =	vge.f32 v4, $0.0e+00  }
0x68: {  	v4 =	vsel vm1, v4, v9  }
0x69: {  	v4 =	vmul.f32 $1.442695020e+00, v4;
	_ =	sdelay $0x1  }
0x6a: {  	(erf) = vpow2.f32 v4;
	_ =	sdelay $0x2  }
0x6b: {  	v6 =	vsel vm0, v6, v13  }
0x6c: {  	v2 =	vmul.f32 v6, v2;
	v3 =	vsel vm0, v11, v3  }
0x6d: {  	v6 =	vsel vm0, v8, v10;
	v1 =	vmul.f32 v3, v1  }
0x6e: {  	[tilespmem:s10+$0x13980] =	vst v2;
	v2 =	vmul.f32 v6, v5;
	v4 =	vsel vm0, v12, v7  }
0x6f: {  	[tilespmem:s10+$0x139B0] =	vst v1;
	v0 =	vmul.f32 v4, v0  }
0x70: {  	[tilespmem:s10+$0x13990] =	vst v2  }
0x71: {  	[tilespmem:s10+$0x139A0] =	vst v0;
	v3 =	vpop (erf)  }
0x72: {  	v1 =	vld [tilespmem:s11+$0x13980];
	v4 =	vbroadcast v3, $0x0;
	v5 =	vbroadcast v3, $0x7  }
0x73: {  	v2 =	vld [tilespmem:s11+$0x139B0];
	v6 =	vbroadcast v3, $0x1;
	v8 =	vbroadcast v3, $0x5  }
0x74: {  	v0 =	vld [tilespmem:s11+$0x139A0];
	v9 =	vbroadcast v3, $0x4;
	v10 =	vbroadcast v3, $0x2  }
0x75: {  	v7 =	vld [tilespmem:s11+$0x13990];
	[tilespmem:s11+$0x139C0] =	vst v3;
	v11 =	vbroadcast v3, $0x3;
	v3 =	vbroadcast v3, $0x6  }
0x76: {  	v4 =	vsel vm0, v4, v6  }
0x77: {  	v3 =	vsel vm0, v3, v5;
	v1 =	vmul.f32 v4, v1  }
0x78: {  	v4 =	vsel vm0, v9, v8;
	v2 =	vmul.f32 v3, v2  }
0x79: {  	v6 =	vsel vm0, v10, v11;
	v0 =	vmul.f32 v4, v0;
	[tilespmem:s11+$0x13980] =	vst v1  }
0x7a: {  	v1 =	vmul.f32 v6, v7;
	[tilespmem:s11+$0x139B0] =	vst v2  }
0x7b: {  	[tilespmem:s11+$0x139A0] =	vst v0  }
0x7c: {  	[tilespmem:s11+$0x13990] =	vst v1  }
0x7d: {  	[spmem:s3] =	stream.indirect.scatter.add.f32 [tilespmem:s23], [sflag:$0x5], $0x80, s21, s22, $0xb8;
	[tilespmem:$0x1DA80] =	vst v63  }
0x7e: {  	s9 =	sadd.s32 s9, s13;
	_ =	swait.ge [sflag:s18], $0x2800  }
0x7f: {  	s9 =	sshrl.u32 s9, $0x3;
	[sflag:s18] =	ssyncset.done $0x0  }
0x80: {  	s15 =	simm.s32 $0x0;
	s14 =	sadd.s32 s5, s9;
	[sflag:s18] =	ssyncadd.s32 $0xFFFFD800  }
0x81: {  	[tilespmem:s20], [sflag:$0x5] =	stream.linear.gather [hbm4b:s14+s15], $0x50, $0x38;
	[tilespmem:$0x1DA80] =	vst v63  }
0x82: {  	_ =	swait.ge [sflag:s18], $0x50  }
0x83: {  	[sflag:s18] =	ssyncset.done $0x0  }
0x84: {  	s9 =	sadd.s32 s2, s9;
	[sflag:s18] =	ssyncadd.s32 $0xFFFFFFB0  }
0x85: {  	[tilespmem:s21], [sflag:$0x5] =	stream.linear.gather [hbm4b:s9+s15], $0x50, $0x38;
	[tilespmem:$0x1DA80] =	vst v63  }
0x86: {  	_ =	swait.ge [sflag:s18], $0x50  }
0x87: {  	[sflag:s18] =	ssyncset.done $0x0  }
0x88: {  	[sflag:s18] =	ssyncadd.s32 $0xFFFFFFB0  }
0x89: {  	[tilespmem:s23], [sflag:$0x1] =	stream.indirect.gather [hbm4b:s6+s22], $0x80, s20, s22, $0xb8;
	[tilespmem:$0x1DA80] =	vst v63  }
0x8a: {  	_ = 	snop  }
0x8b: {  	[tilespmem:s24], [sflag:$0x2] =	stream.indirect.gather [hbm4b:s6+s22], $0x80, s21, s22, $0xb8;
	[tilespmem:$0x1DA80] =	vst v63  }
0x8c: {  	_ =	swait.ge [sflag:s0], $0x2800  }
0x8d: {  	[sflag:s0] =	ssyncset.done $0x0  }
0x8e: {  	[sflag:s0] =	ssyncadd.s32 $0xFFFFD800  }
0x8f: {  	_ =	swait.ge [sflag:s1], $0x2800  }
0x90: {  	[sflag:s1] =	ssyncset.done $0x0  }
0x91: {  	s9 =	simm.s32 $0x0;
	[sflag:s1] =	ssyncadd.s32 $0xFFFFD800  }
0x92: {  	v0 =	vld [tilespmem:s9+$0x1B2D0]  }
0x93: {  	v1 =	vld [tilespmem:s9+$0x18AC0];
	_ =	sdelay $0x4  }
0x94: {  	v0 =	vadd.f32 v0, v1;
	_ =	sdelay $0x1  }
0x95: {  	v1 =	vmul.f32 $2.000000030e-01, v0  }
0x96: {  	vm1 =	vge.f32 v0, $0.0e+00  }
0x97: {  	v0 =	vsel vm1, v0, v1  }
0x98: {  	v0 =	vmul.f32 $1.442695020e+00, v0;
	_ =	sdelay $0x1  }
0x99: {  	(erf) = vpow2.f32 v0;
	_ =	sdelay $0x6  }
0x9a: {  	s10 =	simm.s32 $0x80;
	v2 =	vld [tilespmem:s9+$0x18A80]  }
0x9b: {  	v4 =	vld [tilespmem:s10+$0x1B2D0]  }
0x9c: {  	v1 =	vld [tilespmem:s9+$0x18AB0];
	v11 =	vpop (erf)  }
0x9d: {  	v0 =	vld [tilespmem:s9+$0x18AA0];
	v6 =	vbroadcast v11, $0x0;
	v3 =	vbroadcast v11, $0x7;
	[tilespmem:s9+$0x18AC0] =	vst v11  }
0x9e: {  	v8 =	vbroadcast v11, $0x2;
	v7 =	vbroadcast v11, $0x5;
	v9 =	vld [tilespmem:s10+$0x18AC0]  }
0x9f: {  	v5 =	vld [tilespmem:s9+$0x18A90];
	v13 =	vbroadcast v11, $0x1;
	v10 =	vbroadcast v11, $0x3  }
0xa0: {  	s11 =	simm.s32 $0x400;
	v12 =	vbroadcast v11, $0x4;
	v11 =	vbroadcast v11, $0x6  }
.LBB2_5:
0xa1: {  	p1 =	sne.s32 s11, $0x9E00;
	v6 =	vsel vm0, v6, v13;
	v8 =	vsel vm0, v8, v10;
	s14 =	smov.u32 s11;
	s11 =	sadd.s32 $0x200, s11  }
0xa2: {  	v2 =	vmul.f32 v6, v2;
	v6 =	vsel vm0, v12, v7;
	v3 =	vsel vm0, v11, v3  }
0xa3: {  	v4 =	vadd.f32 v4, v9;
	v0 =	vmul.f32 v6, v0;
	v1 =	vmul.f32 v3, v1  }
0xa4: {  	[tilespmem:s9+$0x18A80] =	vst v2;
	v2 =	vmul.f32 v8, v5  }
0xa5: {  	vm1 =	vge.f32 v4, $0.0e+00;
	v3 =	vmul.f32 $2.000000030e-01, v4;
	[tilespmem:s9+$0x18AA0] =	vst v0  }
0xa6: {  	[tilespmem:s9+$0x18A90] =	vst v2  }
0xa7: {  	v0 =	vsel vm1, v4, v3;
	[tilespmem:s9+$0x18AB0] =	vst v1;
	s9 =	smov.u32 s10  }
0xa8: {  	v0 =	vmul.f32 $1.442695020e+00, v0;
	_ =	sdelay $0x1  }
0xa9: {  	(erf) = vpow2.f32 v0;
	_ =	sdelay $0x6  }
0xaa: {  	v0 =	vld [tilespmem:s9+$0x18AA0]  }
0xab: {  	v2 =	vld [tilespmem:s9+$0x18A80]  }
.Ltmp1:
0xac: {  	s10 =	sshra.s32 s14, $0x2;
	v1 =	vld [tilespmem:s9+$0x18AB0];
	v11 =	vpop (erf);
	(pc) =	sbr.rel @p1 .LBB2_5-.Ltmp1, $4  }
0xad: {  	v4 =	vld [tilespmem:s10+$0x1B2D0];
	v6 =	vbroadcast v11, $0x0;
	v3 =	vbroadcast v11, $0x7;
	[tilespmem:s9+$0x18AC0] =	vst v11  }
0xae: {  	v8 =	vbroadcast v11, $0x2;
	v7 =	vbroadcast v11, $0x5;
	v9 =	vld [tilespmem:s10+$0x18AC0]  }
0xaf: {  	v13 =	vbroadcast v11, $0x1;
	v10 =	vbroadcast v11, $0x3;
	v5 =	vld [tilespmem:s9+$0x18A90]  }
0xb0: {  	v12 =	vbroadcast v11, $0x4;
	v11 =	vbroadcast v11, $0x6  }
0xb1: {  	_ =	sdelay $0x1  }
0xb2: {  	v4 =	vadd.f32 v4, v9;
	_ =	sdelay $0x1  }
0xb3: {  	v9 =	vmul.f32 $2.000000030e-01, v4  }
0xb4: {  	vm1 =	vge.f32 v4, $0.0e+00  }
0xb5: {  	v4 =	vsel vm1, v4, v9  }
0xb6: {  	v4 =	vmul.f32 $1.442695020e+00, v4;
	_ =	sdelay $0x1  }
0xb7: {  	(erf) = vpow2.f32 v4;
	_ =	sdelay $0x1  }
0xb8: {  	v6 =	vsel vm0, v6, v13  }
0xb9: {  	v2 =	vmul.f32 v6, v2;
	v49 =	vsel vm0, v12, v7  }
0xba: {  	v3 =	vsel vm0, v11, v3;
	v0 =	vmul.f32 v49, v0  }
0xbb: {  	v50 =	vsel vm0, v8, v10;
	v1 =	vmul.f32 v3, v1;
	[tilespmem:s9+$0x18A80] =	vst v2  }
0xbc: {  	v51 =	vmul.f32 v50, v5;
	[tilespmem:s9+$0x18AA0] =	vst v0  }
0xbd: {  	[tilespmem:s9+$0x18AB0] =	vst v1  }
0xbe: {  	[tilespmem:s9+$0x18A90] =	vst v51  }
0xbf: {  	v1 =	vld [tilespmem:s10+$0x18A80];
	v52 =	vpop (erf)  }
0xc0: {  	v0 =	vld [tilespmem:s10+$0x18AA0];
	v53 =	vbroadcast v52, $0x0  }
0xc1: {  	v56 =	vld [tilespmem:s10+$0x18A90];
	v54 =	vbroadcast v52, $0x7;
	v55 =	vbroadcast v52, $0x1  }
0xc2: {  	v2 =	vld [tilespmem:s10+$0x18AB0];
	v57 =	vbroadcast v52, $0x5;
	v58 =	vbroadcast v52, $0x4  }
0xc3: {  	v59 =	vbroadcast v52, $0x2;
	v60 =	vbroadcast v52, $0x3;
	v4 =	vsel vm0, v53, v55  }
0xc4: {  	v3 =	vbroadcast v52, $0x6;
	v61 =	vsel vm0, v58, v57;
	v1 =	vmul.f32 v4, v1  }
0xc5: {  	[tilespmem:s10+$0x18AC0] =	vst v52;
	v62 =	vsel vm0, v59, v60;
	v0 =	vmul.f32 v61, v0  }
0xc6: {  	v3 =	vsel vm0, v3, v54;
	v63 =	vmul.f32 v62, v56;
	[tilespmem:s10+$0x18A80] =	vst v1  }
0xc7: {  	s7 =	sadd.s32 $0x1, s7;
	v2 =	vmul.f32 v3, v2;
	[tilespmem:s10+$0x18AA0] =	vst v0  }
0xc8: {  	p1 =	sne.s32 s7, $0x3E;
	[tilespmem:s10+$0x18A90] =	vst v63  }
.Ltmp2:
0xc9: {  	[tilespmem:s10+$0x18AB0] =	vst v2;
	(pc) =	sbr.rel @p1 .LBB2_2-.Ltmp2, $4  }
0xca: {  	[spmem:s3] =	stream.indirect.scatter.add.f32 [tilespmem:s28], [sflag:$0x5], $0x80, s26, s22, $0xb8;
	[tilespmem:$0x1DA80] =	vst v63  }
0xcb: {  	_ =	swait.ge [sflag:s18], $0x2800  }
0xcc: {  	[sflag:s18] =	ssyncset.done $0x0  }
0xcd: {  	[sflag:s18] =	ssyncadd.s32 $0xFFFFD800  }
0xce: {  	_ =	swait.ge [sflag:s30], $0x2800  }
0xcf: {  	[sflag:s30] =	ssyncset.done $0x0  }
0xd0: {  	[sflag:s30] =	ssyncadd.s32 $0xFFFFD800  }
0xd1: {  	_ =	swait.ge [sflag:s31], $0x2800  }
0xd2: {  	[sflag:s31] =	ssyncset.done $0x0  }
0xd3: {  	s7 =	simm.s32 $0x0;
	[sflag:s31] =	ssyncadd.s32 $0xFFFFD800  }
0xd4: {  	v0 =	vld [tilespmem:s7+$0x161D0]  }
0xd5: {  	v1 =	vld [tilespmem:s7+$0x139C0];
	_ =	sdelay $0x4  }
0xd6: {  	v0 =	vadd.f32 v0, v1;
	_ =	sdelay $0x1  }
0xd7: {  	v1 =	vmul.f32 $2.000000030e-01, v0  }
0xd8: {  	vm1 =	vge.f32 v0, $0.0e+00  }
0xd9: {  	v0 =	vsel vm1, v0, v1  }
0xda: {  	v0 =	vmul.f32 $1.442695020e+00, v0;
	_ =	sdelay $0x1  }
0xdb: {  	(erf) = vpow2.f32 v0;
	_ =	sdelay $0x6  }
0xdc: {  	s9 =	simm.s32 $0x80;
	v2 =	vld [tilespmem:s7+$0x13980]  }
0xdd: {  	v4 =	vld [tilespmem:s9+$0x161D0]  }
0xde: {  	v1 =	vld [tilespmem:s7+$0x139B0];
	v11 =	vpop (erf)  }
0xdf: {  	v0 =	vld [tilespmem:s7+$0x139A0];
	v6 =	vbroadcast v11, $0x0;
	v3 =	vbroadcast v11, $0x7;
	[tilespmem:s7+$0x139C0] =	vst v11  }
0xe0: {  	v8 =	vbroadcast v11, $0x2;
	v7 =	vbroadcast v11, $0x5;
	v9 =	vld [tilespmem:s9+$0x139C0]  }
0xe1: {  	v5 =	vld [tilespmem:s7+$0x13990];
	v13 =	vbroadcast v11, $0x1;
	v10 =	vbroadcast v11, $0x3  }
0xe2: {  	s10 =	simm.s32 $0x400;
	v12 =	vbroadcast v11, $0x4;
	v11 =	vbroadcast v11, $0x6  }
.LBB2_8:
0xe3: {  	p1 =	sne.s32 s10, $0x9E00;
	v6 =	vsel vm0, v6, v13;
	v8 =	vsel vm0, v8, v10;
	s11 =	smov.u32 s10;
	s10 =	sadd.s32 $0x200, s10  }
0xe4: {  	v2 =	vmul.f32 v6, v2;
	v6 =	vsel vm0, v12, v7;
	v3 =	vsel vm0, v11, v3  }
0xe5: {  	v4 =	vadd.f32 v4, v9;
	v0 =	vmul.f32 v6, v0;
	v1 =	vmul.f32 v3, v1  }
0xe6: {  	[tilespmem:s7+$0x13980] =	vst v2;
	v2 =	vmul.f32 v8, v5  }
0xe7: {  	vm1 =	vge.f32 v4, $0.0e+00;
	v3 =	vmul.f32 $2.000000030e-01, v4;
	[tilespmem:s7+$0x139A0] =	vst v0  }
0xe8: {  	[tilespmem:s7+$0x13990] =	vst v2  }
0xe9: {  	v0 =	vsel vm1, v4, v3;
	[tilespmem:s7+$0x139B0] =	vst v1;
	s7 =	smov.u32 s9  }
0xea: {  	v0 =	vmul.f32 $1.442695020e+00, v0;
	_ =	sdelay $0x1  }
0xeb: {  	(erf) = vpow2.f32 v0;
	_ =	sdelay $0x6  }
0xec: {  	v0 =	vld [tilespmem:s7+$0x139A0]  }
0xed: {  	v2 =	vld [tilespmem:s7+$0x13980]  }
.Ltmp3:
0xee: {  	s9 =	sshra.s32 s11, $0x2;
	v1 =	vld [tilespmem:s7+$0x139B0];
	v11 =	vpop (erf);
	(pc) =	sbr.rel @p1 .LBB2_8-.Ltmp3, $4  }
0xef: {  	v4 =	vld [tilespmem:s9+$0x161D0];
	v6 =	vbroadcast v11, $0x0;
	v3 =	vbroadcast v11, $0x7;
	[tilespmem:s7+$0x139C0] =	vst v11  }
0xf0: {  	v8 =	vbroadcast v11, $0x2;
	v7 =	vbroadcast v11, $0x5;
	v9 =	vld [tilespmem:s9+$0x139C0]  }
0xf1: {  	v13 =	vbroadcast v11, $0x1;
	v10 =	vbroadcast v11, $0x3;
	v5 =	vld [tilespmem:s7+$0x13990]  }
0xf2: {  	v12 =	vbroadcast v11, $0x4;
	v11 =	vbroadcast v11, $0x6  }
0xf3: {  	_ =	sdelay $0x1  }
0xf4: {  	v4 =	vadd.f32 v4, v9;
	_ =	sdelay $0x1  }
0xf5: {  	v9 =	vmul.f32 $2.000000030e-01, v4  }
0xf6: {  	vm1 =	vge.f32 v4, $0.0e+00  }
0xf7: {  	v4 =	vsel vm1, v4, v9  }
0xf8: {  	v4 =	vmul.f32 $1.442695020e+00, v4;
	_ =	sdelay $0x1  }
0xf9: {  	(erf) = vpow2.f32 v4;
	_ =	sdelay $0x1  }
0xfa: {  	v6 =	vsel vm0, v6, v13  }
0xfb: {  	v2 =	vmul.f32 v6, v2;
	v49 =	vsel vm0, v12, v7  }
0xfc: {  	v3 =	vsel vm0, v11, v3;
	v0 =	vmul.f32 v49, v0  }
0xfd: {  	v50 =	vsel vm0, v8, v10;
	v1 =	vmul.f32 v3, v1;
	[tilespmem:s7+$0x13980] =	vst v2  }
0xfe: {  	v51 =	vmul.f32 v50, v5;
	[tilespmem:s7+$0x139A0] =	vst v0  }
0xff: {  	[tilespmem:s7+$0x139B0] =	vst v1  }
0x100: {  	[tilespmem:s7+$0x13990] =	vst v51  }
0x101: {  	v1 =	vld [tilespmem:s9+$0x13980];
	v52 =	vpop (erf)  }
0x102: {  	v0 =	vld [tilespmem:s9+$0x139A0];
	v53 =	vbroadcast v52, $0x0  }
0x103: {  	v56 =	vld [tilespmem:s9+$0x13990];
	v54 =	vbroadcast v52, $0x7;
	v55 =	vbroadcast v52, $0x1  }
0x104: {  	v2 =	vld [tilespmem:s9+$0x139B0];
	v57 =	vbroadcast v52, $0x5;
	v58 =	vbroadcast v52, $0x4  }
0x105: {  	v59 =	vbroadcast v52, $0x2;
	v60 =	vbroadcast v52, $0x3;
	v4 =	vsel vm0, v53, v55  }
0x106: {  	v3 =	vbroadcast v52, $0x6;
	v61 =	vsel vm0, v58, v57;
	v1 =	vmul.f32 v4, v1  }
0x107: {  	[tilespmem:s9+$0x139C0] =	vst v52;
	v62 =	vsel vm0, v59, v60;
	v0 =	vmul.f32 v61, v0  }
0x108: {  	v3 =	vsel vm0, v3, v54;
	v63 =	vmul.f32 v62, v56;
	[tilespmem:s9+$0x13980] =	vst v1  }
0x109: {  	v2 =	vmul.f32 v3, v2;
	[tilespmem:s9+$0x139A0] =	vst v0  }
0x10a: {  	[tilespmem:s9+$0x13990] =	vst v63  }
0x10b: {  	[tilespmem:s9+$0x139B0] =	vst v2  }
0x10c: {  	[spmem:s3] =	stream.indirect.scatter.add.f32 [tilespmem:s23], [sflag:$0x5], $0x80, s21, s22, $0xb8;
	[tilespmem:$0x1DA80] =	vst v63  }
0x10d: {  	_ =	swait.ge [sflag:s18], $0x2800  }
0x10e: {  	[sflag:s18] =	ssyncset.done $0x0  }
0x10f: {  	[sflag:s18] =	ssyncadd.s32 $0xFFFFD800  }
0x110: {  	[bflag:$0x0] =	sbarrier.arrive $0xFFFF  }
0x111: {  	s15 =	rddreg [dreg:$0x8]  }
0x112: {  	[hbm:s15], [sflag:s8] =	dma.local [spmem:s17], $0x2700  }
0x113: {  	_ =	swait.ge [sflag:s18], $0x2700  }
0x114: {  	s4 =	sadd.s32 $0x1, s4;
	[sflag:s18] =	ssyncset.done $0x0  }
0x115: {  	p1 =	sne.s32 s4, s16;
	s7 =	rddreg [dreg:$0x9];
	[sflag:s18] =	ssyncadd.s32 $0xFFFFD900  }
0x116: {  	[hbm:s7], [sflag:s8] =	dma.local @!p0 [spmem:s19], $0x100  }
.Ltmp4:
0x117: {  	_ = 	snop;
	(pc) =	sbr.rel @p1 .LBB2_1-.Ltmp4, $4  }
0x118: {  	s7 =	simm.s32 @!p0 $0x5  }
0x119: {  	_ =	swait.ge @!p0 [sflag:s7], $0x100  }
0x11a: {  	[sflag:s7] =	ssyncset.done @!p0 $0x0  }
0x11b: {  	[sflag:s7] =	ssyncadd.s32 @!p0 $0xFFFFFF00  }
0x11c: {  	_ =	sfence.sel $0x180000  }
0x11d: {  	[bflag:$0x0] =	sbarrier.arrive $0xFFFF  }
0x11e: {  	_ =	strace $0x9000004A  }
0x11f: {  	s0 =	stileid.u32;
	[bflag:$0x2] =	sbarrier.arrive $0xFFFF  }
0x120: {  	p0 =	sne.s32 s0, $0x0;
	s0 =	rddreg [dreg:$0x3]  }
0x121: {  	s0 =	sadd.s32 @!p0 $0x100000, s0  }
0x122: {  	[sflag:s0] =	ssyncadd.tile.s32 @!p0 $0x1;
	_ =	shalt  }
.Lfunc_end2:
_tile_overlayer_lowered:
.L_overlay_start_2:
0x123: {  	(tag) =	ssettag $0x2  }
0x124: {  	s0 =	rddreg [dreg:$0x0];
	s2 =	stileid.u32  }
0x125: {  	s1 =	rddreg [dreg:$0x1];
	p0 =	sne.s32 s2, $0x0  }
0x126: {  	s3 =	rddreg [dreg:$0x2];
	[bflag:$0x3] =	sbarrier.arrive $0xFFFF;
	s2 =	simm.s32 @!p0 $0x1C05  }
0x127: {  	[timem:s3], [sflag:s2] =	dma.local @!p0 [hbm:s0], s1  }
0x128: {  	s0 =	simm.s32 @!p0 $0x5  }
0x129: {  	_ =	swait.ge @!p0 [sflag:s0], s1  }
0x12a: {  	s1 =	ssub.s32 @!p0 $0x0, s1;
	[sflag:s0] =	ssyncset.done @!p0 $0x0  }
0x12b: {  	[sflag:s0] =	ssyncadd.s32 @!p0 s1  }
0x12c: {  	[bflag:$0x3] =	sbarrier.arrive $0xFFFF  }
0x12d: {  	_ =	shalt  }

// kernel: kernel.15.cloned.1.call-start
scs
__scs_entry_jumppad:
0x0: {  	(pc) =	sbr.rel $0x88, $3  }
0x1: {  	(tag) =	ssettag $0x0;
	lr =	simm.s32 $0x1  }
0x2: {  	[smem:$0x3F97] =	sst lr;
	_ =	strace $0xD0000000  }
0x3: {  	_ = 	snop  }
0x4: {  	_ = 	snop  }
0x5: {  	_ = 	snop  }
0x6: {  	_ = 	snop  }
0x7: {  	_ = 	snop  }
__scs_overlays_trampoline_lowered:
0x8: {  	[smem:$0x3FA6] =	sst s0  }
0x9: {  	[smem:$0x3FA7] =	sst s1  }
0xa: {  	[smem:$0x3FA8] =	sst s2  }
0xb: {  	[smem:$0x3FA9] =	sst s3  }
0xc: {  	[smem:$0x3FAA] =	sst s4  }
0xd: {  	[smem:$0x3FAB] =	sst s5  }
0xe: {  	[smem:$0x3FAC] =	sst s6  }
0xf: {  	[smem:$0x3FAD] =	sst s7  }
0x10: {  	[smem:$0x3FAE] =	sst s8  }
0x11: {  	[smem:$0x3FAF] =	sst s9;
	s0 =	simm.s32 @!p0 $0x0  }
0x12: {  	s1 =	sld [smem:$0x3F95];
	s0 =	simm.s32 @p0 $0x1  }
0x13: {  	[smem:$0x3FB0] =	sst s0;
	s0 =	simm.s32 @!p1 $0x0  }
0x14: {  	s2 =	sld [smem:$0x3F94];
	s0 =	simm.s32 @p1 $0x1  }
0x15: {  	[smem:$0x3FB1] =	sst s0;
	s0 =	simm.s32 @!p2 $0x0  }
0x16: {  	s3 =	sld [smem:$0x3FDB];
	s0 =	simm.s32 @p2 $0x1  }
0x17: {  	s4 =	simm.s32 $0x1BF5;
	[smem:$0x3FB3] =	sst s0  }
0x18: {  	s0 =	sld [smem:$0x3F96];
	_ =	swait.ge [sflag:s4], $0x0  }
0x19: {  	s7 =	sld [smem:$0x3F97]  }
0x1a: {  	s8 =	sadd.s32 $0xFFFFE003, lr  }
0x1b: {  	s9 =	sadd.s32 $0xFFFFFEF7, lr;
	s5 =	simm.s32 $0xFFFFFFFF;
	p2 =	slt.u32 s8, $0xFFFFF086  }
0x1c: {  	p1 =	slt.u32 s9, $0xF7A;
	s5 =	simm.s32 @!p2 $0x0  }
0x1d: {  	s5 =	simm.s32 @p1 $0x1;
	p0 =	seq.s32 s7, s2  }
0x1e: {  	s7 =	smul.u32 @!p0 $0xF7A, s2;
	p2 =	seq.s32 @!p0 s5, $0x0  }
0x1f: {  	s9 =	smul.u32 $0xF7A, s1;
	s8 =	simm.s32 @!p0 $0x1BF5;
	p2 =	por !p2, p0  }
0x20: {  	[sflag:s8] =	ssyncset.s32 @!p0 $0xFFFFF086;
	s6 =	sadd.s32 @!p0 s3, s7;
	s7 =	simm.s32 @!p0 $0x108  }
0x21: {  	s3 =	sadd.s32 s3, s9;
	s6 =	sadd.s32 @!p0 $0x88, s6;
	s7 =	simm.s32 @p2 $0x1082  }
0x22: {  	[simem:s7], [sflag:s8] =	dma.local @!p0 [hbm:s6], $0xF7A  }
0x23: {  	s9 =	sor.u32 $0xD0000000, s2;
	s6 =	simm.s32 $0x108;
	_ =	swait.ge @!p0 [sflag:s8], $0x0  }
0x24: {  	s3 =	sadd.s32 $0x88, s3;
	s6 =	simm.s32 @!p1 $0x1082;
	[sflag:s4] =	ssyncset.s32 $0xFFFFF086  }
0x25: {  	[simem:s6], [sflag:s4] =	dma.local [hbm:s3], $0xF7A  }
0x26: {  	[smem:$0x3F97] =	sst s1;
	(tag) =	ssettag s2;
	_ =	strace s9  }
0x27: {  	s1 =	sld [smem:$0x3FA7]  }
0x28: {  	s2 =	sld [smem:$0x3FA8]  }
0x29: {  	s4 =	sld [smem:$0x3FAA]  }
0x2a: {  	p0 =	seq.s32 s5, $0x0;
	s5 =	sld [smem:$0x3FAB]  }
0x2b: {  	s6 =	sld [smem:$0x3FAC]  }
0x2c: {  	s7 =	sld [smem:$0x3FAD]  }
0x2d: {  	s3 =	simm.s32 $0x108;
	s8 =	sld [smem:$0x3FAE]  }
0x2e: {  	s3 =	simm.s32 @!p0 $0x1082;
	s9 =	sld [smem:$0x3FAF]  }
0x2f: {  	lr =	sadd.s32 s0, s3;
	s0 =	sld [smem:$0x3FA6]  }
0x30: {  	s3 =	sld [smem:$0x3FA9]  }
0x31: {  	[smem:$0x3FB2] =	sst s10  }
0x32: {  	s10 =	sld [smem:$0x3FB0];
	_ =	sdelay $0x3  }
0x33: {  	p0 =	seq.s32 s10, $0x1;
	s10 =	sld [smem:$0x3FB2];
	_ =	sdelay $0x3  }
0x34: {  	[smem:$0x3FB2] =	sst s10  }
0x35: {  	s10 =	sld [smem:$0x3FB1];
	_ =	sdelay $0x3  }
0x36: {  	p1 =	seq.s32 s10, $0x1;
	s10 =	sld [smem:$0x3FB2];
	_ =	sdelay $0x3  }
0x37: {  	[smem:$0x3FB2] =	sst s10  }
0x38: {  	s10 =	sld [smem:$0x3FB3]  }
0x39: {  	_ = 	snop;
	(pc) =	sbr.ind lr, $3  }
0x3a: {  	_ = 	snop  }
0x3b: {  	_ = 	snop  }
0x3c: {  	p2 =	seq.s32 s10, $0x1;
	s10 =	sld [smem:$0x3FB2]  }
0x3d: {  	_ =	shalt  }
0x3e: {  	_ =	shalt  }
0x3f: {  	_ =	shalt  }
0x40: {  	_ =	shalt  }
0x41: {  	_ =	shalt  }
0x42: {  	_ =	shalt  }
0x43: {  	_ =	shalt  }
0x44: {  	_ =	shalt  }
0x45: {  	_ =	shalt  }
0x46: {  	_ =	shalt  }
0x47: {  	_ =	shalt  }
0x48: {  	_ =	shalt  }
0x49: {  	_ =	shalt  }
0x4a: {  	_ =	shalt  }
0x4b: {  	_ =	shalt  }
0x4c: {  	_ =	shalt  }
0x4d: {  	_ =	shalt  }
0x4e: {  	_ =	shalt  }
0x4f: {  	_ =	shalt  }
0x50: {  	_ =	shalt  }
0x51: {  	_ =	shalt  }
0x52: {  	_ =	shalt  }
0x53: {  	_ =	shalt  }
0x54: {  	_ =	shalt  }
0x55: {  	_ =	shalt  }
0x56: {  	_ =	shalt  }
0x57: {  	_ =	shalt  }
0x58: {  	_ =	shalt  }
0x59: {  	_ =	shalt  }
0x5a: {  	_ =	shalt  }
0x5b: {  	_ =	shalt  }
0x5c: {  	_ =	shalt  }
0x5d: {  	_ =	shalt  }
0x5e: {  	_ =	shalt  }
0x5f: {  	_ =	shalt  }
0x60: {  	_ =	shalt  }
0x61: {  	_ =	shalt  }
0x62: {  	_ =	shalt  }
0x63: {  	_ =	shalt  }
0x64: {  	_ =	shalt  }
0x65: {  	_ =	shalt  }
0x66: {  	_ =	shalt  }
0x67: {  	_ =	shalt  }
0x68: {  	_ =	shalt  }
0x69: {  	_ =	shalt  }
0x6a: {  	_ =	shalt  }
0x6b: {  	_ =	shalt  }
0x6c: {  	_ =	shalt  }
0x6d: {  	_ =	shalt  }
0x6e: {  	_ =	shalt  }
0x6f: {  	_ =	shalt  }
0x70: {  	_ =	shalt  }
0x71: {  	_ =	shalt  }
0x72: {  	_ =	shalt  }
0x73: {  	_ =	shalt  }
0x74: {  	_ =	shalt  }
0x75: {  	_ =	shalt  }
0x76: {  	_ =	shalt  }
0x77: {  	_ =	shalt  }
0x78: {  	_ =	shalt  }
0x79: {  	_ =	shalt  }
0x7a: {  	_ =	shalt  }
0x7b: {  	_ =	shalt  }
0x7c: {  	_ =	shalt  }
0x7d: {  	_ =	shalt  }
0x7e: {  	_ =	shalt  }
0x7f: {  	_ =	shalt  }
0x80: {  	_ =	shalt  }
0x81: {  	_ =	shalt  }
0x82: {  	_ =	shalt  }
0x83: {  	_ =	shalt  }
0x84: {  	_ =	shalt  }
0x85: {  	_ =	shalt  }
0x86: {  	_ =	shalt  }
0x87: {  	_ =	shalt  }
.Lfunc_end0:
.L_simem_size_0:
called_computation.2_lowered:
.L_overlay_start_0:
0x88: {  	s2 =	sld [smem:$0x3FD9]  }
0x89: {  	s3 =	sld [smem:$0x3FFE];
	_ =	sdelay $0x1  }
0x8a: {  	s1 =	srdreg.scid  }
0x8b: {  	s0 =	sand.u32 $0x1, s1  }
0x8c: {  	s17 =	sshll.u32 s0, $0xA;
	s2 =	sadd.s32 s3, s2  }
0x8d: {  	s2 =	sadd.s32 s2, s17  }
0x8e: {  	[smem:$0x3FBE] =	sst s2  }
0x8f: {  	_ = 	snop  }
0x90: {  	s2 =	sld [smem:$0x3FD0];
	(tm) =	ssettm $0x1  }
0x91: {  	s18 =	sld [smem:$0x3FFB];
	_ =	sdelay $0x3  }
0x92: {  	_ =	strace s18  }
0x93: {  	s3 =	sld [smem:$0x3FFC];
	_ =	sdelay $0x3  }
0x94: {  	_ =	strace s3  }
0x95: {  	s3 =	sld [smem:$0x3FFD];
	_ =	sdelay $0x3  }
0x96: {  	_ =	strace s3  }
0x97: {  	_ =	strace $0x8FFFFFFF  }
0x98: {  	s19 =	sld [smem:$0x3FDB];
	_ =	sdelay $0x1  }
0x99: {  	s4 =	simm.s32 $_scs_section_size  }
0x9a: {  	s5 =	simm.s32 $_size__tile_overlayer_lowered;
	s6 =	simm.s32 $_tile_overlayer_lowered  }
0x9b: {  	s22 =	simm.s32 $0x1BFF;
	s21 =	sshll.u32 s6, $0x1;
	s3 =	sadd.s32 s4, s19  }
0x9c: {  	s7 =	simm.s32 $0x0;
	s20 =	sshll.u32 s5, $0x1;
	s5 =	sadd.s32 s21, s3  }
0x9d: {  	[timem:s7], [sflag:s22] =	dma.local [hbm:s5], s20  }
0x9e: {  	_ =	swait.ge [sflag:s22], s20  }
0x9f: {  	s4 =	ssub.s32 $0x0, s20;
	[sflag:s22] =	ssyncset.done $0x0  }
0xa0: {  	[sflag:s22] =	ssyncadd.s32 s4;
	_ =	sdelay $0x1  }
0xa1: {  	s23 =	simm.s32 $0x1B8B  }
0xa2: {  	_ =	swait.ge [sflag:s23], $0x1  }
0xa3: {  	[sflag:s23] =	ssyncset.done $0x0  }
0xa4: {  	s25 =	simm.s32 $0x1B8E;
	s24 =	sld [smem:$0x3FFE];
	[sflag:s23] =	ssyncadd.s32 $0xFFFFFFFF  }
0xa5: {  	s26 =	simm.s32 $execute0_lowered;
	[smem:$0x3FD2] =	sst s25  }
0xa6: {  	s5 =	sshll.u32 s26, $0x1;
	_ =	strace $0x8000004C;
	[dreg:$0x1] =	wrdreg $0xFFFFFFFF  }
0xa7: {  	s28 =	simm.s32 $_size_execute0_lowered;
	s3 =	sadd.s32 s3, s5;
	[dreg:$0x0] =	wrdreg $0x0  }
0xa8: {  	s5 =	sshll.u32 s28, $0x1;
	[dreg:$0x2] =	wrdreg s3  }
0xa9: {  	[dreg:$0x3] =	wrdreg s5  }
0xaa: {  	[dreg:$0x4] =	wrdreg $0xC0  }
0xab: {  	_ =	task [dreg:s7], $0x5FFFF  }
0xac: {  	[dreg:$0x1] =	wrdreg $0xFFFFFFFF  }
0xad: {  	[dreg:$0x0] =	wrdreg $0x60  }
0xae: {  	[dreg:$0x2] =	wrdreg s24  }
0xaf: {  	[dreg:$0x3] =	wrdreg s2  }
0xb0: {  	[dreg:$0x4] =	wrdreg $0x0  }
0xb1: {  	[dreg:$0x5] =	wrdreg $0x9  }
0xb2: {  	_ =	task.clear_ibuf [dreg:s7], $0x6FFFF;
	_ =	strace $0x9000004C  }
0xb3: {  	s29 =	simm.s32 $0x9;
	_ =	strace $0x8000004E  }
0xb4: {  	_ =	swait.ge [sflag:s29], $0x1  }
0xb5: {  	[sflag:s29] =	ssyncadd.s32 $0xFFFFFFFF  }
0xb6: {  	_ =	strace $0x9000004E  }
0xb7: {  	_ =	sfence  }
0xb8: {  	s30 =	sld [smem:$0x0];
	_ =	sdelay $0x2  }
0xb9: {  	s31 =	sshll.u32 s1, $0xD;
	s1 =	sshrl.u32 s1, $0x2  }
0xba: {  	s3 =	sand.u32 $0x4000, s31;
	s1 =	sadd.s32 s1, s30  }
0xbb: {  	s0 =	sor.u32 s3, s0;
	s1 =	sshll.u32 s1, $0x11  }
0xbc: {  	s0 =	sor.u32 s1, s0  }
0xbd: {  	s0 =	sadd.s32 $0x8F2B, s0  }
0xbe: {  	[sflag:s0] =	ssyncadd.remote.s32 $0x1  }
0xbf: {  	_ =	sfence.sel $0xFFFF  }
0xc0: {  	[dreg:$0x0] =	wrdreg $0xFFFFFFFF;
	(pc) =	sbr.abs _section_cstart, $3  }
0xc1: {  	[dreg:$0x1] =	wrdreg $0xFFFFFFFF  }
0xc2: {  	_ =	task.clear_ibuf [dreg:s7], $0x2FFFF;
	_ =	strace $0x9FFFFFFF  }
0xc3: {  	(tm) =	ssettm $0x7FFFFFFF  }
tec
execute0_lowered:
.L_overlay_start_1:
0x0: {  	(tag) =	ssettag $0x1  }
0x1: {  	s0 =	rddreg [dreg:$0x0]  }
0x2: {  	s2 =	rddreg [dreg:$0x1]  }
0x3: {  	s3 =	rddreg [dreg:$0x2]  }
0x4: {  	s1 =	simm.s32 $0x0;
	s15 =	stileid.u32;
	s4 =	srdreg.scid  }
0x5: {  	s28 =	simm.s32 $0x18A80;
	s29 =	simm.s32 $0x1B280;
	s30 =	simm.s32 $0x1  }
0x6: {  	s31 =	simm.s32 $0x2;
	[smem:$0x7FF] =	sst s1;
	s17 =	smul.u32 $0x13800, s15  }
0x7: {  	s5 =	sadd.s32 $0x1800, s0;
	s4 =	sand.u32 $0x1, s4;
	s6 =	sadd.s32 $0xB600, s0  }
0x8: {  	s11 =	smul.u32 $0x4E000, s15;
	s14 =	sadd.s32 $0x59A00, s0;
	s20 =	sshll.u32 s15, $0x6  }
0x9: {  	p0 =	sne.s32 s15, $0xF;
	_ =	strace $0x8000004D;
	s8 =	ssub.s32 $0x2, s4  }
0xa: {  	s10 =	sshll.u32 s4, $0x4;
	s4 =	smul.u32 $0x138800, s4;
	s7 =	sshrl.u32 s17, $0x3  }
0xb: {  	s9 =	sshrl.u32 s8, $0x1;
	s18 =	sor.u32 s15, s10;
	s19 =	sshrl.u32 s11, $0x2  }
0xc: {  	s7 =	sadd.s32 s7, s0;
	s9 =	ssub.s32 s8, s9;
	s13 =	smul.u32 $0x2710, s18  }
0xd: {  	s10 =	sadd.s32 s19, s3;
	s8 =	sor.u32 $0x1C05, s20;
	s0 =	sadd.s32 $0x59800, s0  }
0xe: {  	s24 =	sadd.s32 s17, s4;
	s25 =	sshrl.u32 s4, $0x3;
	s18 =	simm.s32 $0x5  }
0xf: {  	s20 =	simm.s32 $0x13880;
	s4 =	simm.s32 $0x0;
	s7 =	sadd.s32 $0x32800, s7  }
0x10: {  	[dreg:$0x5] =	wrdreg s0;
	s0 =	sshrl.u32 s24, $0x3;
	s1 =	sadd.s32 s14, s25  }
0x11: {  	s16 =	smax.u32 s9, $0x1;
	s17 =	sshrl.u32 s10, $0x3;
	s24 =	simm.s32 $0x16180  }
0x12: {  	s25 =	simm.s32 $0x18980;
	[dreg:$0x4] =	wrdreg s7;
	s7 =	sadd.s32 $0x138000, s3  }
0x13: {  	s21 =	sshrl.u32 s13, $0x3;
	s12 =	sadd.s32 $0x50, s13;
	s13 =	sadd.s32 $0xA0, s13  }
0x14: {  	s0 =	sadd.s32 s14, s0;
	s26 =	sadd.s32 $0x27000, s1;
	s1 =	simm.s32 $0x4  }
0x15: {  	s22 =	sadd.s32 s5, s21;
	s23 =	sadd.s32 s2, s21;
	[dreg:$0x8] =	wrdreg s0  }
0x16: {  	[dreg:$0x9] =	wrdreg s26;
	s19 =	sshrl.u32 @!p0 s7, $0x3;
	s21 =	simm.s32 $0x13900  }
0x17: {  	s26 =	simm.s32 $0x18A00;
	s0 =	simm.s32 $0x3;
	[dreg:$0x6] =	wrdreg s22  }
0x18: {  	vm0 =	vmmov $0xff;
	[dreg:$0x7] =	wrdreg s23;
	s22 =	simm.s32 $0x50;
	s23 =	simm.s32 $0x13980  }
.LBB2_1:
0x19: {  	s7 =	rddreg [dreg:$0x4]  }
0x1a: {  	[spmem:s17], [sflag:s8] =	dma.local [hbm:s7], $0x2700  }
0x1b: {  	_ =	swait.ge [sflag:s18], $0x2700  }
0x1c: {  	[sflag:s18] =	ssyncset.done $0x0  }
0x1d: {  	s7 =	rddreg [dreg:$0x5];
	[sflag:s18] =	ssyncadd.s32 $0xFFFFD900  }
0x1e: {  	[spmem:s19], [sflag:s8] =	dma.local @!p0 [hbm:s7], $0x100  }
0x1f: {  	s7 =	simm.s32 @!p0 $0x5  }
0x20: {  	_ =	swait.ge @!p0 [sflag:s7], $0x100  }
0x21: {  	[sflag:s7] =	ssyncset.done @!p0 $0x0  }
0x22: {  	[sflag:s7] =	ssyncadd.s32 @!p0 $0xFFFFFF00  }
0x23: {  	[bflag:$0x0] =	sbarrier.arrive $0xFFFF  }
0x24: {  	s14 =	simm.s32 $0x0;
	s9 =	rddreg [dreg:$0x6]  }
0x25: {  	[tilespmem:s20], [sflag:$0x5] =	stream.linear.gather [hbm4b:s9+s14], $0x50, $0x38;
	[tilespmem:$0x1DA80] =	vst v63  }
0x26: {  	_ =	swait.ge [sflag:s18], $0x50  }
0x27: {  	[sflag:s18] =	ssyncset.done $0x0  }
0x28: {  	s15 =	rddreg [dreg:$0x7];
	[sflag:s18] =	ssyncadd.s32 $0xFFFFFFB0  }
0x29: {  	[tilespmem:s21], [sflag:$0x5] =	stream.linear.gather [hbm4b:s15+s14], $0x50, $0x38;
	[tilespmem:$0x1DA80] =	vst v63  }
0x2a: {  	_ =	swait.ge [sflag:s18], $0x50  }
0x2b: {  	[sflag:s18] =	ssyncset.done $0x0  }
0x2c: {  	[sflag:s18] =	ssyncadd.s32 $0xFFFFFFB0  }
0x2d: {  	[tilespmem:s23], [sflag:$0x1] =	stream.indirect.gather [hbm4b:s6+s22], $0x80, s20, s22, $0xb8;
	[tilespmem:$0x1DA80] =	vst v63  }
0x2e: {  	s7 =	simm.s32 $0x0  }
0x2f: {  	[tilespmem:s24], [sflag:$0x2] =	stream.indirect.gather [hbm4b:s6+s22], $0x80, s21, s22, $0xb8;
	[tilespmem:$0x1DA80] =	vst v63  }
.LBB2_2:
0x30: {  	s9 =	smul.u32 $0xA0, s7;
	_ =	sdelay $0x1  }
0x31: {  	s10 =	sadd.s32 s9, s12  }
0x32: {  	s10 =	sshrl.u32 s10, $0x3  }
0x33: {  	s14 =	simm.s32 $0x0;
	s11 =	sadd.s32 s5, s10  }
0x34: {  	[tilespmem:s25], [sflag:$0x5] =	stream.linear.gather [hbm4b:s11+s14], $0x50, $0x38;
	[tilespmem:$0x1DA80] =	vst v63  }
0x35: {  	_ =	swait.ge [sflag:s18], $0x50  }
0x36: {  	[sflag:s18] =	ssyncset.done $0x0  }
0x37: {  	s10 =	sadd.s32 s2, s10;
	[sflag:s18] =	ssyncadd.s32 $0xFFFFFFB0  }
0x38: {  	[tilespmem:s26], [sflag:$0x5] =	stream.linear.gather [hbm4b:s10+s14], $0x50, $0x38;
	[tilespmem:$0x1DA80] =	vst v63  }
0x39: {  	_ =	swait.ge [sflag:s18], $0x50  }
0x3a: {  	[sflag:s18] =	ssyncset.done $0x0  }
0x3b: {  	[sflag:s18] =	ssyncadd.s32 $0xFFFFFFB0  }
0x3c: {  	[tilespmem:s28], [sflag:$0x3] =	stream.indirect.gather [hbm4b:s6+s22], $0x80, s25, s22, $0xb8;
	[tilespmem:$0x1DA80] =	vst v63  }
0x3d: {  	_ = 	snop  }
0x3e: {  	[tilespmem:s29], [sflag:$0x4] =	stream.indirect.gather [hbm4b:s6+s22], $0x80, s26, s22, $0xb8;
	[tilespmem:$0x1DA80] =	vst v63  }
0x3f: {  	_ =	swait.ge [sflag:s30], $0x2800  }
0x40: {  	[sflag:s30] =	ssyncset.done $0x0  }
0x41: {  	[sflag:s30] =	ssyncadd.s32 $0xFFFFD800  }
0x42: {  	_ =	swait.ge [sflag:s31], $0x2800  }
0x43: {  	[sflag:s31] =	ssyncset.done $0x0  }
0x44: {  	s10 =	simm.s32 $0x0;
	[sflag:s31] =	ssyncadd.s32 $0xFFFFD800  }
0x45: {  	v0 =	vld [tilespmem:s10+$0x161D0]  }
0x46: {  	v1 =	vld [tilespmem:s10+$0x139C0];
	_ =	sdelay $0x4  }
0x47: {  	v0 =	vadd.f32 v0, v1;
	_ =	sdelay $0x1  }
0x48: {  	v1 =	vmul.f32 $2.000000030e-01, v0  }
0x49: {  	vm1 =	vge.f32 v0, $0.0e+00  }
0x4a: {  	v0 =	vsel vm1, v0, v1  }
0x4b: {  	v0 =	vmul.f32 $1.442695020e+00, v0;
	_ =	sdelay $0x1  }
0x4c: {  	(erf) = vpow2.f32 v0;
	_ =	sdelay $0x6  }
0x4d: {  	s11 =	simm.s32 $0x80;
	v2 =	vld [tilespmem:s10+$0x13980]  }
0x4e: {  	v4 =	vld [tilespmem:s11+$0x161D0]  }
0x4f: {  	v1 =	vld [tilespmem:s10+$0x139B0];
	v11 =	vpop (erf)  }
0x50: {  	v0 =	vld [tilespmem:s10+$0x139A0];
	v6 =	vbroadcast v11, $0x0;
	v3 =	vbroadcast v11, $0x7;
	[tilespmem:s10+$0x139C0] =	vst v11  }
0x51: {  	v8 =	vbroadcast v11, $0x2;
	v7 =	vbroadcast v11, $0x5;
	v9 =	vld [tilespmem:s11+$0x139C0]  }
0x52: {  	v5 =	vld [tilespmem:s10+$0x13990];
	v13 =	vbroadcast v11, $0x1;
	v10 =	vbroadcast v11, $0x3  }
0x53: {  	s14 =	simm.s32 $0x400;
	v12 =	vbroadcast v11, $0x4;
	v11 =	vbroadcast v11, $0x6  }
.LBB2_3:
0x54: {  	p1 =	sne.s32 s14, $0x9E00;
	v6 =	vsel vm0, v6, v13;
	v8 =	vsel vm0, v8, v10;
	s15 =	smov.u32 s14;
	s14 =	sadd.s32 $0x200, s14  }
0x55: {  	v2 =	vmul.f32 v6, v2;
	v6 =	vsel vm0, v12, v7;
	v3 =	vsel vm0, v11, v3  }
0x56: {  	v4 =	vadd.f32 v4, v9;
	v0 =	vmul.f32 v6, v0;
	v1 =	vmul.f32 v3, v1  }
0x57: {  	[tilespmem:s10+$0x13980] =	vst v2;
	v2 =	vmul.f32 v8, v5  }
0x58: {  	vm1 =	vge.f32 v4, $0.0e+00;
	v3 =	vmul.f32 $2.000000030e-01, v4;
	[tilespmem:s10+$0x139A0] =	vst v0  }
0x59: {  	[tilespmem:s10+$0x13990] =	vst v2  }
0x5a: {  	v0 =	vsel vm1, v4, v3;
	[tilespmem:s10+$0x139B0] =	vst v1;
	s10 =	smov.u32 s11  }
0x5b: {  	v0 =	vmul.f32 $1.442695020e+00, v0;
	_ =	sdelay $0x1  }
0x5c: {  	(erf) = vpow2.f32 v0;
	_ =	sdelay $0x6  }
0x5d: {  	v0 =	vld [tilespmem:s10+$0x139A0]  }
0x5e: {  	v2 =	vld [tilespmem:s10+$0x13980]  }
.Ltmp0:
0x5f: {  	s11 =	sshra.s32 s15, $0x2;
	v1 =	vld [tilespmem:s10+$0x139B0];
	v11 =	vpop (erf);
	(pc) =	sbr.rel @p1 .LBB2_3-.Ltmp0, $4  }
0x60: {  	v4 =	vld [tilespmem:s11+$0x161D0];
	v6 =	vbroadcast v11, $0x0;
	v3 =	vbroadcast v11, $0x7;
	[tilespmem:s10+$0x139C0] =	vst v11  }
0x61: {  	v8 =	vbroadcast v11, $0x2;
	v7 =	vbroadcast v11, $0x5;
	v9 =	vld [tilespmem:s11+$0x139C0]  }
0x62: {  	v13 =	vbroadcast v11, $0x1;
	v10 =	vbroadcast v11, $0x3;
	v5 =	vld [tilespmem:s10+$0x13990]  }
0x63: {  	v12 =	vbroadcast v11, $0x4;
	v11 =	vbroadcast v11, $0x6  }
0x64: {  	_ =	sdelay $0x1  }
0x65: {  	v4 =	vadd.f32 v4, v9;
	_ =	sdelay $0x1  }
0x66: {  	v9 =	vmul.f32 $2.000000030e-01, v4  }
0x67: {  	vm1 =	vge.f32 v4, $0.0e+00  }
0x68: {  	v4 =	vsel vm1, v4, v9  }
0x69: {  	v4 =	vmul.f32 $1.442695020e+00, v4;
	_ =	sdelay $0x1  }
0x6a: {  	(erf) = vpow2.f32 v4;
	_ =	sdelay $0x2  }
0x6b: {  	v6 =	vsel vm0, v6, v13  }
0x6c: {  	v2 =	vmul.f32 v6, v2;
	v3 =	vsel vm0, v11, v3  }
0x6d: {  	v6 =	vsel vm0, v8, v10;
	v1 =	vmul.f32 v3, v1  }
0x6e: {  	[tilespmem:s10+$0x13980] =	vst v2;
	v2 =	vmul.f32 v6, v5;
	v4 =	vsel vm0, v12, v7  }
0x6f: {  	[tilespmem:s10+$0x139B0] =	vst v1;
	v0 =	vmul.f32 v4, v0  }
0x70: {  	[tilespmem:s10+$0x13990] =	vst v2  }
0x71: {  	[tilespmem:s10+$0x139A0] =	vst v0;
	v3 =	vpop (erf)  }
0x72: {  	v1 =	vld [tilespmem:s11+$0x13980];
	v4 =	vbroadcast v3, $0x0;
	v5 =	vbroadcast v3, $0x7  }
0x73: {  	v2 =	vld [tilespmem:s11+$0x139B0];
	v6 =	vbroadcast v3, $0x1;
	v8 =	vbroadcast v3, $0x5  }
0x74: {  	v0 =	vld [tilespmem:s11+$0x139A0];
	v9 =	vbroadcast v3, $0x4;
	v10 =	vbroadcast v3, $0x2  }
0x75: {  	v7 =	vld [tilespmem:s11+$0x13990];
	[tilespmem:s11+$0x139C0] =	vst v3;
	v11 =	vbroadcast v3, $0x3;
	v3 =	vbroadcast v3, $0x6  }
0x76: {  	v4 =	vsel vm0, v4, v6  }
0x77: {  	v3 =	vsel vm0, v3, v5;
	v1 =	vmul.f32 v4, v1  }
0x78: {  	v4 =	vsel vm0, v9, v8;
	v2 =	vmul.f32 v3, v2  }
0x79: {  	v6 =	vsel vm0, v10, v11;
	v0 =	vmul.f32 v4, v0;
	[tilespmem:s11+$0x13980] =	vst v1  }
0x7a: {  	v1 =	vmul.f32 v6, v7;
	[tilespmem:s11+$0x139B0] =	vst v2  }
0x7b: {  	[tilespmem:s11+$0x139A0] =	vst v0  }
0x7c: {  	[tilespmem:s11+$0x13990] =	vst v1  }
0x7d: {  	[spmem:s3] =	stream.indirect.scatter.add.f32 [tilespmem:s23], [sflag:$0x5], $0x80, s21, s22, $0xb8;
	[tilespmem:$0x1DA80] =	vst v63  }
0x7e: {  	s9 =	sadd.s32 s9, s13;
	_ =	swait.ge [sflag:s18], $0x2800  }
0x7f: {  	s9 =	sshrl.u32 s9, $0x3;
	[sflag:s18] =	ssyncset.done $0x0  }
0x80: {  	s15 =	simm.s32 $0x0;
	s14 =	sadd.s32 s5, s9;
	[sflag:s18] =	ssyncadd.s32 $0xFFFFD800  }
0x81: {  	[tilespmem:s20], [sflag:$0x5] =	stream.linear.gather [hbm4b:s14+s15], $0x50, $0x38;
	[tilespmem:$0x1DA80] =	vst v63  }
0x82: {  	_ =	swait.ge [sflag:s18], $0x50  }
0x83: {  	[sflag:s18] =	ssyncset.done $0x0  }
0x84: {  	s9 =	sadd.s32 s2, s9;
	[sflag:s18] =	ssyncadd.s32 $0xFFFFFFB0  }
0x85: {  	[tilespmem:s21], [sflag:$0x5] =	stream.linear.gather [hbm4b:s9+s15], $0x50, $0x38;
	[tilespmem:$0x1DA80] =	vst v63  }
0x86: {  	_ =	swait.ge [sflag:s18], $0x50  }
0x87: {  	[sflag:s18] =	ssyncset.done $0x0  }
0x88: {  	[sflag:s18] =	ssyncadd.s32 $0xFFFFFFB0  }
0x89: {  	[tilespmem:s23], [sflag:$0x1] =	stream.indirect.gather [hbm4b:s6+s22], $0x80, s20, s22, $0xb8;
	[tilespmem:$0x1DA80] =	vst v63  }
0x8a: {  	_ = 	snop  }
0x8b: {  	[tilespmem:s24], [sflag:$0x2] =	stream.indirect.gather [hbm4b:s6+s22], $0x80, s21, s22, $0xb8;
	[tilespmem:$0x1DA80] =	vst v63  }
0x8c: {  	_ =	swait.ge [sflag:s0], $0x2800  }
0x8d: {  	[sflag:s0] =	ssyncset.done $0x0  }
0x8e: {  	[sflag:s0] =	ssyncadd.s32 $0xFFFFD800  }
0x8f: {  	_ =	swait.ge [sflag:s1], $0x2800  }
0x90: {  	[sflag:s1] =	ssyncset.done $0x0  }
0x91: {  	s9 =	simm.s32 $0x0;
	[sflag:s1] =	ssyncadd.s32 $0xFFFFD800  }
0x92: {  	v0 =	vld [tilespmem:s9+$0x1B2D0]  }
0x93: {  	v1 =	vld [tilespmem:s9+$0x18AC0];
	_ =	sdelay $0x4  }
0x94: {  	v0 =	vadd.f32 v0, v1;
	_ =	sdelay $0x1  }
0x95: {  	v1 =	vmul.f32 $2.000000030e-01, v0  }
0x96: {  	vm1 =	vge.f32 v0, $0.0e+00  }
0x97: {  	v0 =	vsel vm1, v0, v1  }
0x98: {  	v0 =	vmul.f32 $1.442695020e+00, v0;
	_ =	sdelay $0x1  }
0x99: {  	(erf) = vpow2.f32 v0;
	_ =	sdelay $0x6  }
0x9a: {  	s10 =	simm.s32 $0x80;
	v2 =	vld [tilespmem:s9+$0x18A80]  }
0x9b: {  	v4 =	vld [tilespmem:s10+$0x1B2D0]  }
0x9c: {  	v1 =	vld [tilespmem:s9+$0x18AB0];
	v11 =	vpop (erf)  }
0x9d: {  	v0 =	vld [tilespmem:s9+$0x18AA0];
	v6 =	vbroadcast v11, $0x0;
	v3 =	vbroadcast v11, $0x7;
	[tilespmem:s9+$0x18AC0] =	vst v11  }
0x9e: {  	v8 =	vbroadcast v11, $0x2;
	v7 =	vbroadcast v11, $0x5;
	v9 =	vld [tilespmem:s10+$0x18AC0]  }
0x9f: {  	v5 =	vld [tilespmem:s9+$0x18A90];
	v13 =	vbroadcast v11, $0x1;
	v10 =	vbroadcast v11, $0x3  }
0xa0: {  	s11 =	simm.s32 $0x400;
	v12 =	vbroadcast v11, $0x4;
	v11 =	vbroadcast v11, $0x6  }
.LBB2_5:
0xa1: {  	p1 =	sne.s32 s11, $0x9E00;
	v6 =	vsel vm0, v6, v13;
	v8 =	vsel vm0, v8, v10;
	s14 =	smov.u32 s11;
	s11 =	sadd.s32 $0x200, s11  }
0xa2: {  	v2 =	vmul.f32 v6, v2;
	v6 =	vsel vm0, v12, v7;
	v3 =	vsel vm0, v11, v3  }
0xa3: {  	v4 =	vadd.f32 v4, v9;
	v0 =	vmul.f32 v6, v0;
	v1 =	vmul.f32 v3, v1  }
0xa4: {  	[tilespmem:s9+$0x18A80] =	vst v2;
	v2 =	vmul.f32 v8, v5  }
0xa5: {  	vm1 =	vge.f32 v4, $0.0e+00;
	v3 =	vmul.f32 $2.000000030e-01, v4;
	[tilespmem:s9+$0x18AA0] =	vst v0  }
0xa6: {  	[tilespmem:s9+$0x18A90] =	vst v2  }
0xa7: {  	v0 =	vsel vm1, v4, v3;
	[tilespmem:s9+$0x18AB0] =	vst v1;
	s9 =	smov.u32 s10  }
0xa8: {  	v0 =	vmul.f32 $1.442695020e+00, v0;
	_ =	sdelay $0x1  }
0xa9: {  	(erf) = vpow2.f32 v0;
	_ =	sdelay $0x6  }
0xaa: {  	v0 =	vld [tilespmem:s9+$0x18AA0]  }
0xab: {  	v2 =	vld [tilespmem:s9+$0x18A80]  }
.Ltmp1:
0xac: {  	s10 =	sshra.s32 s14, $0x2;
	v1 =	vld [tilespmem:s9+$0x18AB0];
	v11 =	vpop (erf);
	(pc) =	sbr.rel @p1 .LBB2_5-.Ltmp1, $4  }
0xad: {  	v4 =	vld [tilespmem:s10+$0x1B2D0];
	v6 =	vbroadcast v11, $0x0;
	v3 =	vbroadcast v11, $0x7;
	[tilespmem:s9+$0x18AC0] =	vst v11  }
0xae: {  	v8 =	vbroadcast v11, $0x2;
	v7 =	vbroadcast v11, $0x5;
	v9 =	vld [tilespmem:s10+$0x18AC0]  }
0xaf: {  	v13 =	vbroadcast v11, $0x1;
	v10 =	vbroadcast v11, $0x3;
	v5 =	vld [tilespmem:s9+$0x18A90]  }
0xb0: {  	v12 =	vbroadcast v11, $0x4;
	v11 =	vbroadcast v11, $0x6  }
0xb1: {  	_ =	sdelay $0x1  }
0xb2: {  	v4 =	vadd.f32 v4, v9;
	_ =	sdelay $0x1  }
0xb3: {  	v9 =	vmul.f32 $2.000000030e-01, v4  }
0xb4: {  	vm1 =	vge.f32 v4, $0.0e+00  }
0xb5: {  	v4 =	vsel vm1, v4, v9  }
0xb6: {  	v4 =	vmul.f32 $1.442695020e+00, v4;
	_ =	sdelay $0x1  }
0xb7: {  	(erf) = vpow2.f32 v4;
	_ =	sdelay $0x1  }
0xb8: {  	v6 =	vsel vm0, v6, v13  }
0xb9: {  	v2 =	vmul.f32 v6, v2;
	v49 =	vsel vm0, v12, v7  }
0xba: {  	v3 =	vsel vm0, v11, v3;
	v0 =	vmul.f32 v49, v0  }
0xbb: {  	v50 =	vsel vm0, v8, v10;
	v1 =	vmul.f32 v3, v1;
	[tilespmem:s9+$0x18A80] =	vst v2  }
0xbc: {  	v51 =	vmul.f32 v50, v5;
	[tilespmem:s9+$0x18AA0] =	vst v0  }
0xbd: {  	[tilespmem:s9+$0x18AB0] =	vst v1  }
0xbe: {  	[tilespmem:s9+$0x18A90] =	vst v51  }
0xbf: {  	v1 =	vld [tilespmem:s10+$0x18A80];
	v52 =	vpop (erf)  }
0xc0: {  	v0 =	vld [tilespmem:s10+$0x18AA0];
	v53 =	vbroadcast v52, $0x0  }
0xc1: {  	v56 =	vld [tilespmem:s10+$0x18A90];
	v54 =	vbroadcast v52, $0x7;
	v55 =	vbroadcast v52, $0x1  }
0xc2: {  	v2 =	vld [tilespmem:s10+$0x18AB0];
	v57 =	vbroadcast v52, $0x5;
	v58 =	vbroadcast v52, $0x4  }
0xc3: {  	v59 =	vbroadcast v52, $0x2;
	v60 =	vbroadcast v52, $0x3;
	v4 =	vsel vm0, v53, v55  }
0xc4: {  	v3 =	vbroadcast v52, $0x6;
	v61 =	vsel vm0, v58, v57;
	v1 =	vmul.f32 v4, v1  }
0xc5: {  	[tilespmem:s10+$0x18AC0] =	vst v52;
	v62 =	vsel vm0, v59, v60;
	v0 =	vmul.f32 v61, v0  }
0xc6: {  	v3 =	vsel vm0, v3, v54;
	v63 =	vmul.f32 v62, v56;
	[tilespmem:s10+$0x18A80] =	vst v1  }
0xc7: {  	s7 =	sadd.s32 $0x1, s7;
	v2 =	vmul.f32 v3, v2;
	[tilespmem:s10+$0x18AA0] =	vst v0  }
0xc8: {  	p1 =	sne.s32 s7, $0x3E;
	[tilespmem:s10+$0x18A90] =	vst v63  }
.Ltmp2:
0xc9: {  	[tilespmem:s10+$0x18AB0] =	vst v2;
	(pc) =	sbr.rel @p1 .LBB2_2-.Ltmp2, $4  }
0xca: {  	[spmem:s3] =	stream.indirect.scatter.add.f32 [tilespmem:s28], [sflag:$0x5], $0x80, s26, s22, $0xb8;
	[tilespmem:$0x1DA80] =	vst v63  }
0xcb: {  	_ =	swait.ge [sflag:s18], $0x2800  }
0xcc: {  	[sflag:s18] =	ssyncset.done $0x0  }
0xcd: {  	[sflag:s18] =	ssyncadd.s32 $0xFFFFD800  }
0xce: {  	_ =	swait.ge [sflag:s30], $0x2800  }
0xcf: {  	[sflag:s30] =	ssyncset.done $0x0  }
0xd0: {  	[sflag:s30] =	ssyncadd.s32 $0xFFFFD800  }
0xd1: {  	_ =	swait.ge [sflag:s31], $0x2800  }
0xd2: {  	[sflag:s31] =	ssyncset.done $0x0  }
0xd3: {  	s7 =	simm.s32 $0x0;
	[sflag:s31] =	ssyncadd.s32 $0xFFFFD800  }
0xd4: {  	v0 =	vld [tilespmem:s7+$0x161D0]  }
0xd5: {  	v1 =	vld [tilespmem:s7+$0x139C0];
	_ =	sdelay $0x4  }
0xd6: {  	v0 =	vadd.f32 v0, v1;
	_ =	sdelay $0x1  }
0xd7: {  	v1 =	vmul.f32 $2.000000030e-01, v0  }
0xd8: {  	vm1 =	vge.f32 v0, $0.0e+00  }
0xd9: {  	v0 =	vsel vm1, v0, v1  }
0xda: {  	v0 =	vmul.f32 $1.442695020e+00, v0;
	_ =	sdelay $0x1  }
0xdb: {  	(erf) = vpow2.f32 v0;
	_ =	sdelay $0x6  }
0xdc: {  	s9 =	simm.s32 $0x80;
	v2 =	vld [tilespmem:s7+$0x13980]  }
0xdd: {  	v4 =	vld [tilespmem:s9+$0x161D0]  }
0xde: {  	v1 =	vld [tilespmem:s7+$0x139B0];
	v11 =	vpop (erf)  }
0xdf: {  	v0 =	vld [tilespmem:s7+$0x139A0];
	v6 =	vbroadcast v11, $0x0;
	v3 =	vbroadcast v11, $0x7;
	[tilespmem:s7+$0x139C0] =	vst v11  }
0xe0: {  	v8 =	vbroadcast v11, $0x2;
	v7 =	vbroadcast v11, $0x5;
	v9 =	vld [tilespmem:s9+$0x139C0]  }
0xe1: {  	v5 =	vld [tilespmem:s7+$0x13990];
	v13 =	vbroadcast v11, $0x1;
	v10 =	vbroadcast v11, $0x3  }
0xe2: {  	s10 =	simm.s32 $0x400;
	v12 =	vbroadcast v11, $0x4;
	v11 =	vbroadcast v11, $0x6  }
.LBB2_8:
0xe3: {  	p1 =	sne.s32 s10, $0x9E00;
	v6 =	vsel vm0, v6, v13;
	v8 =	vsel vm0, v8, v10;
	s11 =	smov.u32 s10;
	s10 =	sadd.s32 $0x200, s10  }
0xe4: {  	v2 =	vmul.f32 v6, v2;
	v6 =	vsel vm0, v12, v7;
	v3 =	vsel vm0, v11, v3  }
0xe5: {  	v4 =	vadd.f32 v4, v9;
	v0 =	vmul.f32 v6, v0;
	v1 =	vmul.f32 v3, v1  }
0xe6: {  	[tilespmem:s7+$0x13980] =	vst v2;
	v2 =	vmul.f32 v8, v5  }
0xe7: {  	vm1 =	vge.f32 v4, $0.0e+00;
	v3 =	vmul.f32 $2.000000030e-01, v4;
	[tilespmem:s7+$0x139A0] =	vst v0  }
0xe8: {  	[tilespmem:s7+$0x13990] =	vst v2  }
0xe9: {  	v0 =	vsel vm1, v4, v3;
	[tilespmem:s7+$0x139B0] =	vst v1;
	s7 =	smov.u32 s9  }
0xea: {  	v0 =	vmul.f32 $1.442695020e+00, v0;
	_ =	sdelay $0x1  }
0xeb: {  	(erf) = vpow2.f32 v0;
	_ =	sdelay $0x6  }
0xec: {  	v0 =	vld [tilespmem:s7+$0x139A0]  }
0xed: {  	v2 =	vld [tilespmem:s7+$0x13980]  }
.Ltmp3:
0xee: {  	s9 =	sshra.s32 s11, $0x2;
	v1 =	vld [tilespmem:s7+$0x139B0];
	v11 =	vpop (erf);
	(pc) =	sbr.rel @p1 .LBB2_8-.Ltmp3, $4  }
0xef: {  	v4 =	vld [tilespmem:s9+$0x161D0];
	v6 =	vbroadcast v11, $0x0;
	v3 =	vbroadcast v11, $0x7;
	[tilespmem:s7+$0x139C0] =	vst v11  }
0xf0: {  	v8 =	vbroadcast v11, $0x2;
	v7 =	vbroadcast v11, $0x5;
	v9 =	vld [tilespmem:s9+$0x139C0]  }
0xf1: {  	v13 =	vbroadcast v11, $0x1;
	v10 =	vbroadcast v11, $0x3;
	v5 =	vld [tilespmem:s7+$0x13990]  }
0xf2: {  	v12 =	vbroadcast v11, $0x4;
	v11 =	vbroadcast v11, $0x6  }
0xf3: {  	_ =	sdelay $0x1  }
0xf4: {  	v4 =	vadd.f32 v4, v9;
	_ =	sdelay $0x1  }
0xf5: {  	v9 =	vmul.f32 $2.000000030e-01, v4  }
0xf6: {  	vm1 =	vge.f32 v4, $0.0e+00  }
0xf7: {  	v4 =	vsel vm1, v4, v9  }
0xf8: {  	v4 =	vmul.f32 $1.442695020e+00, v4;
	_ =	sdelay $0x1  }
0xf9: {  	(erf) = vpow2.f32 v4;
	_ =	sdelay $0x1  }
0xfa: {  	v6 =	vsel vm0, v6, v13  }
0xfb: {  	v2 =	vmul.f32 v6, v2;
	v49 =	vsel vm0, v12, v7  }
0xfc: {  	v3 =	vsel vm0, v11, v3;
	v0 =	vmul.f32 v49, v0  }
0xfd: {  	v50 =	vsel vm0, v8, v10;
	v1 =	vmul.f32 v3, v1;
	[tilespmem:s7+$0x13980] =	vst v2  }
0xfe: {  	v51 =	vmul.f32 v50, v5;
	[tilespmem:s7+$0x139A0] =	vst v0  }
0xff: {  	[tilespmem:s7+$0x139B0] =	vst v1  }
0x100: {  	[tilespmem:s7+$0x13990] =	vst v51  }
0x101: {  	v1 =	vld [tilespmem:s9+$0x13980];
	v52 =	vpop (erf)  }
0x102: {  	v0 =	vld [tilespmem:s9+$0x139A0];
	v53 =	vbroadcast v52, $0x0  }
0x103: {  	v56 =	vld [tilespmem:s9+$0x13990];
	v54 =	vbroadcast v52, $0x7;
	v55 =	vbroadcast v52, $0x1  }
0x104: {  	v2 =	vld [tilespmem:s9+$0x139B0];
	v57 =	vbroadcast v52, $0x5;
	v58 =	vbroadcast v52, $0x4  }
0x105: {  	v59 =	vbroadcast v52, $0x2;
	v60 =	vbroadcast v52, $0x3;
	v4 =	vsel vm0, v53, v55  }
0x106: {  	v3 =	vbroadcast v52, $0x6;
	v61 =	vsel vm0, v58, v57;
	v1 =	vmul.f32 v4, v1  }
0x107: {  	[tilespmem:s9+$0x139C0] =	vst v52;
	v62 =	vsel vm0, v59, v60;
	v0 =	vmul.f32 v61, v0  }
0x108: {  	v3 =	vsel vm0, v3, v54;
	v63 =	vmul.f32 v62, v56;
	[tilespmem:s9+$0x13980] =	vst v1  }
0x109: {  	v2 =	vmul.f32 v3, v2;
	[tilespmem:s9+$0x139A0] =	vst v0  }
0x10a: {  	[tilespmem:s9+$0x13990] =	vst v63  }
0x10b: {  	[tilespmem:s9+$0x139B0] =	vst v2  }
0x10c: {  	[spmem:s3] =	stream.indirect.scatter.add.f32 [tilespmem:s23], [sflag:$0x5], $0x80, s21, s22, $0xb8;
	[tilespmem:$0x1DA80] =	vst v63  }
0x10d: {  	_ =	swait.ge [sflag:s18], $0x2800  }
0x10e: {  	[sflag:s18] =	ssyncset.done $0x0  }
0x10f: {  	[sflag:s18] =	ssyncadd.s32 $0xFFFFD800  }
0x110: {  	[bflag:$0x0] =	sbarrier.arrive $0xFFFF  }
0x111: {  	s15 =	rddreg [dreg:$0x8]  }
0x112: {  	[hbm:s15], [sflag:s8] =	dma.local [spmem:s17], $0x2700  }
0x113: {  	_ =	swait.ge [sflag:s18], $0x2700  }
0x114: {  	s4 =	sadd.s32 $0x1, s4;
	[sflag:s18] =	ssyncset.done $0x0  }
0x115: {  	p1 =	sne.s32 s4, s16;
	s7 =	rddreg [dreg:$0x9];
	[sflag:s18] =	ssyncadd.s32 $0xFFFFD900  }
0x116: {  	[hbm:s7], [sflag:s8] =	dma.local @!p0 [spmem:s19], $0x100  }
.Ltmp4:
0x117: {  	_ = 	snop;
	(pc) =	sbr.rel @p1 .LBB2_1-.Ltmp4, $4  }
0x118: {  	s7 =	simm.s32 @!p0 $0x5  }
0x119: {  	_ =	swait.ge @!p0 [sflag:s7], $0x100  }
0x11a: {  	[sflag:s7] =	ssyncset.done @!p0 $0x0  }
0x11b: {  	[sflag:s7] =	ssyncadd.s32 @!p0 $0xFFFFFF00  }
0x11c: {  	_ =	sfence.sel $0x180000  }
0x11d: {  	[bflag:$0x0] =	sbarrier.arrive $0xFFFF  }
0x11e: {  	_ =	strace $0x9000004D  }
0x11f: {  	s0 =	stileid.u32;
	[bflag:$0x2] =	sbarrier.arrive $0xFFFF  }
0x120: {  	p0 =	sne.s32 s0, $0x0;
	s0 =	rddreg [dreg:$0x3]  }
0x121: {  	s0 =	sadd.s32 @!p0 $0x100000, s0  }
0x122: {  	[sflag:s0] =	ssyncadd.tile.s32 @!p0 $0x1;
	_ =	shalt  }
.Lfunc_end2:
_tile_overlayer_lowered:
.L_overlay_start_2:
0x123: {  	(tag) =	ssettag $0x2  }
0x124: {  	s0 =	rddreg [dreg:$0x0];
	s2 =	stileid.u32  }
0x125: {  	s1 =	rddreg [dreg:$0x1];
	p0 =	sne.s32 s2, $0x0  }
0x126: {  	s3 =	rddreg [dreg:$0x2];
	[bflag:$0x3] =	sbarrier.arrive $0xFFFF;
	s2 =	simm.s32 @!p0 $0x1C05  }
0x127: {  	[timem:s3], [sflag:s2] =	dma.local @!p0 [hbm:s0], s1  }
0x128: {  	s0 =	simm.s32 @!p0 $0x5  }
0x129: {  	_ =	swait.ge @!p0 [sflag:s0], s1  }
0x12a: {  	s1 =	ssub.s32 @!p0 $0x0, s1;
	[sflag:s0] =	ssyncset.done @!p0 $0x0  }
0x12b: {  	[sflag:s0] =	ssyncadd.s32 @!p0 s1  }
0x12c: {  	[bflag:$0x3] =	sbarrier.arrive $0xFFFF  }
0x12d: {  	_ =	shalt  }

// kernel: kernel.9.cloned.1.call-start
scs
__scs_entry_jumppad:
0x0: {  	(pc) =	sbr.rel $0x88, $3  }
0x1: {  	(tag) =	ssettag $0x0;
	lr =	simm.s32 $0x1  }
0x2: {  	[smem:$0x3F97] =	sst lr;
	_ =	strace $0xD0000000  }
0x3: {  	_ = 	snop  }
0x4: {  	_ = 	snop  }
0x5: {  	_ = 	snop  }
0x6: {  	_ = 	snop  }
0x7: {  	_ = 	snop  }
__scs_overlays_trampoline_lowered:
0x8: {  	[smem:$0x3FA6] =	sst s0  }
0x9: {  	[smem:$0x3FA7] =	sst s1  }
0xa: {  	[smem:$0x3FA8] =	sst s2  }
0xb: {  	[smem:$0x3FA9] =	sst s3  }
0xc: {  	[smem:$0x3FAA] =	sst s4  }
0xd: {  	[smem:$0x3FAB] =	sst s5  }
0xe: {  	[smem:$0x3FAC] =	sst s6  }
0xf: {  	[smem:$0x3FAD] =	sst s7  }
0x10: {  	[smem:$0x3FAE] =	sst s8  }
0x11: {  	[smem:$0x3FAF] =	sst s9;
	s0 =	simm.s32 @!p0 $0x0  }
0x12: {  	s1 =	sld [smem:$0x3F95];
	s0 =	simm.s32 @p0 $0x1  }
0x13: {  	[smem:$0x3FB0] =	sst s0;
	s0 =	simm.s32 @!p1 $0x0  }
0x14: {  	s2 =	sld [smem:$0x3F94];
	s0 =	simm.s32 @p1 $0x1  }
0x15: {  	[smem:$0x3FB1] =	sst s0;
	s0 =	simm.s32 @!p2 $0x0  }
0x16: {  	s3 =	sld [smem:$0x3FDB];
	s0 =	simm.s32 @p2 $0x1  }
0x17: {  	s4 =	simm.s32 $0x1BF5;
	[smem:$0x3FB3] =	sst s0  }
0x18: {  	s0 =	sld [smem:$0x3F96];
	_ =	swait.ge [sflag:s4], $0x0  }
0x19: {  	s7 =	sld [smem:$0x3F97]  }
0x1a: {  	s8 =	sadd.s32 $0xFFFFE003, lr  }
0x1b: {  	s9 =	sadd.s32 $0xFFFFFEF7, lr;
	s5 =	simm.s32 $0xFFFFFFFF;
	p2 =	slt.u32 s8, $0xFFFFF086  }
0x1c: {  	p1 =	slt.u32 s9, $0xF7A;
	s5 =	simm.s32 @!p2 $0x0  }
0x1d: {  	s5 =	simm.s32 @p1 $0x1;
	p0 =	seq.s32 s7, s2  }
0x1e: {  	s7 =	smul.u32 @!p0 $0xF7A, s2;
	p2 =	seq.s32 @!p0 s5, $0x0  }
0x1f: {  	s9 =	smul.u32 $0xF7A, s1;
	s8 =	simm.s32 @!p0 $0x1BF5;
	p2 =	por !p2, p0  }
0x20: {  	[sflag:s8] =	ssyncset.s32 @!p0 $0xFFFFF086;
	s6 =	sadd.s32 @!p0 s3, s7;
	s7 =	simm.s32 @!p0 $0x108  }
0x21: {  	s3 =	sadd.s32 s3, s9;
	s6 =	sadd.s32 @!p0 $0x88, s6;
	s7 =	simm.s32 @p2 $0x1082  }
0x22: {  	[simem:s7], [sflag:s8] =	dma.local @!p0 [hbm:s6], $0xF7A  }
0x23: {  	s9 =	sor.u32 $0xD0000000, s2;
	s6 =	simm.s32 $0x108;
	_ =	swait.ge @!p0 [sflag:s8], $0x0  }
0x24: {  	s3 =	sadd.s32 $0x88, s3;
	s6 =	simm.s32 @!p1 $0x1082;
	[sflag:s4] =	ssyncset.s32 $0xFFFFF086  }
0x25: {  	[simem:s6], [sflag:s4] =	dma.local [hbm:s3], $0xF7A  }
0x26: {  	[smem:$0x3F97] =	sst s1;
	(tag) =	ssettag s2;
	_ =	strace s9  }
0x27: {  	s1 =	sld [smem:$0x3FA7]  }
0x28: {  	s2 =	sld [smem:$0x3FA8]  }
0x29: {  	s4 =	sld [smem:$0x3FAA]  }
0x2a: {  	p0 =	seq.s32 s5, $0x0;
	s5 =	sld [smem:$0x3FAB]  }
0x2b: {  	s6 =	sld [smem:$0x3FAC]  }
0x2c: {  	s7 =	sld [smem:$0x3FAD]  }
0x2d: {  	s3 =	simm.s32 $0x108;
	s8 =	sld [smem:$0x3FAE]  }
0x2e: {  	s3 =	simm.s32 @!p0 $0x1082;
	s9 =	sld [smem:$0x3FAF]  }
0x2f: {  	lr =	sadd.s32 s0, s3;
	s0 =	sld [smem:$0x3FA6]  }
0x30: {  	s3 =	sld [smem:$0x3FA9]  }
0x31: {  	[smem:$0x3FB2] =	sst s10  }
0x32: {  	s10 =	sld [smem:$0x3FB0];
	_ =	sdelay $0x3  }
0x33: {  	p0 =	seq.s32 s10, $0x1;
	s10 =	sld [smem:$0x3FB2];
	_ =	sdelay $0x3  }
0x34: {  	[smem:$0x3FB2] =	sst s10  }
0x35: {  	s10 =	sld [smem:$0x3FB1];
	_ =	sdelay $0x3  }
0x36: {  	p1 =	seq.s32 s10, $0x1;
	s10 =	sld [smem:$0x3FB2];
	_ =	sdelay $0x3  }
0x37: {  	[smem:$0x3FB2] =	sst s10  }
0x38: {  	s10 =	sld [smem:$0x3FB3]  }
0x39: {  	_ = 	snop;
	(pc) =	sbr.ind lr, $3  }
0x3a: {  	_ = 	snop  }
0x3b: {  	_ = 	snop  }
0x3c: {  	p2 =	seq.s32 s10, $0x1;
	s10 =	sld [smem:$0x3FB2]  }
0x3d: {  	_ =	shalt  }
0x3e: {  	_ =	shalt  }
0x3f: {  	_ =	shalt  }
0x40: {  	_ =	shalt  }
0x41: {  	_ =	shalt  }
0x42: {  	_ =	shalt  }
0x43: {  	_ =	shalt  }
0x44: {  	_ =	shalt  }
0x45: {  	_ =	shalt  }
0x46: {  	_ =	shalt  }
0x47: {  	_ =	shalt  }
0x48: {  	_ =	shalt  }
0x49: {  	_ =	shalt  }
0x4a: {  	_ =	shalt  }
0x4b: {  	_ =	shalt  }
0x4c: {  	_ =	shalt  }
0x4d: {  	_ =	shalt  }
0x4e: {  	_ =	shalt  }
0x4f: {  	_ =	shalt  }
0x50: {  	_ =	shalt  }
0x51: {  	_ =	shalt  }
0x52: {  	_ =	shalt  }
0x53: {  	_ =	shalt  }
0x54: {  	_ =	shalt  }
0x55: {  	_ =	shalt  }
0x56: {  	_ =	shalt  }
0x57: {  	_ =	shalt  }
0x58: {  	_ =	shalt  }
0x59: {  	_ =	shalt  }
0x5a: {  	_ =	shalt  }
0x5b: {  	_ =	shalt  }
0x5c: {  	_ =	shalt  }
0x5d: {  	_ =	shalt  }
0x5e: {  	_ =	shalt  }
0x5f: {  	_ =	shalt  }
0x60: {  	_ =	shalt  }
0x61: {  	_ =	shalt  }
0x62: {  	_ =	shalt  }
0x63: {  	_ =	shalt  }
0x64: {  	_ =	shalt  }
0x65: {  	_ =	shalt  }
0x66: {  	_ =	shalt  }
0x67: {  	_ =	shalt  }
0x68: {  	_ =	shalt  }
0x69: {  	_ =	shalt  }
0x6a: {  	_ =	shalt  }
0x6b: {  	_ =	shalt  }
0x6c: {  	_ =	shalt  }
0x6d: {  	_ =	shalt  }
0x6e: {  	_ =	shalt  }
0x6f: {  	_ =	shalt  }
0x70: {  	_ =	shalt  }
0x71: {  	_ =	shalt  }
0x72: {  	_ =	shalt  }
0x73: {  	_ =	shalt  }
0x74: {  	_ =	shalt  }
0x75: {  	_ =	shalt  }
0x76: {  	_ =	shalt  }
0x77: {  	_ =	shalt  }
0x78: {  	_ =	shalt  }
0x79: {  	_ =	shalt  }
0x7a: {  	_ =	shalt  }
0x7b: {  	_ =	shalt  }
0x7c: {  	_ =	shalt  }
0x7d: {  	_ =	shalt  }
0x7e: {  	_ =	shalt  }
0x7f: {  	_ =	shalt  }
0x80: {  	_ =	shalt  }
0x81: {  	_ =	shalt  }
0x82: {  	_ =	shalt  }
0x83: {  	_ =	shalt  }
0x84: {  	_ =	shalt  }
0x85: {  	_ =	shalt  }
0x86: {  	_ =	shalt  }
0x87: {  	_ =	shalt  }
.Lfunc_end0:
.L_simem_size_0:
called_computation_lowered:
.L_overlay_start_0:
0x88: {  	s2 =	sld [smem:$0x3FD9]  }
0x89: {  	s3 =	sld [smem:$0x3FFE];
	_ =	sdelay $0x1  }
0x8a: {  	s1 =	srdreg.scid  }
0x8b: {  	s0 =	sand.u32 $0x1, s1  }
0x8c: {  	s17 =	sshll.u32 s0, $0xA;
	s2 =	sadd.s32 s3, s2  }
0x8d: {  	s2 =	sadd.s32 s2, s17  }
0x8e: {  	[smem:$0x3FBE] =	sst s2  }
0x8f: {  	_ = 	snop  }
0x90: {  	s2 =	sld [smem:$0x3FD0];
	(tm) =	ssettm $0x1  }
0x91: {  	s18 =	sld [smem:$0x3FFB];
	_ =	sdelay $0x3  }
0x92: {  	_ =	strace s18  }
0x93: {  	s3 =	sld [smem:$0x3FFC];
	_ =	sdelay $0x3  }
0x94: {  	_ =	strace s3  }
0x95: {  	s3 =	sld [smem:$0x3FFD];
	_ =	sdelay $0x3  }
0x96: {  	_ =	strace s3  }
0x97: {  	_ =	strace $0x8FFFFFFF  }
0x98: {  	s19 =	sld [smem:$0x3FDB];
	_ =	sdelay $0x1  }
0x99: {  	s4 =	simm.s32 $_scs_section_size  }
0x9a: {  	s5 =	simm.s32 $_size__tile_overlayer_lowered;
	s6 =	simm.s32 $_tile_overlayer_lowered  }
0x9b: {  	s22 =	simm.s32 $0x1BFF;
	s21 =	sshll.u32 s6, $0x1;
	s3 =	sadd.s32 s4, s19  }
0x9c: {  	s7 =	simm.s32 $0x0;
	s20 =	sshll.u32 s5, $0x1;
	s5 =	sadd.s32 s21, s3  }
0x9d: {  	[timem:s7], [sflag:s22] =	dma.local [hbm:s5], s20  }
0x9e: {  	_ =	swait.ge [sflag:s22], s20  }
0x9f: {  	s4 =	ssub.s32 $0x0, s20;
	[sflag:s22] =	ssyncset.done $0x0  }
0xa0: {  	[sflag:s22] =	ssyncadd.s32 s4;
	_ =	sdelay $0x1  }
0xa1: {  	s23 =	simm.s32 $0x1B8B  }
0xa2: {  	_ =	swait.ge [sflag:s23], $0x1  }
0xa3: {  	[sflag:s23] =	ssyncset.done $0x0  }
0xa4: {  	s25 =	simm.s32 $0x1B8E;
	s24 =	sld [smem:$0x3FFE];
	[sflag:s23] =	ssyncadd.s32 $0xFFFFFFFF  }
0xa5: {  	s26 =	simm.s32 $execute0_lowered;
	[smem:$0x3FD2] =	sst s25  }
0xa6: {  	s5 =	sshll.u32 s26, $0x1;
	_ =	strace $0x80000046;
	[dreg:$0x1] =	wrdreg $0xFFFFFFFF  }
0xa7: {  	s28 =	simm.s32 $_size_execute0_lowered;
	s3 =	sadd.s32 s3, s5;
	[dreg:$0x0] =	wrdreg $0x0  }
0xa8: {  	s5 =	sshll.u32 s28, $0x1;
	[dreg:$0x2] =	wrdreg s3  }
0xa9: {  	[dreg:$0x3] =	wrdreg s5  }
0xaa: {  	[dreg:$0x4] =	wrdreg $0xC0  }
0xab: {  	_ =	task [dreg:s7], $0x5FFFF  }
0xac: {  	[dreg:$0x1] =	wrdreg $0xFFFFFFFF  }
0xad: {  	[dreg:$0x0] =	wrdreg $0x60  }
0xae: {  	[dreg:$0x2] =	wrdreg s24  }
0xaf: {  	[dreg:$0x3] =	wrdreg s2  }
0xb0: {  	[dreg:$0x4] =	wrdreg $0x0  }
0xb1: {  	[dreg:$0x5] =	wrdreg $0x9  }
0xb2: {  	_ =	task.clear_ibuf [dreg:s7], $0x6FFFF;
	_ =	strace $0x90000046  }
0xb3: {  	s29 =	simm.s32 $0x9;
	_ =	strace $0x80000048  }
0xb4: {  	_ =	swait.ge [sflag:s29], $0x1  }
0xb5: {  	[sflag:s29] =	ssyncadd.s32 $0xFFFFFFFF  }
0xb6: {  	_ =	strace $0x90000048  }
0xb7: {  	_ =	sfence  }
0xb8: {  	s30 =	sld [smem:$0x0];
	_ =	sdelay $0x2  }
0xb9: {  	s31 =	sshll.u32 s1, $0xD;
	s1 =	sshrl.u32 s1, $0x2  }
0xba: {  	s3 =	sand.u32 $0x4000, s31;
	s1 =	sadd.s32 s1, s30  }
0xbb: {  	s0 =	sor.u32 s3, s0;
	s1 =	sshll.u32 s1, $0x11  }
0xbc: {  	s0 =	sor.u32 s1, s0  }
0xbd: {  	s0 =	sadd.s32 $0x8F2B, s0  }
0xbe: {  	[sflag:s0] =	ssyncadd.remote.s32 $0x1  }
0xbf: {  	_ =	sfence.sel $0xFFFF  }
0xc0: {  	[dreg:$0x0] =	wrdreg $0xFFFFFFFF;
	(pc) =	sbr.abs _section_cstart, $3  }
0xc1: {  	[dreg:$0x1] =	wrdreg $0xFFFFFFFF  }
0xc2: {  	_ =	task.clear_ibuf [dreg:s7], $0x2FFFF;
	_ =	strace $0x9FFFFFFF  }
0xc3: {  	(tm) =	ssettm $0x7FFFFFFF  }
tec
execute0_lowered:
.L_overlay_start_1:
0x0: {  	(tag) =	ssettag $0x1  }
0x1: {  	s0 =	rddreg [dreg:$0x0]  }
0x2: {  	s2 =	rddreg [dreg:$0x1]  }
0x3: {  	s3 =	rddreg [dreg:$0x2]  }
0x4: {  	s1 =	simm.s32 $0x0;
	s15 =	stileid.u32;
	s4 =	srdreg.scid  }
0x5: {  	s28 =	simm.s32 $0x18A80;
	s29 =	simm.s32 $0x1B280;
	s30 =	simm.s32 $0x1  }
0x6: {  	s31 =	simm.s32 $0x2;
	[smem:$0x7FF] =	sst s1;
	s17 =	smul.u32 $0x13800, s15  }
0x7: {  	s5 =	sadd.s32 $0x1800, s0;
	s4 =	sand.u32 $0x1, s4;
	s6 =	sadd.s32 $0xB600, s0  }
0x8: {  	s11 =	smul.u32 $0x4E000, s15;
	s14 =	sadd.s32 $0x59A00, s0;
	s20 =	sshll.u32 s15, $0x6  }
0x9: {  	p0 =	sne.s32 s15, $0xF;
	_ =	strace $0x80000047;
	s8 =	ssub.s32 $0x2, s4  }
0xa: {  	s10 =	sshll.u32 s4, $0x4;
	s4 =	smul.u32 $0x138800, s4;
	s7 =	sshrl.u32 s17, $0x3  }
0xb: {  	s9 =	sshrl.u32 s8, $0x1;
	s18 =	sor.u32 s15, s10;
	s19 =	sshrl.u32 s11, $0x2  }
0xc: {  	s7 =	sadd.s32 s7, s0;
	s9 =	ssub.s32 s8, s9;
	s13 =	smul.u32 $0x2710, s18  }
0xd: {  	s10 =	sadd.s32 s19, s3;
	s8 =	sor.u32 $0x1C05, s20;
	s0 =	sadd.s32 $0x59800, s0  }
0xe: {  	s24 =	sadd.s32 s17, s4;
	s25 =	sshrl.u32 s4, $0x3;
	s18 =	simm.s32 $0x5  }
0xf: {  	s20 =	simm.s32 $0x13880;
	s4 =	simm.s32 $0x0;
	s7 =	sadd.s32 $0x32800, s7  }
0x10: {  	[dreg:$0x5] =	wrdreg s0;
	s0 =	sshrl.u32 s24, $0x3;
	s1 =	sadd.s32 s14, s25  }
0x11: {  	s16 =	smax.u32 s9, $0x1;
	s17 =	sshrl.u32 s10, $0x3;
	s24 =	simm.s32 $0x16180  }
0x12: {  	s25 =	simm.s32 $0x18980;
	[dreg:$0x4] =	wrdreg s7;
	s7 =	sadd.s32 $0x138000, s3  }
0x13: {  	s21 =	sshrl.u32 s13, $0x3;
	s12 =	sadd.s32 $0x50, s13;
	s13 =	sadd.s32 $0xA0, s13  }
0x14: {  	s0 =	sadd.s32 s14, s0;
	s26 =	sadd.s32 $0x27000, s1;
	s1 =	simm.s32 $0x4  }
0x15: {  	s22 =	sadd.s32 s5, s21;
	s23 =	sadd.s32 s2, s21;
	[dreg:$0x8] =	wrdreg s0  }
0x16: {  	[dreg:$0x9] =	wrdreg s26;
	s19 =	sshrl.u32 @!p0 s7, $0x3;
	s21 =	simm.s32 $0x13900  }
0x17: {  	s26 =	simm.s32 $0x18A00;
	s0 =	simm.s32 $0x3;
	[dreg:$0x6] =	wrdreg s22  }
0x18: {  	vm0 =	vmmov $0xff;
	[dreg:$0x7] =	wrdreg s23;
	s22 =	simm.s32 $0x50;
	s23 =	simm.s32 $0x13980  }
.LBB2_1:
0x19: {  	s7 =	rddreg [dreg:$0x4]  }
0x1a: {  	[spmem:s17], [sflag:s8] =	dma.local [hbm:s7], $0x2700  }
0x1b: {  	_ =	swait.ge [sflag:s18], $0x2700  }
0x1c: {  	[sflag:s18] =	ssyncset.done $0x0  }
0x1d: {  	s7 =	rddreg [dreg:$0x5];
	[sflag:s18] =	ssyncadd.s32 $0xFFFFD900  }
0x1e: {  	[spmem:s19], [sflag:s8] =	dma.local @!p0 [hbm:s7], $0x100  }
0x1f: {  	s7 =	simm.s32 @!p0 $0x5  }
0x20: {  	_ =	swait.ge @!p0 [sflag:s7], $0x100  }
0x21: {  	[sflag:s7] =	ssyncset.done @!p0 $0x0  }
0x22: {  	[sflag:s7] =	ssyncadd.s32 @!p0 $0xFFFFFF00  }
0x23: {  	[bflag:$0x0] =	sbarrier.arrive $0xFFFF  }
0x24: {  	s14 =	simm.s32 $0x0;
	s9 =	rddreg [dreg:$0x6]  }
0x25: {  	[tilespmem:s20], [sflag:$0x5] =	stream.linear.gather [hbm4b:s9+s14], $0x50, $0x38;
	[tilespmem:$0x1DA80] =	vst v63  }
0x26: {  	_ =	swait.ge [sflag:s18], $0x50  }
0x27: {  	[sflag:s18] =	ssyncset.done $0x0  }
0x28: {  	s15 =	rddreg [dreg:$0x7];
	[sflag:s18] =	ssyncadd.s32 $0xFFFFFFB0  }
0x29: {  	[tilespmem:s21], [sflag:$0x5] =	stream.linear.gather [hbm4b:s15+s14], $0x50, $0x38;
	[tilespmem:$0x1DA80] =	vst v63  }
0x2a: {  	_ =	swait.ge [sflag:s18], $0x50  }
0x2b: {  	[sflag:s18] =	ssyncset.done $0x0  }
0x2c: {  	[sflag:s18] =	ssyncadd.s32 $0xFFFFFFB0  }
0x2d: {  	[tilespmem:s23], [sflag:$0x1] =	stream.indirect.gather [hbm4b:s6+s22], $0x80, s20, s22, $0xb8;
	[tilespmem:$0x1DA80] =	vst v63  }
0x2e: {  	s7 =	simm.s32 $0x0  }
0x2f: {  	[tilespmem:s24], [sflag:$0x2] =	stream.indirect.gather [hbm4b:s6+s22], $0x80, s21, s22, $0xb8;
	[tilespmem:$0x1DA80] =	vst v63  }
.LBB2_2:
0x30: {  	s9 =	smul.u32 $0xA0, s7;
	_ =	sdelay $0x1  }
0x31: {  	s10 =	sadd.s32 s9, s12  }
0x32: {  	s10 =	sshrl.u32 s10, $0x3  }
0x33: {  	s14 =	simm.s32 $0x0;
	s11 =	sadd.s32 s5, s10  }
0x34: {  	[tilespmem:s25], [sflag:$0x5] =	stream.linear.gather [hbm4b:s11+s14], $0x50, $0x38;
	[tilespmem:$0x1DA80] =	vst v63  }
0x35: {  	_ =	swait.ge [sflag:s18], $0x50  }
0x36: {  	[sflag:s18] =	ssyncset.done $0x0  }
0x37: {  	s10 =	sadd.s32 s2, s10;
	[sflag:s18] =	ssyncadd.s32 $0xFFFFFFB0  }
0x38: {  	[tilespmem:s26], [sflag:$0x5] =	stream.linear.gather [hbm4b:s10+s14], $0x50, $0x38;
	[tilespmem:$0x1DA80] =	vst v63  }
0x39: {  	_ =	swait.ge [sflag:s18], $0x50  }
0x3a: {  	[sflag:s18] =	ssyncset.done $0x0  }
0x3b: {  	[sflag:s18] =	ssyncadd.s32 $0xFFFFFFB0  }
0x3c: {  	[tilespmem:s28], [sflag:$0x3] =	stream.indirect.gather [hbm4b:s6+s22], $0x80, s25, s22, $0xb8;
	[tilespmem:$0x1DA80] =	vst v63  }
0x3d: {  	_ = 	snop  }
0x3e: {  	[tilespmem:s29], [sflag:$0x4] =	stream.indirect.gather [hbm4b:s6+s22], $0x80, s26, s22, $0xb8;
	[tilespmem:$0x1DA80] =	vst v63  }
0x3f: {  	_ =	swait.ge [sflag:s30], $0x2800  }
0x40: {  	[sflag:s30] =	ssyncset.done $0x0  }
0x41: {  	[sflag:s30] =	ssyncadd.s32 $0xFFFFD800  }
0x42: {  	_ =	swait.ge [sflag:s31], $0x2800  }
0x43: {  	[sflag:s31] =	ssyncset.done $0x0  }
0x44: {  	s10 =	simm.s32 $0x0;
	[sflag:s31] =	ssyncadd.s32 $0xFFFFD800  }
0x45: {  	v0 =	vld [tilespmem:s10+$0x161D0]  }
0x46: {  	v1 =	vld [tilespmem:s10+$0x139C0];
	_ =	sdelay $0x4  }
0x47: {  	v0 =	vadd.f32 v0, v1;
	_ =	sdelay $0x1  }
0x48: {  	v1 =	vmul.f32 $2.000000030e-01, v0  }
0x49: {  	vm1 =	vge.f32 v0, $0.0e+00  }
0x4a: {  	v0 =	vsel vm1, v0, v1  }
0x4b: {  	v0 =	vmul.f32 $1.442695020e+00, v0;
	_ =	sdelay $0x1  }
0x4c: {  	(erf) = vpow2.f32 v0;
	_ =	sdelay $0x6  }
0x4d: {  	s11 =	simm.s32 $0x80;
	v2 =	vld [tilespmem:s10+$0x13980]  }
0x4e: {  	v4 =	vld [tilespmem:s11+$0x161D0]  }
0x4f: {  	v1 =	vld [tilespmem:s10+$0x139B0];
	v11 =	vpop (erf)  }
0x50: {  	v0 =	vld [tilespmem:s10+$0x139A0];
	v6 =	vbroadcast v11, $0x0;
	v3 =	vbroadcast v11, $0x7;
	[tilespmem:s10+$0x139C0] =	vst v11  }
0x51: {  	v8 =	vbroadcast v11, $0x2;
	v7 =	vbroadcast v11, $0x5;
	v9 =	vld [tilespmem:s11+$0x139C0]  }
0x52: {  	v5 =	vld [tilespmem:s10+$0x13990];
	v13 =	vbroadcast v11, $0x1;
	v10 =	vbroadcast v11, $0x3  }
0x53: {  	s14 =	simm.s32 $0x400;
	v12 =	vbroadcast v11, $0x4;
	v11 =	vbroadcast v11, $0x6  }
.LBB2_3:
0x54: {  	p1 =	sne.s32 s14, $0x9E00;
	v6 =	vsel vm0, v6, v13;
	v8 =	vsel vm0, v8, v10;
	s15 =	smov.u32 s14;
	s14 =	sadd.s32 $0x200, s14  }
0x55: {  	v2 =	vmul.f32 v6, v2;
	v6 =	vsel vm0, v12, v7;
	v3 =	vsel vm0, v11, v3  }
0x56: {  	v4 =	vadd.f32 v4, v9;
	v0 =	vmul.f32 v6, v0;
	v1 =	vmul.f32 v3, v1  }
0x57: {  	[tilespmem:s10+$0x13980] =	vst v2;
	v2 =	vmul.f32 v8, v5  }
0x58: {  	vm1 =	vge.f32 v4, $0.0e+00;
	v3 =	vmul.f32 $2.000000030e-01, v4;
	[tilespmem:s10+$0x139A0] =	vst v0  }
0x59: {  	[tilespmem:s10+$0x13990] =	vst v2  }
0x5a: {  	v0 =	vsel vm1, v4, v3;
	[tilespmem:s10+$0x139B0] =	vst v1;
	s10 =	smov.u32 s11  }
0x5b: {  	v0 =	vmul.f32 $1.442695020e+00, v0;
	_ =	sdelay $0x1  }
0x5c: {  	(erf) = vpow2.f32 v0;
	_ =	sdelay $0x6  }
0x5d: {  	v0 =	vld [tilespmem:s10+$0x139A0]  }
0x5e: {  	v2 =	vld [tilespmem:s10+$0x13980]  }
.Ltmp0:
0x5f: {  	s11 =	sshra.s32 s15, $0x2;
	v1 =	vld [tilespmem:s10+$0x139B0];
	v11 =	vpop (erf);
	(pc) =	sbr.rel @p1 .LBB2_3-.Ltmp0, $4  }
0x60: {  	v4 =	vld [tilespmem:s11+$0x161D0];
	v6 =	vbroadcast v11, $0x0;
	v3 =	vbroadcast v11, $0x7;
	[tilespmem:s10+$0x139C0] =	vst v11  }
0x61: {  	v8 =	vbroadcast v11, $0x2;
	v7 =	vbroadcast v11, $0x5;
	v9 =	vld [tilespmem:s11+$0x139C0]  }
0x62: {  	v13 =	vbroadcast v11, $0x1;
	v10 =	vbroadcast v11, $0x3;
	v5 =	vld [tilespmem:s10+$0x13990]  }
0x63: {  	v12 =	vbroadcast v11, $0x4;
	v11 =	vbroadcast v11, $0x6  }
0x64: {  	_ =	sdelay $0x1  }
0x65: {  	v4 =	vadd.f32 v4, v9;
	_ =	sdelay $0x1  }
0x66: {  	v9 =	vmul.f32 $2.000000030e-01, v4  }
0x67: {  	vm1 =	vge.f32 v4, $0.0e+00  }
0x68: {  	v4 =	vsel vm1, v4, v9  }
0x69: {  	v4 =	vmul.f32 $1.442695020e+00, v4;
	_ =	sdelay $0x1  }
0x6a: {  	(erf) = vpow2.f32 v4;
	_ =	sdelay $0x2  }
0x6b: {  	v6 =	vsel vm0, v6, v13  }
0x6c: {  	v2 =	vmul.f32 v6, v2;
	v3 =	vsel vm0, v11, v3  }
0x6d: {  	v6 =	vsel vm0, v8, v10;
	v1 =	vmul.f32 v3, v1  }
0x6e: {  	[tilespmem:s10+$0x13980] =	vst v2;
	v2 =	vmul.f32 v6, v5;
	v4 =	vsel vm0, v12, v7  }
0x6f: {  	[tilespmem:s10+$0x139B0] =	vst v1;
	v0 =	vmul.f32 v4, v0  }
0x70: {  	[tilespmem:s10+$0x13990] =	vst v2  }
0x71: {  	[tilespmem:s10+$0x139A0] =	vst v0;
	v3 =	vpop (erf)  }
0x72: {  	v1 =	vld [tilespmem:s11+$0x13980];
	v4 =	vbroadcast v3, $0x0;
	v5 =	vbroadcast v3, $0x7  }
0x73: {  	v2 =	vld [tilespmem:s11+$0x139B0];
	v6 =	vbroadcast v3, $0x1;
	v8 =	vbroadcast v3, $0x5  }
0x74: {  	v0 =	vld [tilespmem:s11+$0x139A0];
	v9 =	vbroadcast v3, $0x4;
	v10 =	vbroadcast v3, $0x2  }
0x75: {  	v7 =	vld [tilespmem:s11+$0x13990];
	[tilespmem:s11+$0x139C0] =	vst v3;
	v11 =	vbroadcast v3, $0x3;
	v3 =	vbroadcast v3, $0x6  }
0x76: {  	v4 =	vsel vm0, v4, v6  }
0x77: {  	v3 =	vsel vm0, v3, v5;
	v1 =	vmul.f32 v4, v1  }
0x78: {  	v4 =	vsel vm0, v9, v8;
	v2 =	vmul.f32 v3, v2  }
0x79: {  	v6 =	vsel vm0, v10, v11;
	v0 =	vmul.f32 v4, v0;
	[tilespmem:s11+$0x13980] =	vst v1  }
0x7a: {  	v1 =	vmul.f32 v6, v7;
	[tilespmem:s11+$0x139B0] =	vst v2  }
0x7b: {  	[tilespmem:s11+$0x139A0] =	vst v0  }
0x7c: {  	[tilespmem:s11+$0x13990] =	vst v1  }
0x7d: {  	[spmem:s3] =	stream.indirect.scatter.add.f32 [tilespmem:s23], [sflag:$0x5], $0x80, s21, s22, $0xb8;
	[tilespmem:$0x1DA80] =	vst v63  }
0x7e: {  	s9 =	sadd.s32 s9, s13;
	_ =	swait.ge [sflag:s18], $0x2800  }
0x7f: {  	s9 =	sshrl.u32 s9, $0x3;
	[sflag:s18] =	ssyncset.done $0x0  }
0x80: {  	s15 =	simm.s32 $0x0;
	s14 =	sadd.s32 s5, s9;
	[sflag:s18] =	ssyncadd.s32 $0xFFFFD800  }
0x81: {  	[tilespmem:s20], [sflag:$0x5] =	stream.linear.gather [hbm4b:s14+s15], $0x50, $0x38;
	[tilespmem:$0x1DA80] =	vst v63  }
0x82: {  	_ =	swait.ge [sflag:s18], $0x50  }
0x83: {  	[sflag:s18] =	ssyncset.done $0x0  }
0x84: {  	s9 =	sadd.s32 s2, s9;
	[sflag:s18] =	ssyncadd.s32 $0xFFFFFFB0  }
0x85: {  	[tilespmem:s21], [sflag:$0x5] =	stream.linear.gather [hbm4b:s9+s15], $0x50, $0x38;
	[tilespmem:$0x1DA80] =	vst v63  }
0x86: {  	_ =	swait.ge [sflag:s18], $0x50  }
0x87: {  	[sflag:s18] =	ssyncset.done $0x0  }
0x88: {  	[sflag:s18] =	ssyncadd.s32 $0xFFFFFFB0  }
0x89: {  	[tilespmem:s23], [sflag:$0x1] =	stream.indirect.gather [hbm4b:s6+s22], $0x80, s20, s22, $0xb8;
	[tilespmem:$0x1DA80] =	vst v63  }
0x8a: {  	_ = 	snop  }
0x8b: {  	[tilespmem:s24], [sflag:$0x2] =	stream.indirect.gather [hbm4b:s6+s22], $0x80, s21, s22, $0xb8;
	[tilespmem:$0x1DA80] =	vst v63  }
0x8c: {  	_ =	swait.ge [sflag:s0], $0x2800  }
0x8d: {  	[sflag:s0] =	ssyncset.done $0x0  }
0x8e: {  	[sflag:s0] =	ssyncadd.s32 $0xFFFFD800  }
0x8f: {  	_ =	swait.ge [sflag:s1], $0x2800  }
0x90: {  	[sflag:s1] =	ssyncset.done $0x0  }
0x91: {  	s9 =	simm.s32 $0x0;
	[sflag:s1] =	ssyncadd.s32 $0xFFFFD800  }
0x92: {  	v0 =	vld [tilespmem:s9+$0x1B2D0]  }
0x93: {  	v1 =	vld [tilespmem:s9+$0x18AC0];
	_ =	sdelay $0x4  }
0x94: {  	v0 =	vadd.f32 v0, v1;
	_ =	sdelay $0x1  }
0x95: {  	v1 =	vmul.f32 $2.000000030e-01, v0  }
0x96: {  	vm1 =	vge.f32 v0, $0.0e+00  }
0x97: {  	v0 =	vsel vm1, v0, v1  }
0x98: {  	v0 =	vmul.f32 $1.442695020e+00, v0;
	_ =	sdelay $0x1  }
0x99: {  	(erf) = vpow2.f32 v0;
	_ =	sdelay $0x6  }
0x9a: {  	s10 =	simm.s32 $0x80;
	v2 =	vld [tilespmem:s9+$0x18A80]  }
0x9b: {  	v4 =	vld [tilespmem:s10+$0x1B2D0]  }
0x9c: {  	v1 =	vld [tilespmem:s9+$0x18AB0];
	v11 =	vpop (erf)  }
0x9d: {  	v0 =	vld [tilespmem:s9+$0x18AA0];
	v6 =	vbroadcast v11, $0x0;
	v3 =	vbroadcast v11, $0x7;
	[tilespmem:s9+$0x18AC0] =	vst v11  }
0x9e: {  	v8 =	vbroadcast v11, $0x2;
	v7 =	vbroadcast v11, $0x5;
	v9 =	vld [tilespmem:s10+$0x18AC0]  }
0x9f: {  	v5 =	vld [tilespmem:s9+$0x18A90];
	v13 =	vbroadcast v11, $0x1;
	v10 =	vbroadcast v11, $0x3  }
0xa0: {  	s11 =	simm.s32 $0x400;
	v12 =	vbroadcast v11, $0x4;
	v11 =	vbroadcast v11, $0x6  }
.LBB2_5:
0xa1: {  	p1 =	sne.s32 s11, $0x9E00;
	v6 =	vsel vm0, v6, v13;
	v8 =	vsel vm0, v8, v10;
	s14 =	smov.u32 s11;
	s11 =	sadd.s32 $0x200, s11  }
0xa2: {  	v2 =	vmul.f32 v6, v2;
	v6 =	vsel vm0, v12, v7;
	v3 =	vsel vm0, v11, v3  }
0xa3: {  	v4 =	vadd.f32 v4, v9;
	v0 =	vmul.f32 v6, v0;
	v1 =	vmul.f32 v3, v1  }
0xa4: {  	[tilespmem:s9+$0x18A80] =	vst v2;
	v2 =	vmul.f32 v8, v5  }
0xa5: {  	vm1 =	vge.f32 v4, $0.0e+00;
	v3 =	vmul.f32 $2.000000030e-01, v4;
	[tilespmem:s9+$0x18AA0] =	vst v0  }
0xa6: {  	[tilespmem:s9+$0x18A90] =	vst v2  }
0xa7: {  	v0 =	vsel vm1, v4, v3;
	[tilespmem:s9+$0x18AB0] =	vst v1;
	s9 =	smov.u32 s10  }
0xa8: {  	v0 =	vmul.f32 $1.442695020e+00, v0;
	_ =	sdelay $0x1  }
0xa9: {  	(erf) = vpow2.f32 v0;
	_ =	sdelay $0x6  }
0xaa: {  	v0 =	vld [tilespmem:s9+$0x18AA0]  }
0xab: {  	v2 =	vld [tilespmem:s9+$0x18A80]  }
.Ltmp1:
0xac: {  	s10 =	sshra.s32 s14, $0x2;
	v1 =	vld [tilespmem:s9+$0x18AB0];
	v11 =	vpop (erf);
	(pc) =	sbr.rel @p1 .LBB2_5-.Ltmp1, $4  }
0xad: {  	v4 =	vld [tilespmem:s10+$0x1B2D0];
	v6 =	vbroadcast v11, $0x0;
	v3 =	vbroadcast v11, $0x7;
	[tilespmem:s9+$0x18AC0] =	vst v11  }
0xae: {  	v8 =	vbroadcast v11, $0x2;
	v7 =	vbroadcast v11, $0x5;
	v9 =	vld [tilespmem:s10+$0x18AC0]  }
0xaf: {  	v13 =	vbroadcast v11, $0x1;
	v10 =	vbroadcast v11, $0x3;
	v5 =	vld [tilespmem:s9+$0x18A90]  }
0xb0: {  	v12 =	vbroadcast v11, $0x4;
	v11 =	vbroadcast v11, $0x6  }
0xb1: {  	_ =	sdelay $0x1  }
0xb2: {  	v4 =	vadd.f32 v4, v9;
	_ =	sdelay $0x1  }
0xb3: {  	v9 =	vmul.f32 $2.000000030e-01, v4  }
0xb4: {  	vm1 =	vge.f32 v4, $0.0e+00  }
0xb5: {  	v4 =	vsel vm1, v4, v9  }
0xb6: {  	v4 =	vmul.f32 $1.442695020e+00, v4;
	_ =	sdelay $0x1  }
0xb7: {  	(erf) = vpow2.f32 v4;
	_ =	sdelay $0x1  }
0xb8: {  	v6 =	vsel vm0, v6, v13  }
0xb9: {  	v2 =	vmul.f32 v6, v2;
	v49 =	vsel vm0, v12, v7  }
0xba: {  	v3 =	vsel vm0, v11, v3;
	v0 =	vmul.f32 v49, v0  }
0xbb: {  	v50 =	vsel vm0, v8, v10;
	v1 =	vmul.f32 v3, v1;
	[tilespmem:s9+$0x18A80] =	vst v2  }
0xbc: {  	v51 =	vmul.f32 v50, v5;
	[tilespmem:s9+$0x18AA0] =	vst v0  }
0xbd: {  	[tilespmem:s9+$0x18AB0] =	vst v1  }
0xbe: {  	[tilespmem:s9+$0x18A90] =	vst v51  }
0xbf: {  	v1 =	vld [tilespmem:s10+$0x18A80];
	v52 =	vpop (erf)  }
0xc0: {  	v0 =	vld [tilespmem:s10+$0x18AA0];
	v53 =	vbroadcast v52, $0x0  }
0xc1: {  	v56 =	vld [tilespmem:s10+$0x18A90];
	v54 =	vbroadcast v52, $0x7;
	v55 =	vbroadcast v52, $0x1  }
0xc2: {  	v2 =	vld [tilespmem:s10+$0x18AB0];
	v57 =	vbroadcast v52, $0x5;
	v58 =	vbroadcast v52, $0x4  }
0xc3: {  	v59 =	vbroadcast v52, $0x2;
	v60 =	vbroadcast v52, $0x3;
	v4 =	vsel vm0, v53, v55  }
0xc4: {  	v3 =	vbroadcast v52, $0x6;
	v61 =	vsel vm0, v58, v57;
	v1 =	vmul.f32 v4, v1  }
0xc5: {  	[tilespmem:s10+$0x18AC0] =	vst v52;
	v62 =	vsel vm0, v59, v60;
	v0 =	vmul.f32 v61, v0  }
0xc6: {  	v3 =	vsel vm0, v3, v54;
	v63 =	vmul.f32 v62, v56;
	[tilespmem:s10+$0x18A80] =	vst v1  }
0xc7: {  	s7 =	sadd.s32 $0x1, s7;
	v2 =	vmul.f32 v3, v2;
	[tilespmem:s10+$0x18AA0] =	vst v0  }
0xc8: {  	p1 =	sne.s32 s7, $0x3E;
	[tilespmem:s10+$0x18A90] =	vst v63  }
.Ltmp2:
0xc9: {  	[tilespmem:s10+$0x18AB0] =	vst v2;
	(pc) =	sbr.rel @p1 .LBB2_2-.Ltmp2, $4  }
0xca: {  	[spmem:s3] =	stream.indirect.scatter.add.f32 [tilespmem:s28], [sflag:$0x5], $0x80, s26, s22, $0xb8;
	[tilespmem:$0x1DA80] =	vst v63  }
0xcb: {  	_ =	swait.ge [sflag:s18], $0x2800  }
0xcc: {  	[sflag:s18] =	ssyncset.done $0x0  }
0xcd: {  	[sflag:s18] =	ssyncadd.s32 $0xFFFFD800  }
0xce: {  	_ =	swait.ge [sflag:s30], $0x2800  }
0xcf: {  	[sflag:s30] =	ssyncset.done $0x0  }
0xd0: {  	[sflag:s30] =	ssyncadd.s32 $0xFFFFD800  }
0xd1: {  	_ =	swait.ge [sflag:s31], $0x2800  }
0xd2: {  	[sflag:s31] =	ssyncset.done $0x0  }
0xd3: {  	s7 =	simm.s32 $0x0;
	[sflag:s31] =	ssyncadd.s32 $0xFFFFD800  }
0xd4: {  	v0 =	vld [tilespmem:s7+$0x161D0]  }
0xd5: {  	v1 =	vld [tilespmem:s7+$0x139C0];
	_ =	sdelay $0x4  }
0xd6: {  	v0 =	vadd.f32 v0, v1;
	_ =	sdelay $0x1  }
0xd7: {  	v1 =	vmul.f32 $2.000000030e-01, v0  }
0xd8: {  	vm1 =	vge.f32 v0, $0.0e+00  }
0xd9: {  	v0 =	vsel vm1, v0, v1  }
0xda: {  	v0 =	vmul.f32 $1.442695020e+00, v0;
	_ =	sdelay $0x1  }
0xdb: {  	(erf) = vpow2.f32 v0;
	_ =	sdelay $0x6  }
0xdc: {  	s9 =	simm.s32 $0x80;
	v2 =	vld [tilespmem:s7+$0x13980]  }
0xdd: {  	v4 =	vld [tilespmem:s9+$0x161D0]  }
0xde: {  	v1 =	vld [tilespmem:s7+$0x139B0];
	v11 =	vpop (erf)  }
0xdf: {  	v0 =	vld [tilespmem:s7+$0x139A0];
	v6 =	vbroadcast v11, $0x0;
	v3 =	vbroadcast v11, $0x7;
	[tilespmem:s7+$0x139C0] =	vst v11  }
0xe0: {  	v8 =	vbroadcast v11, $0x2;
	v7 =	vbroadcast v11, $0x5;
	v9 =	vld [tilespmem:s9+$0x139C0]  }
0xe1: {  	v5 =	vld [tilespmem:s7+$0x13990];
	v13 =	vbroadcast v11, $0x1;
	v10 =	vbroadcast v11, $0x3  }
0xe2: {  	s10 =	simm.s32 $0x400;
	v12 =	vbroadcast v11, $0x4;
	v11 =	vbroadcast v11, $0x6  }
.LBB2_8:
0xe3: {  	p1 =	sne.s32 s10, $0x9E00;
	v6 =	vsel vm0, v6, v13;
	v8 =	vsel vm0, v8, v10;
	s11 =	smov.u32 s10;
	s10 =	sadd.s32 $0x200, s10  }
0xe4: {  	v2 =	vmul.f32 v6, v2;
	v6 =	vsel vm0, v12, v7;
	v3 =	vsel vm0, v11, v3  }
0xe5: {  	v4 =	vadd.f32 v4, v9;
	v0 =	vmul.f32 v6, v0;
	v1 =	vmul.f32 v3, v1  }
0xe6: {  	[tilespmem:s7+$0x13980] =	vst v2;
	v2 =	vmul.f32 v8, v5  }
0xe7: {  	vm1 =	vge.f32 v4, $0.0e+00;
	v3 =	vmul.f32 $2.000000030e-01, v4;
	[tilespmem:s7+$0x139A0] =	vst v0  }
0xe8: {  	[tilespmem:s7+$0x13990] =	vst v2  }
0xe9: {  	v0 =	vsel vm1, v4, v3;
	[tilespmem:s7+$0x139B0] =	vst v1;
	s7 =	smov.u32 s9  }
0xea: {  	v0 =	vmul.f32 $1.442695020e+00, v0;
	_ =	sdelay $0x1  }
0xeb: {  	(erf) = vpow2.f32 v0;
	_ =	sdelay $0x6  }
0xec: {  	v0 =	vld [tilespmem:s7+$0x139A0]  }
0xed: {  	v2 =	vld [tilespmem:s7+$0x13980]  }
.Ltmp3:
0xee: {  	s9 =	sshra.s32 s11, $0x2;
	v1 =	vld [tilespmem:s7+$0x139B0];
	v11 =	vpop (erf);
	(pc) =	sbr.rel @p1 .LBB2_8-.Ltmp3, $4  }
0xef: {  	v4 =	vld [tilespmem:s9+$0x161D0];
	v6 =	vbroadcast v11, $0x0;
	v3 =	vbroadcast v11, $0x7;
	[tilespmem:s7+$0x139C0] =	vst v11  }
0xf0: {  	v8 =	vbroadcast v11, $0x2;
	v7 =	vbroadcast v11, $0x5;
	v9 =	vld [tilespmem:s9+$0x139C0]  }
0xf1: {  	v13 =	vbroadcast v11, $0x1;
	v10 =	vbroadcast v11, $0x3;
	v5 =	vld [tilespmem:s7+$0x13990]  }
0xf2: {  	v12 =	vbroadcast v11, $0x4;
	v11 =	vbroadcast v11, $0x6  }
0xf3: {  	_ =	sdelay $0x1  }
0xf4: {  	v4 =	vadd.f32 v4, v9;
	_ =	sdelay $0x1  }
0xf5: {  	v9 =	vmul.f32 $2.000000030e-01, v4  }
0xf6: {  	vm1 =	vge.f32 v4, $0.0e+00  }
0xf7: {  	v4 =	vsel vm1, v4, v9  }
0xf8: {  	v4 =	vmul.f32 $1.442695020e+00, v4;
	_ =	sdelay $0x1  }
0xf9: {  	(erf) = vpow2.f32 v4;
	_ =	sdelay $0x1  }
0xfa: {  	v6 =	vsel vm0, v6, v13  }
0xfb: {  	v2 =	vmul.f32 v6, v2;
	v49 =	vsel vm0, v12, v7  }
0xfc: {  	v3 =	vsel vm0, v11, v3;
	v0 =	vmul.f32 v49, v0  }
0xfd: {  	v50 =	vsel vm0, v8, v10;
	v1 =	vmul.f32 v3, v1;
	[tilespmem:s7+$0x13980] =	vst v2  }
0xfe: {  	v51 =	vmul.f32 v50, v5;
	[tilespmem:s7+$0x139A0] =	vst v0  }
0xff: {  	[tilespmem:s7+$0x139B0] =	vst v1  }
0x100: {  	[tilespmem:s7+$0x13990] =	vst v51  }
0x101: {  	v1 =	vld [tilespmem:s9+$0x13980];
	v52 =	vpop (erf)  }
0x102: {  	v0 =	vld [tilespmem:s9+$0x139A0];
	v53 =	vbroadcast v52, $0x0  }
0x103: {  	v56 =	vld [tilespmem:s9+$0x13990];
	v54 =	vbroadcast v52, $0x7;
	v55 =	vbroadcast v52, $0x1  }
0x104: {  	v2 =	vld [tilespmem:s9+$0x139B0];
	v57 =	vbroadcast v52, $0x5;
	v58 =	vbroadcast v52, $0x4  }
0x105: {  	v59 =	vbroadcast v52, $0x2;
	v60 =	vbroadcast v52, $0x3;
	v4 =	vsel vm0, v53, v55  }
0x106: {  	v3 =	vbroadcast v52, $0x6;
	v61 =	vsel vm0, v58, v57;
	v1 =	vmul.f32 v4, v1  }
0x107: {  	[tilespmem:s9+$0x139C0] =	vst v52;
	v62 =	vsel vm0, v59, v60;
	v0 =	vmul.f32 v61, v0  }
0x108: {  	v3 =	vsel vm0, v3, v54;
	v63 =	vmul.f32 v62, v56;
	[tilespmem:s9+$0x13980] =	vst v1  }
0x109: {  	v2 =	vmul.f32 v3, v2;
	[tilespmem:s9+$0x139A0] =	vst v0  }
0x10a: {  	[tilespmem:s9+$0x13990] =	vst v63  }
0x10b: {  	[tilespmem:s9+$0x139B0] =	vst v2  }
0x10c: {  	[spmem:s3] =	stream.indirect.scatter.add.f32 [tilespmem:s23], [sflag:$0x5], $0x80, s21, s22, $0xb8;
	[tilespmem:$0x1DA80] =	vst v63  }
0x10d: {  	_ =	swait.ge [sflag:s18], $0x2800  }
0x10e: {  	[sflag:s18] =	ssyncset.done $0x0  }
0x10f: {  	[sflag:s18] =	ssyncadd.s32 $0xFFFFD800  }
0x110: {  	[bflag:$0x0] =	sbarrier.arrive $0xFFFF  }
0x111: {  	s15 =	rddreg [dreg:$0x8]  }
0x112: {  	[hbm:s15], [sflag:s8] =	dma.local [spmem:s17], $0x2700  }
0x113: {  	_ =	swait.ge [sflag:s18], $0x2700  }
0x114: {  	s4 =	sadd.s32 $0x1, s4;
	[sflag:s18] =	ssyncset.done $0x0  }
0x115: {  	p1 =	sne.s32 s4, s16;
	s7 =	rddreg [dreg:$0x9];
	[sflag:s18] =	ssyncadd.s32 $0xFFFFD900  }
0x116: {  	[hbm:s7], [sflag:s8] =	dma.local @!p0 [spmem:s19], $0x100  }
.Ltmp4:
0x117: {  	_ = 	snop;
	(pc) =	sbr.rel @p1 .LBB2_1-.Ltmp4, $4  }
0x118: {  	s7 =	simm.s32 @!p0 $0x5  }
0x119: {  	_ =	swait.ge @!p0 [sflag:s7], $0x100  }
0x11a: {  	[sflag:s7] =	ssyncset.done @!p0 $0x0  }
0x11b: {  	[sflag:s7] =	ssyncadd.s32 @!p0 $0xFFFFFF00  }
0x11c: {  	_ =	sfence.sel $0x180000  }
0x11d: {  	[bflag:$0x0] =	sbarrier.arrive $0xFFFF  }
0x11e: {  	_ =	strace $0x90000047  }
0x11f: {  	s0 =	stileid.u32;
	[bflag:$0x2] =	sbarrier.arrive $0xFFFF  }
0x120: {  	p0 =	sne.s32 s0, $0x0;
	s0 =	rddreg [dreg:$0x3]  }
0x121: {  	s0 =	sadd.s32 @!p0 $0x100000, s0  }
0x122: {  	[sflag:s0] =	ssyncadd.tile.s32 @!p0 $0x1;
	_ =	shalt  }
.Lfunc_end2:
_tile_overlayer_lowered:
.L_overlay_start_2:
0x123: {  	(tag) =	ssettag $0x2  }
0x124: {  	s0 =	rddreg [dreg:$0x0];
	s2 =	stileid.u32  }
0x125: {  	s1 =	rddreg [dreg:$0x1];
	p0 =	sne.s32 s2, $0x0  }
0x126: {  	s3 =	rddreg [dreg:$0x2];
	[bflag:$0x3] =	sbarrier.arrive $0xFFFF;
	s2 =	simm.s32 @!p0 $0x1C05  }
0x127: {  	[timem:s3], [sflag:s2] =	dma.local @!p0 [hbm:s0], s1  }
0x128: {  	s0 =	simm.s32 @!p0 $0x5  }
0x129: {  	_ =	swait.ge @!p0 [sflag:s0], s1  }
0x12a: {  	s1 =	ssub.s32 @!p0 $0x0, s1;
	[sflag:s0] =	ssyncset.done @!p0 $0x0  }
0x12b: {  	[sflag:s0] =	ssyncadd.s32 @!p0 s1  }
0x12c: {  	[bflag:$0x3] =	sbarrier.arrive $0xFFFF  }
0x12d: {  	_ =	shalt  }

</sc_bundles>
